<compile_context>
chip_gen: v7x
topology: tpu7x:2x2x1
jax: 0.10.2.dev20260603
libtpu: 0.0.44.dev20260713+nightly
codegen_flags: <defaults>
</compile_context>

<pallas_src>
import functools

import jax
import jax.numpy as jnp
from jax import lax
from jax.experimental import pallas as pl
from jax.experimental.pallas import tpu as pltpu
from jax.experimental.pallas import tpu_sc as plsc

N = 100000
NC, NS, L = 2, 16, 16
NW = NC * NS
SEG = 208
WPS = SEG // L
NSEG = NW * L
NP = NSEG * SEG
NWIN = NSEG * WPS
CHUNK = SEG * L
NU = 4096
UPW = NU // NW
UVR = UPW // L
SEG_STEPS = 9
WIN_STEPS = 4
POS_STEPS = 4

_mesh = plsc.VectorSubcoreMesh(
    core_axis_name="c", subcore_axis_name="s", num_cores=NC, num_subcores=NS
)
_params = pltpu.CompilerParams(
    needs_layout_passes=False, use_tc_tiling_on_sc=False
)


def _wid():
    return lax.axis_index("s") * NC + lax.axis_index("c")


def _scan_body(x_ref, o_ref, w_ref, t_ref):
    ri = lax.broadcasted_iota(jnp.int32, (SEG, SEG), 0)
    ci = lax.broadcasted_iota(jnp.int32, (SEG, SEG), 1)
    tri = jnp.where(ri <= ci, jnp.float32(1.0), jnp.float32(0.0))
    x = jnp.dot(x_ref[...], tri, preferred_element_type=jnp.float32)
    o_ref[...] = x
    w_ref[...] = x.reshape(NSEG, WPS, L)[:, :, L - 1]
    t_ref[...] = x[:, SEG - 1]


_tc_scan = pl.pallas_call(
    _scan_body,
    out_shape=(
        jax.ShapeDtypeStruct((NSEG, SEG), jnp.float32),
        jax.ShapeDtypeStruct((NSEG, WPS), jnp.float32),
        jax.ShapeDtypeStruct((NSEG,), jnp.float32),
    ),
)


@functools.partial(
    pl.kernel,
    out_type=jax.ShapeDtypeStruct((NU,), jnp.int32),
    mesh=_mesh,
    compiler_params=_params,
    scratch_types=[
        pltpu.VMEM((NSEG,), jnp.float32),
        pltpu.VMEM((NSEG,), jnp.float32),
        pltpu.VMEM((NSEG,), jnp.float32),
        pltpu.VMEM((NWIN,), jnp.float32),
        pltpu.VMEM((UPW,), jnp.float32),
        pltpu.VMEM((2, UPW // 2), jnp.int32),
        pltpu.VMEM((2, UPW // 2, L), jnp.float32),
        pltpu.VMEM((UPW,), jnp.int32),
        pltpu.SemaphoreType.DMA,
        pltpu.SemaphoreType.DMA,
    ],
)
def _search(lcdfw_hbm, win_hbm, segtot_hbm, u_hbm, out_hbm,
            sb_v, gseg_v, gexc_v, win_v, u_v, widx_v, rows_v, out_v,
            sem, sem2):
    w = _wid()
    cps = (
        pltpu.async_copy(segtot_hbm, sb_v, sem),
        pltpu.async_copy(win_hbm, win_v, sem),
        pltpu.async_copy(u_hbm.at[pl.ds(w * UPW, UPW)], u_v, sem),
    )
    for cp in cps:
        cp.wait()

    carry = jnp.float32(0.0)
    for r in range(NSEG // L):
        v = sb_v[pl.ds(r * L, L)]
        cinc = plsc.cumsum(v) + carry
        gseg_v[pl.ds(r * L, L)] = cinc
        gexc_v[pl.ds(r * L, L)] = cinc - v
        carry = cinc[L - 1]
    total = carry

    ii = lax.iota(jnp.int32, L)
    HB = UVR // 2

    def _levels12(jset):
        ts = {j: u_v[pl.ds(j * L, L)] * total for j in jset}
        los = {j: jnp.zeros((L,), jnp.int32) for j in jset}
        his = {j: jnp.full((L,), NSEG - 1, jnp.int32) for j in jset}
        for _ in range(SEG_STEPS):
            for j in jset:
                mid = lax.shift_right_logical(los[j] + his[j], 1)
                g = plsc.load_gather(gseg_v, [mid])
                left = ts[j] <= g
                los[j] = jnp.where(left, los[j], mid + 1)
                his[j] = jnp.where(left, mid, his[j])
        tts, bases = {}, {}
        for j in jset:
            s = los[j]
            tts[j] = ts[j] - plsc.load_gather(gexc_v, [s])
            bases[j] = s * WPS
            los[j] = jnp.zeros((L,), jnp.int32)
            his[j] = jnp.full((L,), WPS - 1, jnp.int32)
        for _ in range(WIN_STEPS):
            for j in jset:
                mid = lax.shift_right_logical(los[j] + his[j], 1)
                g = plsc.load_gather(win_v, [bases[j] + mid])
                left = tts[j] <= g
                los[j] = jnp.where(left, los[j], mid + 1)
                his[j] = jnp.where(left, mid, his[j])
        widxs = {}
        for j in jset:
            widxs[j] = bases[j] + los[j]
            widx_v[j // HB, pl.ds((j % HB) * L, L)] = widxs[j]
        return tts, widxs

    def _level3(jset, tts, widxs, h):
        los = {j: jnp.zeros((L,), jnp.int32) for j in jset}
        his = {j: jnp.full((L,), L - 1, jnp.int32) for j in jset}
        hv = jnp.full((L,), h, jnp.int32)
        for _ in range(POS_STEPS):
            for j in jset:
                mid = lax.shift_right_logical(los[j] + his[j], 1)
                c = plsc.load_gather(
                    rows_v, [hv, ii + (j % HB) * L, mid]
                )
                left = tts[j] <= c
                los[j] = jnp.where(left, los[j], mid + 1)
                his[j] = jnp.where(left, mid, his[j])
        for j in jset:
            out_v[pl.ds(j * L, L)] = jnp.minimum(widxs[j] * L + los[j], N)

    set_a = range(0, HB)
    set_b = range(HB, UVR)
    tts_a, widxs_a = _levels12(set_a)
    cp_a = pltpu.async_copy(lcdfw_hbm.at[widx_v.at[0]], rows_v.at[0], sem)
    tts_b, widxs_b = _levels12(set_b)
    cp_b = pltpu.async_copy(lcdfw_hbm.at[widx_v.at[1]], rows_v.at[1], sem2)
    cp_a.wait()
    _level3(set_a, tts_a, widxs_a, 0)
    cp_b.wait()
    _level3(set_b, tts_b, widxs_b, 1)
    pltpu.sync_copy(out_v, out_hbm.at[pl.ds(w * UPW, UPW)])


def kernel(probs, x):
    dims = tuple(x.shape[:-1]) + (1,)
    n = 1
    for d in dims:
        n *= d
    assert n == NU and probs.shape == (N,)
    pp = jnp.concatenate(
        [probs.astype(jnp.float32), jnp.zeros((NP - N,), jnp.float32)]
    ).reshape(NSEG, SEG)
    u = jax.random.uniform(jax.random.key(42), (n,), dtype=jnp.float32)
    lcdf, win, segtot = _tc_scan(pp)
    samples = _search(lcdf.reshape(NWIN, L), win.reshape(NWIN), segtot, u)
    return samples.reshape(dims)

# --- scband reference (transcript-rebuilt; emitter-appended) ---
"""Pipeline reference for scband-constant-5832565588248 (READ-ONLY COPY).

The authoritative reference and input builder live on the scoring server;
editing this copy changes nothing except your own understanding.
"""

import jax, jax.numpy as jnp
import numpy as np


def setup_inputs(seed: int = 0) -> dict:
    key = jax.random.key(seed)
    k1, _ = jax.random.split(key)
    x = jax.random.normal(k1, (128, 32, 2048), dtype=jnp.float32)
    # learned parameter: categorical probs, initialized to uniform like torch (ones(size)/size)
    probs = jnp.ones((100000,), dtype=jnp.float32) / 100000.0
    return {"probs": probs, "x": x}


def reference(probs, x):
    # dims = x.shape[:-1] + (1,)
    dims = tuple(x.shape[:-1]) + (1,)
    n = int(np.prod(dims))
    # torch.multinomial(probs, num_samples=n, replacement=True)
    # implemented via inverse-CDF sampling: cumsum + searchsorted
    p = probs / jnp.sum(probs)
    cdf = jnp.cumsum(p)
    u = jax.random.uniform(jax.random.key(42), (n,), dtype=jnp.float32)
    samples = jnp.searchsorted(cdf, u)
    return samples.reshape(dims)

if __name__ == "__main__":
    import jax
    _d = setup_inputs()
    print(jax.jit(kernel)(*tuple(_d.values())))

</pallas_src>

<mosaic_0001>
#map = affine_map<(d0, d1) -> (0, 0)>
#map1 = affine_map<(d0, d1) -> (0)>
module attributes {stable_mosaic.version = 14 : i64} {
  func.func @_search(%arg0: i32, %arg1: i32, %arg2: memref<6656x16xf32, #tpu.memory_space<hbm>>, %arg3: memref<6656xf32, #tpu.memory_space<hbm>>, %arg4: memref<512xf32, #tpu.memory_space<hbm>>, %arg5: memref<4096xf32, #tpu.memory_space<hbm>>, %arg6: memref<4096xi32, #tpu.memory_space<hbm>>, %arg7: memref<512xf32, #tpu.memory_space<vmem>>, %arg8: memref<512xf32, #tpu.memory_space<vmem>>, %arg9: memref<512xf32, #tpu.memory_space<vmem>>, %arg10: memref<6656xf32, #tpu.memory_space<vmem>>, %arg11: memref<128xf32, #tpu.memory_space<vmem>>, %arg12: memref<2x64xi32, #tpu.memory_space<vmem>>, %arg13: memref<2x64x16xf32, #tpu.memory_space<vmem>>, %arg14: memref<128xi32, #tpu.memory_space<vmem>>, %arg15: memref<!tpu.dma_semaphore, #tpu.memory_space<semaphore_mem>>, %arg16: memref<!tpu.dma_semaphore, #tpu.memory_space<semaphore_mem>>) attributes {dimension_semantics = [#tpu.dimension_semantics<core_parallel>, #tpu.dimension_semantics<subcore_parallel>], iteration_bounds = array<i64: 2, 16>, scalar_prefetch = 0 : i64, scratch_operands = 10 : i64, tpu.core_type = #tpu.core_type<sc_vector_subcore>, window_params = [{transform_indices = #map}, {transform_indices = #map1}, {transform_indices = #map1}, {transform_indices = #map1}, {transform_indices = #map1}]} {
    %mul3A = arith.constant 2 : i32
    %mul3A_0 = arith.muli %arg1, %mul3A : i32
    %add3A = arith.addi %mul3A_0, %arg0 : i32
    tpu.enqueue_dma source(%arg4 : memref<512xf32, #tpu.memory_space<hbm>>) target(%arg7 : memref<512xf32, #tpu.memory_space<vmem>>) target_semaphore(%arg15 : memref<!tpu.dma_semaphore, #tpu.memory_space<semaphore_mem>>)
    tpu.enqueue_dma source(%arg3 : memref<6656xf32, #tpu.memory_space<hbm>>) target(%arg10 : memref<6656xf32, #tpu.memory_space<vmem>>) target_semaphore(%arg15 : memref<!tpu.dma_semaphore, #tpu.memory_space<semaphore_mem>>)
    %mul3A_1 = arith.constant 128 : i32
    %mul3A_2 = arith.muli %add3A, %mul3A_1 : i32
    %dma_start3A = tpu.memref_slice %arg5[%mul3A_2] : memref<4096xf32, #tpu.memory_space<hbm>> -> memref<128xf32, #tpu.memory_space<hbm>>
    %dma_start3A_3 = tpu.memref_slice %arg5[%mul3A_2] : memref<4096xf32, #tpu.memory_space<hbm>> -> memref<128xf32, #tpu.memory_space<hbm>>
    tpu.enqueue_dma source(%dma_start3A_3 : memref<128xf32, #tpu.memory_space<hbm>>) target(%arg11 : memref<128xf32, #tpu.memory_space<vmem>>) target_semaphore(%arg15 : memref<!tpu.dma_semaphore, #tpu.memory_space<semaphore_mem>>)
    tpu.wait_dma2 semaphore(%arg15 : memref<!tpu.dma_semaphore, #tpu.memory_space<semaphore_mem>>) src(%arg4 : memref<512xf32, #tpu.memory_space<hbm>>) dst(%arg7 : memref<512xf32, #tpu.memory_space<vmem>>)
    tpu.wait_dma2 semaphore(%arg15 : memref<!tpu.dma_semaphore, #tpu.memory_space<semaphore_mem>>) src(%arg3 : memref<6656xf32, #tpu.memory_space<hbm>>) dst(%arg10 : memref<6656xf32, #tpu.memory_space<vmem>>)
    %dma_wait3A = tpu.memref_slice %arg5[%mul3A_2] : memref<4096xf32, #tpu.memory_space<hbm>> -> memref<128xf32, #tpu.memory_space<hbm>>
    %dma_wait3A_4 = tpu.memref_slice %arg5[%mul3A_2] : memref<4096xf32, #tpu.memory_space<hbm>> -> memref<128xf32, #tpu.memory_space<hbm>>
    tpu.wait_dma2 semaphore(%arg15 : memref<!tpu.dma_semaphore, #tpu.memory_space<semaphore_mem>>) src(%dma_wait3A_4 : memref<128xf32, #tpu.memory_space<hbm>>) dst(%arg11 : memref<128xf32, #tpu.memory_space<vmem>>)
    %get3A = arith.constant 0 : index
    %get3A_5 = tpu.vector_load %arg7[%get3A] {strides = array<i32>} : memref<512xf32, #tpu.memory_space<vmem>>, vector<16xf32>,
    %broadcast_in_dim3A = arith.constant true
    %broadcast_in_dim3A_6 = vector.broadcast %broadcast_in_dim3A : i1 to vector<16xi1>
    %masked_cumsum3A = tpu.scan <sum>, %get3A_5 masked %broadcast_in_dim3A_6 : vector<16xf32>, vector<16xi1> -> vector<16xf32>
    %add3A_7 = arith.constant 0.000000e+00 : f32
    %add3A_8 = vector.broadcast %add3A_7 : f32 to vector<16xf32>
    %add3A_9 = arith.addf %masked_cumsum3A, %add3A_8 : vector<16xf32>
    %swap3A = arith.constant 0 : index
    %swap3A_10 = tpu.vector_load %arg8[%swap3A] {strides = array<i32>} : memref<512xf32, #tpu.memory_space<vmem>>, vector<16xf32>,
    tpu.vector_store %arg8[%swap3A], %add3A_9 {strides = array<i32>} : memref<512xf32, #tpu.memory_space<vmem>>, vector<16xf32>,
    %sub3A = arith.subf %add3A_9, %get3A_5 : vector<16xf32>
    %swap3A_11 = arith.constant 0 : index
    %swap3A_12 = tpu.vector_load %arg9[%swap3A_11] {strides = array<i32>} : memref<512xf32, #tpu.memory_space<vmem>>, vector<16xf32>,
    tpu.vector_store %arg9[%swap3A_11], %sub3A {strides = array<i32>} : memref<512xf32, #tpu.memory_space<vmem>>, vector<16xf32>,
    %slice3A = vector.extract_strided_slice %add3A_9 {offsets = [15], sizes = [1], strides = [1]} : vector<16xf32> to vector<1xf32>
    %squeeze3A = vector.extract %slice3A[0] : f32 from vector<1xf32>
    %get3A_13 = arith.constant 16 : index
    %get3A_14 = tpu.vector_load %arg7[%get3A_13] {strides = array<i32>} : memref<512xf32, #tpu.memory_space<vmem>>, vector<16xf32>,
    %broadcast_in_dim3A_15 = arith.constant true
    %broadcast_in_dim3A_16 = vector.broadcast %broadcast_in_dim3A_15 : i1 to vector<16xi1>
    %masked_cumsum3A_17 = tpu.scan <sum>, %get3A_14 masked %broadcast_in_dim3A_16 : vector<16xf32>, vector<16xi1> -> vector<16xf32>
    %add3A_18 = vector.broadcast %squeeze3A : f32 to vector<16xf32>
    %add3A_19 = arith.addf %masked_cumsum3A_17, %add3A_18 : vector<16xf32>
    %swap3A_20 = arith.constant 16 : index
    %swap3A_21 = tpu.vector_load %arg8[%swap3A_20] {strides = array<i32>} : memref<512xf32, #tpu.memory_space<vmem>>, vector<16xf32>,
    tpu.vector_store %arg8[%swap3A_20], %add3A_19 {strides = array<i32>} : memref<512xf32, #tpu.memory_space<vmem>>, vector<16xf32>,
    %sub3A_22 = arith.subf %add3A_19, %get3A_14 : vector<16xf32>
    %swap3A_23 = arith.constant 16 : index
    %swap3A_24 = tpu.vector_load %arg9[%swap3A_23] {strides = array<i32>} : memref<512xf32, #tpu.memory_space<vmem>>, vector<16xf32>,
    tpu.vector_store %arg9[%swap3A_23], %sub3A_22 {strides = array<i32>} : memref<512xf32, #tpu.memory_space<vmem>>, vector<16xf32>,
    %slice3A_25 = vector.extract_strided_slice %add3A_19 {offsets = [15], sizes = [1], strides = [1]} : vector<16xf32> to vector<1xf32>
    %squeeze3A_26 = vector.extract %slice3A_25[0] : f32 from vector<1xf32>
    %get3A_27 = arith.constant 32 : index
    %get3A_28 = tpu.vector_load %arg7[%get3A_27] {strides = array<i32>} : memref<512xf32, #tpu.memory_space<vmem>>, vector<16xf32>,
    %broadcast_in_dim3A_29 = arith.constant true
    %broadcast_in_dim3A_30 = vector.broadcast %broadcast_in_dim3A_29 : i1 to vector<16xi1>
    %masked_cumsum3A_31 = tpu.scan <sum>, %get3A_28 masked %broadcast_in_dim3A_30 : vector<16xf32>, vector<16xi1> -> vector<16xf32>
    %add3A_32 = vector.broadcast %squeeze3A_26 : f32 to vector<16xf32>
    %add3A_33 = arith.addf %masked_cumsum3A_31, %add3A_32 : vector<16xf32>
    %swap3A_34 = arith.constant 32 : index
    %swap3A_35 = tpu.vector_load %arg8[%swap3A_34] {strides = array<i32>} : memref<512xf32, #tpu.memory_space<vmem>>, vector<16xf32>,
    tpu.vector_store %arg8[%swap3A_34], %add3A_33 {strides = array<i32>} : memref<512xf32, #tpu.memory_space<vmem>>, vector<16xf32>,
    %sub3A_36 = arith.subf %add3A_33, %get3A_28 : vector<16xf32>
    %swap3A_37 = arith.constant 32 : index
    %swap3A_38 = tpu.vector_load %arg9[%swap3A_37] {strides = array<i32>} : memref<512xf32, #tpu.memory_space<vmem>>, vector<16xf32>,
    tpu.vector_store %arg9[%swap3A_37], %sub3A_36 {strides = array<i32>} : memref<512xf32, #tpu.memory_space<vmem>>, vector<16xf32>,
    %slice3A_39 = vector.extract_strided_slice %add3A_33 {offsets = [15], sizes = [1], strides = [1]} : vector<16xf32> to vector<1xf32>
    %squeeze3A_40 = vector.extract %slice3A_39[0] : f32 from vector<1xf32>
    %get3A_41 = arith.constant 48 : index
    %get3A_42 = tpu.vector_load %arg7[%get3A_41] {strides = array<i32>} : memref<512xf32, #tpu.memory_space<vmem>>, vector<16xf32>,
    %broadcast_in_dim3A_43 = arith.constant true
    %broadcast_in_dim3A_44 = vector.broadcast %broadcast_in_dim3A_43 : i1 to vector<16xi1>
    %masked_cumsum3A_45 = tpu.scan <sum>, %get3A_42 masked %broadcast_in_dim3A_44 : vector<16xf32>, vector<16xi1> -> vector<16xf32>
    %add3A_46 = vector.broadcast %squeeze3A_40 : f32 to vector<16xf32>
    %add3A_47 = arith.addf %masked_cumsum3A_45, %add3A_46 : vector<16xf32>
    %swap3A_48 = arith.constant 48 : index
    %swap3A_49 = tpu.vector_load %arg8[%swap3A_48] {strides = array<i32>} : memref<512xf32, #tpu.memory_space<vmem>>, vector<16xf32>,
    tpu.vector_store %arg8[%swap3A_48], %add3A_47 {strides = array<i32>} : memref<512xf32, #tpu.memory_space<vmem>>, vector<16xf32>,
    %sub3A_50 = arith.subf %add3A_47, %get3A_42 : vector<16xf32>
    %swap3A_51 = arith.constant 48 : index
    %swap3A_52 = tpu.vector_load %arg9[%swap3A_51] {strides = array<i32>} : memref<512xf32, #tpu.memory_space<vmem>>, vector<16xf32>,
    tpu.vector_store %arg9[%swap3A_51], %sub3A_50 {strides = array<i32>} : memref<512xf32, #tpu.memory_space<vmem>>, vector<16xf32>,
    %slice3A_53 = vector.extract_strided_slice %add3A_47 {offsets = [15], sizes = [1], strides = [1]} : vector<16xf32> to vector<1xf32>
    %squeeze3A_54 = vector.extract %slice3A_53[0] : f32 from vector<1xf32>
    %get3A_55 = arith.constant 64 : index
    %get3A_56 = tpu.vector_load %arg7[%get3A_55] {strides = array<i32>} : memref<512xf32, #tpu.memory_space<vmem>>, vector<16xf32>,
    %broadcast_in_dim3A_57 = arith.constant true
    %broadcast_in_dim3A_58 = vector.broadcast %broadcast_in_dim3A_57 : i1 to vector<16xi1>
    %masked_cumsum3A_59 = tpu.scan <sum>, %get3A_56 masked %broadcast_in_dim3A_58 : vector<16xf32>, vector<16xi1> -> vector<16xf32>
    %add3A_60 = vector.broadcast %squeeze3A_54 : f32 to vector<16xf32>
    %add3A_61 = arith.addf %masked_cumsum3A_59, %add3A_60 : vector<16xf32>
    %swap3A_62 = arith.constant 64 : index
    %swap3A_63 = tpu.vector_load %arg8[%swap3A_62] {strides = array<i32>} : memref<512xf32, #tpu.memory_space<vmem>>, vector<16xf32>,
    tpu.vector_store %arg8[%swap3A_62], %add3A_61 {strides = array<i32>} : memref<512xf32, #tpu.memory_space<vmem>>, vector<16xf32>,
    %sub3A_64 = arith.subf %add3A_61, %get3A_56 : vector<16xf32>
    %swap3A_65 = arith.constant 64 : index
    %swap3A_66 = tpu.vector_load %arg9[%swap3A_65] {strides = array<i32>} : memref<512xf32, #tpu.memory_space<vmem>>, vector<16xf32>,
    tpu.vector_store %arg9[%swap3A_65], %sub3A_64 {strides = array<i32>} : memref<512xf32, #tpu.memory_space<vmem>>, vector<16xf32>,
    %slice3A_67 = vector.extract_strided_slice %add3A_61 {offsets = [15], sizes = [1], strides = [1]} : vector<16xf32> to vector<1xf32>
    %squeeze3A_68 = vector.extract %slice3A_67[0] : f32 from vector<1xf32>
    %get3A_69 = arith.constant 80 : index
    %get3A_70 = tpu.vector_load %arg7[%get3A_69] {strides = array<i32>} : memref<512xf32, #tpu.memory_space<vmem>>, vector<16xf32>,
    %broadcast_in_dim3A_71 = arith.constant true
    %broadcast_in_dim3A_72 = vector.broadcast %broadcast_in_dim3A_71 : i1 to vector<16xi1>
    %masked_cumsum3A_73 = tpu.scan <sum>, %get3A_70 masked %broadcast_in_dim3A_72 : vector<16xf32>, vector<16xi1> -> vector<16xf32>
    %add3A_74 = vector.broadcast %squeeze3A_68 : f32 to vector<16xf32>
    %add3A_75 = arith.addf %masked_cumsum3A_73, %add3A_74 : vector<16xf32>
    %swap3A_76 = arith.constant 80 : index
    %swap3A_77 = tpu.vector_load %arg8[%swap3A_76] {strides = array<i32>} : memref<512xf32, #tpu.memory_space<vmem>>, vector<16xf32>,
    tpu.vector_store %arg8[%swap3A_76], %add3A_75 {strides = array<i32>} : memref<512xf32, #tpu.memory_space<vmem>>, vector<16xf32>,
    %sub3A_78 = arith.subf %add3A_75, %get3A_70 : vector<16xf32>
    %swap3A_79 = arith.constant 80 : index
    %swap3A_80 = tpu.vector_load %arg9[%swap3A_79] {strides = array<i32>} : memref<512xf32, #tpu.memory_space<vmem>>, vector<16xf32>,
    tpu.vector_store %arg9[%swap3A_79], %sub3A_78 {strides = array<i32>} : memref<512xf32, #tpu.memory_space<vmem>>, vector<16xf32>,
    %slice3A_81 = vector.extract_strided_slice %add3A_75 {offsets = [15], sizes = [1], strides = [1]} : vector<16xf32> to vector<1xf32>
    %squeeze3A_82 = vector.extract %slice3A_81[0] : f32 from vector<1xf32>
    %get3A_83 = arith.constant 96 : index
    %get3A_84 = tpu.vector_load %arg7[%get3A_83] {strides = array<i32>} : memref<512xf32, #tpu.memory_space<vmem>>, vector<16xf32>,
    %broadcast_in_dim3A_85 = arith.constant true
    %broadcast_in_dim3A_86 = vector.broadcast %broadcast_in_dim3A_85 : i1 to vector<16xi1>
    %masked_cumsum3A_87 = tpu.scan <sum>, %get3A_84 masked %broadcast_in_dim3A_86 : vector<16xf32>, vector<16xi1> -> vector<16xf32>
    %add3A_88 = vector.broadcast %squeeze3A_82 : f32 to vector<16xf32>
    %add3A_89 = arith.addf %masked_cumsum3A_87, %add3A_88 : vector<16xf32>
    %swap3A_90 = arith.constant 96 : index
    %swap3A_91 = tpu.vector_load %arg8[%swap3A_90] {strides = array<i32>} : memref<512xf32, #tpu.memory_space<vmem>>, vector<16xf32>,
    tpu.vector_store %arg8[%swap3A_90], %add3A_89 {strides = array<i32>} : memref<512xf32, #tpu.memory_space<vmem>>, vector<16xf32>,
    %sub3A_92 = arith.subf %add3A_89, %get3A_84 : vector<16xf32>
    %swap3A_93 = arith.constant 96 : index
    %swap3A_94 = tpu.vector_load %arg9[%swap3A_93] {strides = array<i32>} : memref<512xf32, #tpu.memory_space<vmem>>, vector<16xf32>,
    tpu.vector_store %arg9[%swap3A_93], %sub3A_92 {strides = array<i32>} : memref<512xf32, #tpu.memory_space<vmem>>, vector<16xf32>,
    %slice3A_95 = vector.extract_strided_slice %add3A_89 {offsets = [15], sizes = [1], strides = [1]} : vector<16xf32> to vector<1xf32>
    %squeeze3A_96 = vector.extract %slice3A_95[0] : f32 from vector<1xf32>
    %get3A_97 = arith.constant 112 : index
    %get3A_98 = tpu.vector_load %arg7[%get3A_97] {strides = array<i32>} : memref<512xf32, #tpu.memory_space<vmem>>, vector<16xf32>,
    %broadcast_in_dim3A_99 = arith.constant true
    %broadcast_in_dim3A_100 = vector.broadcast %broadcast_in_dim3A_99 : i1 to vector<16xi1>
    %masked_cumsum3A_101 = tpu.scan <sum>, %get3A_98 masked %broadcast_in_dim3A_100 : vector<16xf32>, vector<16xi1> -> vector<16xf32>
    %add3A_102 = vector.broadcast %squeeze3A_96 : f32 to vector<16xf32>
    %add3A_103 = arith.addf %masked_cumsum3A_101, %add3A_102 : vector<16xf32>
    %swap3A_104 = arith.constant 112 : index
    %swap3A_105 = tpu.vector_load %arg8[%swap3A_104] {strides = array<i32>} : memref<512xf32, #tpu.memory_space<vmem>>, vector<16xf32>,
    tpu.vector_store %arg8[%swap3A_104], %add3A_103 {strides = array<i32>} : memref<512xf32, #tpu.memory_space<vmem>>, vector<16xf32>,
    %sub3A_106 = arith.subf %add3A_103, %get3A_98 : vector<16xf32>
    %swap3A_107 = arith.constant 112 : index
    %swap3A_108 = tpu.vector_load %arg9[%swap3A_107] {strides = array<i32>} : memref<512xf32, #tpu.memory_space<vmem>>, vector<16xf32>,
    tpu.vector_store %arg9[%swap3A_107], %sub3A_106 {strides = array<i32>} : memref<512xf32, #tpu.memory_space<vmem>>, vector<16xf32>,
    %slice3A_109 = vector.extract_strided_slice %add3A_103 {offsets = [15], sizes = [1], strides = [1]} : vector<16xf32> to vector<1xf32>
    %squeeze3A_110 = vector.extract %slice3A_109[0] : f32 from vector<1xf32>
    %get3A_111 = arith.constant 128 : index
    %get3A_112 = tpu.vector_load %arg7[%get3A_111] {strides = array<i32>} : memref<512xf32, #tpu.memory_space<vmem>>, vector<16xf32>,
    %broadcast_in_dim3A_113 = arith.constant true
    %broadcast_in_dim3A_114 = vector.broadcast %broadcast_in_dim3A_113 : i1 to vector<16xi1>
    %masked_cumsum3A_115 = tpu.scan <sum>, %get3A_112 masked %broadcast_in_dim3A_114 : vector<16xf32>, vector<16xi1> -> vector<16xf32>
    %add3A_116 = vector.broadcast %squeeze3A_110 : f32 to vector<16xf32>
    %add3A_117 = arith.addf %masked_cumsum3A_115, %add3A_116 : vector<16xf32>
    %swap3A_118 = arith.constant 128 : index
    %swap3A_119 = tpu.vector_load %arg8[%swap3A_118] {strides = array<i32>} : memref<512xf32, #tpu.memory_space<vmem>>, vector<16xf32>,
    tpu.vector_store %arg8[%swap3A_118], %add3A_117 {strides = array<i32>} : memref<512xf32, #tpu.memory_space<vmem>>, vector<16xf32>,
    %sub3A_120 = arith.subf %add3A_117, %get3A_112 : vector<16xf32>
    %swap3A_121 = arith.constant 128 : index
    %swap3A_122 = tpu.vector_load %arg9[%swap3A_121] {strides = array<i32>} : memref<512xf32, #tpu.memory_space<vmem>>, vector<16xf32>,
    tpu.vector_store %arg9[%swap3A_121], %sub3A_120 {strides = array<i32>} : memref<512xf32, #tpu.memory_space<vmem>>, vector<16xf32>,
    %slice3A_123 = vector.extract_strided_slice %add3A_117 {offsets = [15], sizes = [1], strides = [1]} : vector<16xf32> to vector<1xf32>
    %squeeze3A_124 = vector.extract %slice3A_123[0] : f32 from vector<1xf32>
    %get3A_125 = arith.constant 144 : index
    %get3A_126 = tpu.vector_load %arg7[%get3A_125] {strides = array<i32>} : memref<512xf32, #tpu.memory_space<vmem>>, vector<16xf32>,
    %broadcast_in_dim3A_127 = arith.constant true
    %broadcast_in_dim3A_128 = vector.broadcast %broadcast_in_dim3A_127 : i1 to vector<16xi1>
    %masked_cumsum3A_129 = tpu.scan <sum>, %get3A_126 masked %broadcast_in_dim3A_128 : vector<16xf32>, vector<16xi1> -> vector<16xf32>
    %add3A_130 = vector.broadcast %squeeze3A_124 : f32 to vector<16xf32>
    %add3A_131 = arith.addf %masked_cumsum3A_129, %add3A_130 : vector<16xf32>
    %swap3A_132 = arith.constant 144 : index
    %swap3A_133 = tpu.vector_load %arg8[%swap3A_132] {strides = array<i32>} : memref<512xf32, #tpu.memory_space<vmem>>, vector<16xf32>,
    tpu.vector_store %arg8[%swap3A_132], %add3A_131 {strides = array<i32>} : memref<512xf32, #tpu.memory_space<vmem>>, vector<16xf32>,
    %sub3A_134 = arith.subf %add3A_131, %get3A_126 : vector<16xf32>
    %swap3A_135 = arith.constant 144 : index
    %swap3A_136 = tpu.vector_load %arg9[%swap3A_135] {strides = array<i32>} : memref<512xf32, #tpu.memory_space<vmem>>, vector<16xf32>,
    tpu.vector_store %arg9[%swap3A_135], %sub3A_134 {strides = array<i32>} : memref<512xf32, #tpu.memory_space<vmem>>, vector<16xf32>,
    %slice3A_137 = vector.extract_strided_slice %add3A_131 {offsets = [15], sizes = [1], strides = [1]} : vector<16xf32> to vector<1xf32>
    %squeeze3A_138 = vector.extract %slice3A_137[0] : f32 from vector<1xf32>
    %get3A_139 = arith.constant 160 : index
    %get3A_140 = tpu.vector_load %arg7[%get3A_139] {strides = array<i32>} : memref<512xf32, #tpu.memory_space<vmem>>, vector<16xf32>,
    %broadcast_in_dim3A_141 = arith.constant true
    %broadcast_in_dim3A_142 = vector.broadcast %broadcast_in_dim3A_141 : i1 to vector<16xi1>
    %masked_cumsum3A_143 = tpu.scan <sum>, %get3A_140 masked %broadcast_in_dim3A_142 : vector<16xf32>, vector<16xi1> -> vector<16xf32>
    %add3A_144 = vector.broadcast %squeeze3A_138 : f32 to vector<16xf32>
    %add3A_145 = arith.addf %masked_cumsum3A_143, %add3A_144 : vector<16xf32>
    %swap3A_146 = arith.constant 160 : index
    %swap3A_147 = tpu.vector_load %arg8[%swap3A_146] {strides = array<i32>} : memref<512xf32, #tpu.memory_space<vmem>>, vector<16xf32>,
    tpu.vector_store %arg8[%swap3A_146], %add3A_145 {strides = array<i32>} : memref<512xf32, #tpu.memory_space<vmem>>, vector<16xf32>,
    %sub3A_148 = arith.subf %add3A_145, %get3A_140 : vector<16xf32>
    %swap3A_149 = arith.constant 160 : index
    %swap3A_150 = tpu.vector_load %arg9[%swap3A_149] {strides = array<i32>} : memref<512xf32, #tpu.memory_space<vmem>>, vector<16xf32>,
    tpu.vector_store %arg9[%swap3A_149], %sub3A_148 {strides = array<i32>} : memref<512xf32, #tpu.memory_space<vmem>>, vector<16xf32>,
    %slice3A_151 = vector.extract_strided_slice %add3A_145 {offsets = [15], sizes = [1], strides = [1]} : vector<16xf32> to vector<1xf32>
    %squeeze3A_152 = vector.extract %slice3A_151[0] : f32 from vector<1xf32>
    %get3A_153 = arith.constant 176 : index
    %get3A_154 = tpu.vector_load %arg7[%get3A_153] {strides = array<i32>} : memref<512xf32, #tpu.memory_space<vmem>>, vector<16xf32>,
    %broadcast_in_dim3A_155 = arith.constant true
    %broadcast_in_dim3A_156 = vector.broadcast %broadcast_in_dim3A_155 : i1 to vector<16xi1>
    %masked_cumsum3A_157 = tpu.scan <sum>, %get3A_154 masked %broadcast_in_dim3A_156 : vector<16xf32>, vector<16xi1> -> vector<16xf32>
    %add3A_158 = vector.broadcast %squeeze3A_152 : f32 to vector<16xf32>
    %add3A_159 = arith.addf %masked_cumsum3A_157, %add3A_158 : vector<16xf32>
    %swap3A_160 = arith.constant 176 : index
    %swap3A_161 = tpu.vector_load %arg8[%swap3A_160] {strides = array<i32>} : memref<512xf32, #tpu.memory_space<vmem>>, vector<16xf32>,
    tpu.vector_store %arg8[%swap3A_160], %add3A_159 {strides = array<i32>} : memref<512xf32, #tpu.memory_space<vmem>>, vector<16xf32>,
    %sub3A_162 = arith.subf %add3A_159, %get3A_154 : vector<16xf32>
    %swap3A_163 = arith.constant 176 : index
    %swap3A_164 = tpu.vector_load %arg9[%swap3A_163] {strides = array<i32>} : memref<512xf32, #tpu.memory_space<vmem>>, vector<16xf32>,
    tpu.vector_store %arg9[%swap3A_163], %sub3A_162 {strides = array<i32>} : memref<512xf32, #tpu.memory_space<vmem>>, vector<16xf32>,
    %slice3A_165 = vector.extract_strided_slice %add3A_159 {offsets = [15], sizes = [1], strides = [1]} : vector<16xf32> to vector<1xf32>
    %squeeze3A_166 = vector.extract %slice3A_165[0] : f32 from vector<1xf32>
    %get3A_167 = arith.constant 192 : index
    %get3A_168 = tpu.vector_load %arg7[%get3A_167] {strides = array<i32>} : memref<512xf32, #tpu.memory_space<vmem>>, vector<16xf32>,
    %broadcast_in_dim3A_169 = arith.constant true
    %broadcast_in_dim3A_170 = vector.broadcast %broadcast_in_dim3A_169 : i1 to vector<16xi1>
    %masked_cumsum3A_171 = tpu.scan <sum>, %get3A_168 masked %broadcast_in_dim3A_170 : vector<16xf32>, vector<16xi1> -> vector<16xf32>
    %add3A_172 = vector.broadcast %squeeze3A_166 : f32 to vector<16xf32>
    %add3A_173 = arith.addf %masked_cumsum3A_171, %add3A_172 : vector<16xf32>
    %swap3A_174 = arith.constant 192 : index
    %swap3A_175 = tpu.vector_load %arg8[%swap3A_174] {strides = array<i32>} : memref<512xf32, #tpu.memory_space<vmem>>, vector<16xf32>,
    tpu.vector_store %arg8[%swap3A_174], %add3A_173 {strides = array<i32>} : memref<512xf32, #tpu.memory_space<vmem>>, vector<16xf32>,
    %sub3A_176 = arith.subf %add3A_173, %get3A_168 : vector<16xf32>
    %swap3A_177 = arith.constant 192 : index
    %swap3A_178 = tpu.vector_load %arg9[%swap3A_177] {strides = array<i32>} : memref<512xf32, #tpu.memory_space<vmem>>, vector<16xf32>,
    tpu.vector_store %arg9[%swap3A_177], %sub3A_176 {strides = array<i32>} : memref<512xf32, #tpu.memory_space<vmem>>, vector<16xf32>,
    %slice3A_179 = vector.extract_strided_slice %add3A_173 {offsets = [15], sizes = [1], strides = [1]} : vector<16xf32> to vector<1xf32>
    %squeeze3A_180 = vector.extract %slice3A_179[0] : f32 from vector<1xf32>
    %get3A_181 = arith.constant 208 : index
    %get3A_182 = tpu.vector_load %arg7[%get3A_181] {strides = array<i32>} : memref<512xf32, #tpu.memory_space<vmem>>, vector<16xf32>,
    %broadcast_in_dim3A_183 = arith.constant true
    %broadcast_in_dim3A_184 = vector.broadcast %broadcast_in_dim3A_183 : i1 to vector<16xi1>
    %masked_cumsum3A_185 = tpu.scan <sum>, %get3A_182 masked %broadcast_in_dim3A_184 : vector<16xf32>, vector<16xi1> -> vector<16xf32>
    %add3A_186 = vector.broadcast %squeeze3A_180 : f32 to vector<16xf32>
    %add3A_187 = arith.addf %masked_cumsum3A_185, %add3A_186 : vector<16xf32>
    %swap3A_188 = arith.constant 208 : index
    %swap3A_189 = tpu.vector_load %arg8[%swap3A_188] {strides = array<i32>} : memref<512xf32, #tpu.memory_space<vmem>>, vector<16xf32>,
    tpu.vector_store %arg8[%swap3A_188], %add3A_187 {strides = array<i32>} : memref<512xf32, #tpu.memory_space<vmem>>, vector<16xf32>,
    %sub3A_190 = arith.subf %add3A_187, %get3A_182 : vector<16xf32>
    %swap3A_191 = arith.constant 208 : index
    %swap3A_192 = tpu.vector_load %arg9[%swap3A_191] {strides = array<i32>} : memref<512xf32, #tpu.memory_space<vmem>>, vector<16xf32>,
    tpu.vector_store %arg9[%swap3A_191], %sub3A_190 {strides = array<i32>} : memref<512xf32, #tpu.memory_space<vmem>>, vector<16xf32>,
    %slice3A_193 = vector.extract_strided_slice %add3A_187 {offsets = [15], sizes = [1], strides = [1]} : vector<16xf32> to vector<1xf32>
    %squeeze3A_194 = vector.extract %slice3A_193[0] : f32 from vector<1xf32>
    %get3A_195 = arith.constant 224 : index
    %get3A_196 = tpu.vector_load %arg7[%get3A_195] {strides = array<i32>} : memref<512xf32, #tpu.memory_space<vmem>>, vector<16xf32>,
    %broadcast_in_dim3A_197 = arith.constant true
    %broadcast_in_dim3A_198 = vector.broadcast %broadcast_in_dim3A_197 : i1 to vector<16xi1>
    %masked_cumsum3A_199 = tpu.scan <sum>, %get3A_196 masked %broadcast_in_dim3A_198 : vector<16xf32>, vector<16xi1> -> vector<16xf32>
    %add3A_200 = vector.broadcast %squeeze3A_194 : f32 to vector<16xf32>
    %add3A_201 = arith.addf %masked_cumsum3A_199, %add3A_200 : vector<16xf32>
    %swap3A_202 = arith.constant 224 : index
    %swap3A_203 = tpu.vector_load %arg8[%swap3A_202] {strides = array<i32>} : memref<512xf32, #tpu.memory_space<vmem>>, vector<16xf32>,
    tpu.vector_store %arg8[%swap3A_202], %add3A_201 {strides = array<i32>} : memref<512xf32, #tpu.memory_space<vmem>>, vector<16xf32>,
    %sub3A_204 = arith.subf %add3A_201, %get3A_196 : vector<16xf32>
    %swap3A_205 = arith.constant 224 : index
    %swap3A_206 = tpu.vector_load %arg9[%swap3A_205] {strides = array<i32>} : memref<512xf32, #tpu.memory_space<vmem>>, vector<16xf32>,
    tpu.vector_store %arg9[%swap3A_205], %sub3A_204 {strides = array<i32>} : memref<512xf32, #tpu.memory_space<vmem>>, vector<16xf32>,
    %slice3A_207 = vector.extract_strided_slice %add3A_201 {offsets = [15], sizes = [1], strides = [1]} : vector<16xf32> to vector<1xf32>
    %squeeze3A_208 = vector.extract %slice3A_207[0] : f32 from vector<1xf32>
    %get3A_209 = arith.constant 240 : index
    %get3A_210 = tpu.vector_load %arg7[%get3A_209] {strides = array<i32>} : memref<512xf32, #tpu.memory_space<vmem>>, vector<16xf32>,
    %broadcast_in_dim3A_211 = arith.constant true
    %broadcast_in_dim3A_212 = vector.broadcast %broadcast_in_dim3A_211 : i1 to vector<16xi1>
    %masked_cumsum3A_213 = tpu.scan <sum>, %get3A_210 masked %broadcast_in_dim3A_212 : vector<16xf32>, vector<16xi1> -> vector<16xf32>
    %add3A_214 = vector.broadcast %squeeze3A_208 : f32 to vector<16xf32>
    %add3A_215 = arith.addf %masked_cumsum3A_213, %add3A_214 : vector<16xf32>
    %swap3A_216 = arith.constant 240 : index
    %swap3A_217 = tpu.vector_load %arg8[%swap3A_216] {strides = array<i32>} : memref<512xf32, #tpu.memory_space<vmem>>, vector<16xf32>,
    tpu.vector_store %arg8[%swap3A_216], %add3A_215 {strides = array<i32>} : memref<512xf32, #tpu.memory_space<vmem>>, vector<16xf32>,
    %sub3A_218 = arith.subf %add3A_215, %get3A_210 : vector<16xf32>
    %swap3A_219 = arith.constant 240 : index
    %swap3A_220 = tpu.vector_load %arg9[%swap3A_219] {strides = array<i32>} : memref<512xf32, #tpu.memory_space<vmem>>, vector<16xf32>,
    tpu.vector_store %arg9[%swap3A_219], %sub3A_218 {strides = array<i32>} : memref<512xf32, #tpu.memory_space<vmem>>, vector<16xf32>,
    %slice3A_221 = vector.extract_strided_slice %add3A_215 {offsets = [15], sizes = [1], strides = [1]} : vector<16xf32> to vector<1xf32>
    %squeeze3A_222 = vector.extract %slice3A_221[0] : f32 from vector<1xf32>
    %get3A_223 = arith.constant 256 : index
    %get3A_224 = tpu.vector_load %arg7[%get3A_223] {strides = array<i32>} : memref<512xf32, #tpu.memory_space<vmem>>, vector<16xf32>,
    %broadcast_in_dim3A_225 = arith.constant true
    %broadcast_in_dim3A_226 = vector.broadcast %broadcast_in_dim3A_225 : i1 to vector<16xi1>
    %masked_cumsum3A_227 = tpu.scan <sum>, %get3A_224 masked %broadcast_in_dim3A_226 : vector<16xf32>, vector<16xi1> -> vector<16xf32>
    %add3A_228 = vector.broadcast %squeeze3A_222 : f32 to vector<16xf32>
    %add3A_229 = arith.addf %masked_cumsum3A_227, %add3A_228 : vector<16xf32>
    %swap3A_230 = arith.constant 256 : index
    %swap3A_231 = tpu.vector_load %arg8[%swap3A_230] {strides = array<i32>} : memref<512xf32, #tpu.memory_space<vmem>>, vector<16xf32>,
    tpu.vector_store %arg8[%swap3A_230], %add3A_229 {strides = array<i32>} : memref<512xf32, #tpu.memory_space<vmem>>, vector<16xf32>,
    %sub3A_232 = arith.subf %add3A_229, %get3A_224 : vector<16xf32>
    %swap3A_233 = arith.constant 256 : index
    %swap3A_234 = tpu.vector_load %arg9[%swap3A_233] {strides = array<i32>} : memref<512xf32, #tpu.memory_space<vmem>>, vector<16xf32>,
    tpu.vector_store %arg9[%swap3A_233], %sub3A_232 {strides = array<i32>} : memref<512xf32, #tpu.memory_space<vmem>>, vector<16xf32>,
    %slice3A_235 = vector.extract_strided_slice %add3A_229 {offsets = [15], sizes = [1], strides = [1]} : vector<16xf32> to vector<1xf32>
    %squeeze3A_236 = vector.extract %slice3A_235[0] : f32 from vector<1xf32>
    %get3A_237 = arith.constant 272 : index
    %get3A_238 = tpu.vector_load %arg7[%get3A_237] {strides = array<i32>} : memref<512xf32, #tpu.memory_space<vmem>>, vector<16xf32>,
    %broadcast_in_dim3A_239 = arith.constant true
    %broadcast_in_dim3A_240 = vector.broadcast %broadcast_in_dim3A_239 : i1 to vector<16xi1>
    %masked_cumsum3A_241 = tpu.scan <sum>, %get3A_238 masked %broadcast_in_dim3A_240 : vector<16xf32>, vector<16xi1> -> vector<16xf32>
    %add3A_242 = vector.broadcast %squeeze3A_236 : f32 to vector<16xf32>
    %add3A_243 = arith.addf %masked_cumsum3A_241, %add3A_242 : vector<16xf32>
    %swap3A_244 = arith.constant 272 : index
    %swap3A_245 = tpu.vector_load %arg8[%swap3A_244] {strides = array<i32>} : memref<512xf32, #tpu.memory_space<vmem>>, vector<16xf32>,
    tpu.vector_store %arg8[%swap3A_244], %add3A_243 {strides = array<i32>} : memref<512xf32, #tpu.memory_space<vmem>>, vector<16xf32>,
    %sub3A_246 = arith.subf %add3A_243, %get3A_238 : vector<16xf32>
    %swap3A_247 = arith.constant 272 : index
    %swap3A_248 = tpu.vector_load %arg9[%swap3A_247] {strides = array<i32>} : memref<512xf32, #tpu.memory_space<vmem>>, vector<16xf32>,
    tpu.vector_store %arg9[%swap3A_247], %sub3A_246 {strides = array<i32>} : memref<512xf32, #tpu.memory_space<vmem>>, vector<16xf32>,
    %slice3A_249 = vector.extract_strided_slice %add3A_243 {offsets = [15], sizes = [1], strides = [1]} : vector<16xf32> to vector<1xf32>
    %squeeze3A_250 = vector.extract %slice3A_249[0] : f32 from vector<1xf32>
    %get3A_251 = arith.constant 288 : index
    %get3A_252 = tpu.vector_load %arg7[%get3A_251] {strides = array<i32>} : memref<512xf32, #tpu.memory_space<vmem>>, vector<16xf32>,
    %broadcast_in_dim3A_253 = arith.constant true
    %broadcast_in_dim3A_254 = vector.broadcast %broadcast_in_dim3A_253 : i1 to vector<16xi1>
    %masked_cumsum3A_255 = tpu.scan <sum>, %get3A_252 masked %broadcast_in_dim3A_254 : vector<16xf32>, vector<16xi1> -> vector<16xf32>
    %add3A_256 = vector.broadcast %squeeze3A_250 : f32 to vector<16xf32>
    %add3A_257 = arith.addf %masked_cumsum3A_255, %add3A_256 : vector<16xf32>
    %swap3A_258 = arith.constant 288 : index
    %swap3A_259 = tpu.vector_load %arg8[%swap3A_258] {strides = array<i32>} : memref<512xf32, #tpu.memory_space<vmem>>, vector<16xf32>,
    tpu.vector_store %arg8[%swap3A_258], %add3A_257 {strides = array<i32>} : memref<512xf32, #tpu.memory_space<vmem>>, vector<16xf32>,
    %sub3A_260 = arith.subf %add3A_257, %get3A_252 : vector<16xf32>
    %swap3A_261 = arith.constant 288 : index
    %swap3A_262 = tpu.vector_load %arg9[%swap3A_261] {strides = array<i32>} : memref<512xf32, #tpu.memory_space<vmem>>, vector<16xf32>,
    tpu.vector_store %arg9[%swap3A_261], %sub3A_260 {strides = array<i32>} : memref<512xf32, #tpu.memory_space<vmem>>, vector<16xf32>,
    %slice3A_263 = vector.extract_strided_slice %add3A_257 {offsets = [15], sizes = [1], strides = [1]} : vector<16xf32> to vector<1xf32>
    %squeeze3A_264 = vector.extract %slice3A_263[0] : f32 from vector<1xf32>
    %get3A_265 = arith.constant 304 : index
    %get3A_266 = tpu.vector_load %arg7[%get3A_265] {strides = array<i32>} : memref<512xf32, #tpu.memory_space<vmem>>, vector<16xf32>,
    %broadcast_in_dim3A_267 = arith.constant true
    %broadcast_in_dim3A_268 = vector.broadcast %broadcast_in_dim3A_267 : i1 to vector<16xi1>
    %masked_cumsum3A_269 = tpu.scan <sum>, %get3A_266 masked %broadcast_in_dim3A_268 : vector<16xf32>, vector<16xi1> -> vector<16xf32>
    %add3A_270 = vector.broadcast %squeeze3A_264 : f32 to vector<16xf32>
    %add3A_271 = arith.addf %masked_cumsum3A_269, %add3A_270 : vector<16xf32>
    %swap3A_272 = arith.constant 304 : index
    %swap3A_273 = tpu.vector_load %arg8[%swap3A_272] {strides = array<i32>} : memref<512xf32, #tpu.memory_space<vmem>>, vector<16xf32>,
    tpu.vector_store %arg8[%swap3A_272], %add3A_271 {strides = array<i32>} : memref<512xf32, #tpu.memory_space<vmem>>, vector<16xf32>,
    %sub3A_274 = arith.subf %add3A_271, %get3A_266 : vector<16xf32>
    %swap3A_275 = arith.constant 304 : index
    %swap3A_276 = tpu.vector_load %arg9[%swap3A_275] {strides = array<i32>} : memref<512xf32, #tpu.memory_space<vmem>>, vector<16xf32>,
    tpu.vector_store %arg9[%swap3A_275], %sub3A_274 {strides = array<i32>} : memref<512xf32, #tpu.memory_space<vmem>>, vector<16xf32>,
    %slice3A_277 = vector.extract_strided_slice %add3A_271 {offsets = [15], sizes = [1], strides = [1]} : vector<16xf32> to vector<1xf32>
    %squeeze3A_278 = vector.extract %slice3A_277[0] : f32 from vector<1xf32>
    %get3A_279 = arith.constant 320 : index
    %get3A_280 = tpu.vector_load %arg7[%get3A_279] {strides = array<i32>} : memref<512xf32, #tpu.memory_space<vmem>>, vector<16xf32>,
    %broadcast_in_dim3A_281 = arith.constant true
    %broadcast_in_dim3A_282 = vector.broadcast %broadcast_in_dim3A_281 : i1 to vector<16xi1>
    %masked_cumsum3A_283 = tpu.scan <sum>, %get3A_280 masked %broadcast_in_dim3A_282 : vector<16xf32>, vector<16xi1> -> vector<16xf32>
    %add3A_284 = vector.broadcast %squeeze3A_278 : f32 to vector<16xf32>
    %add3A_285 = arith.addf %masked_cumsum3A_283, %add3A_284 : vector<16xf32>
    %swap3A_286 = arith.constant 320 : index
    %swap3A_287 = tpu.vector_load %arg8[%swap3A_286] {strides = array<i32>} : memref<512xf32, #tpu.memory_space<vmem>>, vector<16xf32>,
    tpu.vector_store %arg8[%swap3A_286], %add3A_285 {strides = array<i32>} : memref<512xf32, #tpu.memory_space<vmem>>, vector<16xf32>,
    %sub3A_288 = arith.subf %add3A_285, %get3A_280 : vector<16xf32>
    %swap3A_289 = arith.constant 320 : index
    %swap3A_290 = tpu.vector_load %arg9[%swap3A_289] {strides = array<i32>} : memref<512xf32, #tpu.memory_space<vmem>>, vector<16xf32>,
    tpu.vector_store %arg9[%swap3A_289], %sub3A_288 {strides = array<i32>} : memref<512xf32, #tpu.memory_space<vmem>>, vector<16xf32>,
    %slice3A_291 = vector.extract_strided_slice %add3A_285 {offsets = [15], sizes = [1], strides = [1]} : vector<16xf32> to vector<1xf32>
    %squeeze3A_292 = vector.extract %slice3A_291[0] : f32 from vector<1xf32>
    %get3A_293 = arith.constant 336 : index
    %get3A_294 = tpu.vector_load %arg7[%get3A_293] {strides = array<i32>} : memref<512xf32, #tpu.memory_space<vmem>>, vector<16xf32>,
    %broadcast_in_dim3A_295 = arith.constant true
    %broadcast_in_dim3A_296 = vector.broadcast %broadcast_in_dim3A_295 : i1 to vector<16xi1>
    %masked_cumsum3A_297 = tpu.scan <sum>, %get3A_294 masked %broadcast_in_dim3A_296 : vector<16xf32>, vector<16xi1> -> vector<16xf32>
    %add3A_298 = vector.broadcast %squeeze3A_292 : f32 to vector<16xf32>
    %add3A_299 = arith.addf %masked_cumsum3A_297, %add3A_298 : vector<16xf32>
    %swap3A_300 = arith.constant 336 : index
    %swap3A_301 = tpu.vector_load %arg8[%swap3A_300] {strides = array<i32>} : memref<512xf32, #tpu.memory_space<vmem>>, vector<16xf32>,
    tpu.vector_store %arg8[%swap3A_300], %add3A_299 {strides = array<i32>} : memref<512xf32, #tpu.memory_space<vmem>>, vector<16xf32>,
    %sub3A_302 = arith.subf %add3A_299, %get3A_294 : vector<16xf32>
    %swap3A_303 = arith.constant 336 : index
    %swap3A_304 = tpu.vector_load %arg9[%swap3A_303] {strides = array<i32>} : memref<512xf32, #tpu.memory_space<vmem>>, vector<16xf32>,
    tpu.vector_store %arg9[%swap3A_303], %sub3A_302 {strides = array<i32>} : memref<512xf32, #tpu.memory_space<vmem>>, vector<16xf32>,
    %slice3A_305 = vector.extract_strided_slice %add3A_299 {offsets = [15], sizes = [1], strides = [1]} : vector<16xf32> to vector<1xf32>
    %squeeze3A_306 = vector.extract %slice3A_305[0] : f32 from vector<1xf32>
    %get3A_307 = arith.constant 352 : index
    %get3A_308 = tpu.vector_load %arg7[%get3A_307] {strides = array<i32>} : memref<512xf32, #tpu.memory_space<vmem>>, vector<16xf32>,
    %broadcast_in_dim3A_309 = arith.constant true
    %broadcast_in_dim3A_310 = vector.broadcast %broadcast_in_dim3A_309 : i1 to vector<16xi1>
    %masked_cumsum3A_311 = tpu.scan <sum>, %get3A_308 masked %broadcast_in_dim3A_310 : vector<16xf32>, vector<16xi1> -> vector<16xf32>
    %add3A_312 = vector.broadcast %squeeze3A_306 : f32 to vector<16xf32>
    %add3A_313 = arith.addf %masked_cumsum3A_311, %add3A_312 : vector<16xf32>
    %swap3A_314 = arith.constant 352 : index
    %swap3A_315 = tpu.vector_load %arg8[%swap3A_314] {strides = array<i32>} : memref<512xf32, #tpu.memory_space<vmem>>, vector<16xf32>,
    tpu.vector_store %arg8[%swap3A_314], %add3A_313 {strides = array<i32>} : memref<512xf32, #tpu.memory_space<vmem>>, vector<16xf32>,
    %sub3A_316 = arith.subf %add3A_313, %get3A_308 : vector<16xf32>
    %swap3A_317 = arith.constant 352 : index
    %swap3A_318 = tpu.vector_load %arg9[%swap3A_317] {strides = array<i32>} : memref<512xf32, #tpu.memory_space<vmem>>, vector<16xf32>,
    tpu.vector_store %arg9[%swap3A_317], %sub3A_316 {strides = array<i32>} : memref<512xf32, #tpu.memory_space<vmem>>, vector<16xf32>,
    %slice3A_319 = vector.extract_strided_slice %add3A_313 {offsets = [15], sizes = [1], strides = [1]} : vector<16xf32> to vector<1xf32>
    %squeeze3A_320 = vector.extract %slice3A_319[0] : f32 from vector<1xf32>
    %get3A_321 = arith.constant 368 : index
    %get3A_322 = tpu.vector_load %arg7[%get3A_321] {strides = array<i32>} : memref<512xf32, #tpu.memory_space<vmem>>, vector<16xf32>,
    %broadcast_in_dim3A_323 = arith.constant true
    %broadcast_in_dim3A_324 = vector.broadcast %broadcast_in_dim3A_323 : i1 to vector<16xi1>
    %masked_cumsum3A_325 = tpu.scan <sum>, %get3A_322 masked %broadcast_in_dim3A_324 : vector<16xf32>, vector<16xi1> -> vector<16xf32>
    %add3A_326 = vector.broadcast %squeeze3A_320 : f32 to vector<16xf32>
    %add3A_327 = arith.addf %masked_cumsum3A_325, %add3A_326 : vector<16xf32>
    %swap3A_328 = arith.constant 368 : index
    %swap3A_329 = tpu.vector_load %arg8[%swap3A_328] {strides = array<i32>} : memref<512xf32, #tpu.memory_space<vmem>>, vector<16xf32>,
    tpu.vector_store %arg8[%swap3A_328], %add3A_327 {strides = array<i32>} : memref<512xf32, #tpu.memory_space<vmem>>, vector<16xf32>,
    %sub3A_330 = arith.subf %add3A_327, %get3A_322 : vector<16xf32>
    %swap3A_331 = arith.constant 368 : index
    %swap3A_332 = tpu.vector_load %arg9[%swap3A_331] {strides = array<i32>} : memref<512xf32, #tpu.memory_space<vmem>>, vector<16xf32>,
    tpu.vector_store %arg9[%swap3A_331], %sub3A_330 {strides = array<i32>} : memref<512xf32, #tpu.memory_space<vmem>>, vector<16xf32>,
    %slice3A_333 = vector.extract_strided_slice %add3A_327 {offsets = [15], sizes = [1], strides = [1]} : vector<16xf32> to vector<1xf32>
    %squeeze3A_334 = vector.extract %slice3A_333[0] : f32 from vector<1xf32>
    %get3A_335 = arith.constant 384 : index
    %get3A_336 = tpu.vector_load %arg7[%get3A_335] {strides = array<i32>} : memref<512xf32, #tpu.memory_space<vmem>>, vector<16xf32>,
    %broadcast_in_dim3A_337 = arith.constant true
    %broadcast_in_dim3A_338 = vector.broadcast %broadcast_in_dim3A_337 : i1 to vector<16xi1>
    %masked_cumsum3A_339 = tpu.scan <sum>, %get3A_336 masked %broadcast_in_dim3A_338 : vector<16xf32>, vector<16xi1> -> vector<16xf32>
    %add3A_340 = vector.broadcast %squeeze3A_334 : f32 to vector<16xf32>
    %add3A_341 = arith.addf %masked_cumsum3A_339, %add3A_340 : vector<16xf32>
    %swap3A_342 = arith.constant 384 : index
    %swap3A_343 = tpu.vector_load %arg8[%swap3A_342] {strides = array<i32>} : memref<512xf32, #tpu.memory_space<vmem>>, vector<16xf32>,
    tpu.vector_store %arg8[%swap3A_342], %add3A_341 {strides = array<i32>} : memref<512xf32, #tpu.memory_space<vmem>>, vector<16xf32>,
    %sub3A_344 = arith.subf %add3A_341, %get3A_336 : vector<16xf32>
    %swap3A_345 = arith.constant 384 : index
    %swap3A_346 = tpu.vector_load %arg9[%swap3A_345] {strides = array<i32>} : memref<512xf32, #tpu.memory_space<vmem>>, vector<16xf32>,
    tpu.vector_store %arg9[%swap3A_345], %sub3A_344 {strides = array<i32>} : memref<512xf32, #tpu.memory_space<vmem>>, vector<16xf32>,
    %slice3A_347 = vector.extract_strided_slice %add3A_341 {offsets = [15], sizes = [1], strides = [1]} : vector<16xf32> to vector<1xf32>
    %squeeze3A_348 = vector.extract %slice3A_347[0] : f32 from vector<1xf32>
    %get3A_349 = arith.constant 400 : index
    %get3A_350 = tpu.vector_load %arg7[%get3A_349] {strides = array<i32>} : memref<512xf32, #tpu.memory_space<vmem>>, vector<16xf32>,
    %broadcast_in_dim3A_351 = arith.constant true
    %broadcast_in_dim3A_352 = vector.broadcast %broadcast_in_dim3A_351 : i1 to vector<16xi1>
    %masked_cumsum3A_353 = tpu.scan <sum>, %get3A_350 masked %broadcast_in_dim3A_352 : vector<16xf32>, vector<16xi1> -> vector<16xf32>
    %add3A_354 = vector.broadcast %squeeze3A_348 : f32 to vector<16xf32>
    %add3A_355 = arith.addf %masked_cumsum3A_353, %add3A_354 : vector<16xf32>
    %swap3A_356 = arith.constant 400 : index
    %swap3A_357 = tpu.vector_load %arg8[%swap3A_356] {strides = array<i32>} : memref<512xf32, #tpu.memory_space<vmem>>, vector<16xf32>,
    tpu.vector_store %arg8[%swap3A_356], %add3A_355 {strides = array<i32>} : memref<512xf32, #tpu.memory_space<vmem>>, vector<16xf32>,
    %sub3A_358 = arith.subf %add3A_355, %get3A_350 : vector<16xf32>
    %swap3A_359 = arith.constant 400 : index
    %swap3A_360 = tpu.vector_load %arg9[%swap3A_359] {strides = array<i32>} : memref<512xf32, #tpu.memory_space<vmem>>, vector<16xf32>,
    tpu.vector_store %arg9[%swap3A_359], %sub3A_358 {strides = array<i32>} : memref<512xf32, #tpu.memory_space<vmem>>, vector<16xf32>,
    %slice3A_361 = vector.extract_strided_slice %add3A_355 {offsets = [15], sizes = [1], strides = [1]} : vector<16xf32> to vector<1xf32>
    %squeeze3A_362 = vector.extract %slice3A_361[0] : f32 from vector<1xf32>
    %get3A_363 = arith.constant 416 : index
    %get3A_364 = tpu.vector_load %arg7[%get3A_363] {strides = array<i32>} : memref<512xf32, #tpu.memory_space<vmem>>, vector<16xf32>,
    %broadcast_in_dim3A_365 = arith.constant true
    %broadcast_in_dim3A_366 = vector.broadcast %broadcast_in_dim3A_365 : i1 to vector<16xi1>
    %masked_cumsum3A_367 = tpu.scan <sum>, %get3A_364 masked %broadcast_in_dim3A_366 : vector<16xf32>, vector<16xi1> -> vector<16xf32>
    %add3A_368 = vector.broadcast %squeeze3A_362 : f32 to vector<16xf32>
    %add3A_369 = arith.addf %masked_cumsum3A_367, %add3A_368 : vector<16xf32>
    %swap3A_370 = arith.constant 416 : index
    %swap3A_371 = tpu.vector_load %arg8[%swap3A_370] {strides = array<i32>} : memref<512xf32, #tpu.memory_space<vmem>>, vector<16xf32>,
    tpu.vector_store %arg8[%swap3A_370], %add3A_369 {strides = array<i32>} : memref<512xf32, #tpu.memory_space<vmem>>, vector<16xf32>,
    %sub3A_372 = arith.subf %add3A_369, %get3A_364 : vector<16xf32>
    %swap3A_373 = arith.constant 416 : index
    %swap3A_374 = tpu.vector_load %arg9[%swap3A_373] {strides = array<i32>} : memref<512xf32, #tpu.memory_space<vmem>>, vector<16xf32>,
    tpu.vector_store %arg9[%swap3A_373], %sub3A_372 {strides = array<i32>} : memref<512xf32, #tpu.memory_space<vmem>>, vector<16xf32>,
    %slice3A_375 = vector.extract_strided_slice %add3A_369 {offsets = [15], sizes = [1], strides = [1]} : vector<16xf32> to vector<1xf32>
    %squeeze3A_376 = vector.extract %slice3A_375[0] : f32 from vector<1xf32>
    %get3A_377 = arith.constant 432 : index
    %get3A_378 = tpu.vector_load %arg7[%get3A_377] {strides = array<i32>} : memref<512xf32, #tpu.memory_space<vmem>>, vector<16xf32>,
    %broadcast_in_dim3A_379 = arith.constant true
    %broadcast_in_dim3A_380 = vector.broadcast %broadcast_in_dim3A_379 : i1 to vector<16xi1>
    %masked_cumsum3A_381 = tpu.scan <sum>, %get3A_378 masked %broadcast_in_dim3A_380 : vector<16xf32>, vector<16xi1> -> vector<16xf32>
    %add3A_382 = vector.broadcast %squeeze3A_376 : f32 to vector<16xf32>
    %add3A_383 = arith.addf %masked_cumsum3A_381, %add3A_382 : vector<16xf32>
    %swap3A_384 = arith.constant 432 : index
    %swap3A_385 = tpu.vector_load %arg8[%swap3A_384] {strides = array<i32>} : memref<512xf32, #tpu.memory_space<vmem>>, vector<16xf32>,
    tpu.vector_store %arg8[%swap3A_384], %add3A_383 {strides = array<i32>} : memref<512xf32, #tpu.memory_space<vmem>>, vector<16xf32>,
    %sub3A_386 = arith.subf %add3A_383, %get3A_378 : vector<16xf32>
    %swap3A_387 = arith.constant 432 : index
    %swap3A_388 = tpu.vector_load %arg9[%swap3A_387] {strides = array<i32>} : memref<512xf32, #tpu.memory_space<vmem>>, vector<16xf32>,
    tpu.vector_store %arg9[%swap3A_387], %sub3A_386 {strides = array<i32>} : memref<512xf32, #tpu.memory_space<vmem>>, vector<16xf32>,
    %slice3A_389 = vector.extract_strided_slice %add3A_383 {offsets = [15], sizes = [1], strides = [1]} : vector<16xf32> to vector<1xf32>
    %squeeze3A_390 = vector.extract %slice3A_389[0] : f32 from vector<1xf32>
    %get3A_391 = arith.constant 448 : index
    %get3A_392 = tpu.vector_load %arg7[%get3A_391] {strides = array<i32>} : memref<512xf32, #tpu.memory_space<vmem>>, vector<16xf32>,
    %broadcast_in_dim3A_393 = arith.constant true
    %broadcast_in_dim3A_394 = vector.broadcast %broadcast_in_dim3A_393 : i1 to vector<16xi1>
    %masked_cumsum3A_395 = tpu.scan <sum>, %get3A_392 masked %broadcast_in_dim3A_394 : vector<16xf32>, vector<16xi1> -> vector<16xf32>
    %add3A_396 = vector.broadcast %squeeze3A_390 : f32 to vector<16xf32>
    %add3A_397 = arith.addf %masked_cumsum3A_395, %add3A_396 : vector<16xf32>
    %swap3A_398 = arith.constant 448 : index
    %swap3A_399 = tpu.vector_load %arg8[%swap3A_398] {strides = array<i32>} : memref<512xf32, #tpu.memory_space<vmem>>, vector<16xf32>,
    tpu.vector_store %arg8[%swap3A_398], %add3A_397 {strides = array<i32>} : memref<512xf32, #tpu.memory_space<vmem>>, vector<16xf32>,
    %sub3A_400 = arith.subf %add3A_397, %get3A_392 : vector<16xf32>
    %swap3A_401 = arith.constant 448 : index
    %swap3A_402 = tpu.vector_load %arg9[%swap3A_401] {strides = array<i32>} : memref<512xf32, #tpu.memory_space<vmem>>, vector<16xf32>,
    tpu.vector_store %arg9[%swap3A_401], %sub3A_400 {strides = array<i32>} : memref<512xf32, #tpu.memory_space<vmem>>, vector<16xf32>,
    %slice3A_403 = vector.extract_strided_slice %add3A_397 {offsets = [15], sizes = [1], strides = [1]} : vector<16xf32> to vector<1xf32>
    %squeeze3A_404 = vector.extract %slice3A_403[0] : f32 from vector<1xf32>
    %get3A_405 = arith.constant 464 : index
    %get3A_406 = tpu.vector_load %arg7[%get3A_405] {strides = array<i32>} : memref<512xf32, #tpu.memory_space<vmem>>, vector<16xf32>,
    %broadcast_in_dim3A_407 = arith.constant true
    %broadcast_in_dim3A_408 = vector.broadcast %broadcast_in_dim3A_407 : i1 to vector<16xi1>
    %masked_cumsum3A_409 = tpu.scan <sum>, %get3A_406 masked %broadcast_in_dim3A_408 : vector<16xf32>, vector<16xi1> -> vector<16xf32>
    %add3A_410 = vector.broadcast %squeeze3A_404 : f32 to vector<16xf32>
    %add3A_411 = arith.addf %masked_cumsum3A_409, %add3A_410 : vector<16xf32>
    %swap3A_412 = arith.constant 464 : index
    %swap3A_413 = tpu.vector_load %arg8[%swap3A_412] {strides = array<i32>} : memref<512xf32, #tpu.memory_space<vmem>>, vector<16xf32>,
    tpu.vector_store %arg8[%swap3A_412], %add3A_411 {strides = array<i32>} : memref<512xf32, #tpu.memory_space<vmem>>, vector<16xf32>,
    %sub3A_414 = arith.subf %add3A_411, %get3A_406 : vector<16xf32>
    %swap3A_415 = arith.constant 464 : index
    %swap3A_416 = tpu.vector_load %arg9[%swap3A_415] {strides = array<i32>} : memref<512xf32, #tpu.memory_space<vmem>>, vector<16xf32>,
    tpu.vector_store %arg9[%swap3A_415], %sub3A_414 {strides = array<i32>} : memref<512xf32, #tpu.memory_space<vmem>>, vector<16xf32>,
    %slice3A_417 = vector.extract_strided_slice %add3A_411 {offsets = [15], sizes = [1], strides = [1]} : vector<16xf32> to vector<1xf32>
    %squeeze3A_418 = vector.extract %slice3A_417[0] : f32 from vector<1xf32>
    %get3A_419 = arith.constant 480 : index
    %get3A_420 = tpu.vector_load %arg7[%get3A_419] {strides = array<i32>} : memref<512xf32, #tpu.memory_space<vmem>>, vector<16xf32>,
    %broadcast_in_dim3A_421 = arith.constant true
    %broadcast_in_dim3A_422 = vector.broadcast %broadcast_in_dim3A_421 : i1 to vector<16xi1>
    %masked_cumsum3A_423 = tpu.scan <sum>, %get3A_420 masked %broadcast_in_dim3A_422 : vector<16xf32>, vector<16xi1> -> vector<16xf32>
    %add3A_424 = vector.broadcast %squeeze3A_418 : f32 to vector<16xf32>
    %add3A_425 = arith.addf %masked_cumsum3A_423, %add3A_424 : vector<16xf32>
    %swap3A_426 = arith.constant 480 : index
    %swap3A_427 = tpu.vector_load %arg8[%swap3A_426] {strides = array<i32>} : memref<512xf32, #tpu.memory_space<vmem>>, vector<16xf32>,
    tpu.vector_store %arg8[%swap3A_426], %add3A_425 {strides = array<i32>} : memref<512xf32, #tpu.memory_space<vmem>>, vector<16xf32>,
    %sub3A_428 = arith.subf %add3A_425, %get3A_420 : vector<16xf32>
    %swap3A_429 = arith.constant 480 : index
    %swap3A_430 = tpu.vector_load %arg9[%swap3A_429] {strides = array<i32>} : memref<512xf32, #tpu.memory_space<vmem>>, vector<16xf32>,
    tpu.vector_store %arg9[%swap3A_429], %sub3A_428 {strides = array<i32>} : memref<512xf32, #tpu.memory_space<vmem>>, vector<16xf32>,
    %slice3A_431 = vector.extract_strided_slice %add3A_425 {offsets = [15], sizes = [1], strides = [1]} : vector<16xf32> to vector<1xf32>
    %squeeze3A_432 = vector.extract %slice3A_431[0] : f32 from vector<1xf32>
    %get3A_433 = arith.constant 496 : index
    %get3A_434 = tpu.vector_load %arg7[%get3A_433] {strides = array<i32>} : memref<512xf32, #tpu.memory_space<vmem>>, vector<16xf32>,
    %broadcast_in_dim3A_435 = arith.constant true
    %broadcast_in_dim3A_436 = vector.broadcast %broadcast_in_dim3A_435 : i1 to vector<16xi1>
    %masked_cumsum3A_437 = tpu.scan <sum>, %get3A_434 masked %broadcast_in_dim3A_436 : vector<16xf32>, vector<16xi1> -> vector<16xf32>
    %add3A_438 = vector.broadcast %squeeze3A_432 : f32 to vector<16xf32>
    %add3A_439 = arith.addf %masked_cumsum3A_437, %add3A_438 : vector<16xf32>
    %swap3A_440 = arith.constant 496 : index
    %swap3A_441 = tpu.vector_load %arg8[%swap3A_440] {strides = array<i32>} : memref<512xf32, #tpu.memory_space<vmem>>, vector<16xf32>,
    tpu.vector_store %arg8[%swap3A_440], %add3A_439 {strides = array<i32>} : memref<512xf32, #tpu.memory_space<vmem>>, vector<16xf32>,
    %sub3A_442 = arith.subf %add3A_439, %get3A_434 : vector<16xf32>
    %swap3A_443 = arith.constant 496 : index
    %swap3A_444 = tpu.vector_load %arg9[%swap3A_443] {strides = array<i32>} : memref<512xf32, #tpu.memory_space<vmem>>, vector<16xf32>,
    tpu.vector_store %arg9[%swap3A_443], %sub3A_442 {strides = array<i32>} : memref<512xf32, #tpu.memory_space<vmem>>, vector<16xf32>,
    %slice3A_445 = vector.extract_strided_slice %add3A_439 {offsets = [15], sizes = [1], strides = [1]} : vector<16xf32> to vector<1xf32>
    %squeeze3A_446 = vector.extract %slice3A_445[0] : f32 from vector<1xf32>
    %iota3A = tpu.iota {dimensions = array<i32: 0>} : vector<16xi32>
    %get3A_447 = arith.constant 0 : index
    %get3A_448 = tpu.vector_load %arg11[%get3A_447] {strides = array<i32>} : memref<128xf32, #tpu.memory_space<vmem>>, vector<16xf32>,
    %mul3A_449 = vector.broadcast %squeeze3A_446 : f32 to vector<16xf32>
    %mul3A_450 = arith.mulf %get3A_448, %mul3A_449 : vector<16xf32>
    %get3A_451 = arith.constant 16 : index
    %get3A_452 = tpu.vector_load %arg11[%get3A_451] {strides = array<i32>} : memref<128xf32, #tpu.memory_space<vmem>>, vector<16xf32>,
    %mul3A_453 = vector.broadcast %squeeze3A_446 : f32 to vector<16xf32>
    %mul3A_454 = arith.mulf %get3A_452, %mul3A_453 : vector<16xf32>
    %get3A_455 = arith.constant 32 : index
    %get3A_456 = tpu.vector_load %arg11[%get3A_455] {strides = array<i32>} : memref<128xf32, #tpu.memory_space<vmem>>, vector<16xf32>,
    %mul3A_457 = vector.broadcast %squeeze3A_446 : f32 to vector<16xf32>
    %mul3A_458 = arith.mulf %get3A_456, %mul3A_457 : vector<16xf32>
    %get3A_459 = arith.constant 48 : index
    %get3A_460 = tpu.vector_load %arg11[%get3A_459] {strides = array<i32>} : memref<128xf32, #tpu.memory_space<vmem>>, vector<16xf32>,
    %mul3A_461 = vector.broadcast %squeeze3A_446 : f32 to vector<16xf32>
    %mul3A_462 = arith.mulf %get3A_460, %mul3A_461 : vector<16xf32>
    %broadcast_in_dim3A_463 = arith.constant 0 : i32
    %broadcast_in_dim3A_464 = vector.broadcast %broadcast_in_dim3A_463 : i32 to vector<16xi32>
    %broadcast_in_dim3A_465 = arith.constant 0 : i32
    %broadcast_in_dim3A_466 = vector.broadcast %broadcast_in_dim3A_465 : i32 to vector<16xi32>
    %broadcast_in_dim3A_467 = arith.constant 0 : i32
    %broadcast_in_dim3A_468 = vector.broadcast %broadcast_in_dim3A_467 : i32 to vector<16xi32>
    %broadcast_in_dim3A_469 = arith.constant 0 : i32
    %broadcast_in_dim3A_470 = vector.broadcast %broadcast_in_dim3A_469 : i32 to vector<16xi32>
    %broadcast_in_dim3A_471 = arith.constant 511 : i32
    %broadcast_in_dim3A_472 = vector.broadcast %broadcast_in_dim3A_471 : i32 to vector<16xi32>
    %broadcast_in_dim3A_473 = arith.constant 511 : i32
    %broadcast_in_dim3A_474 = vector.broadcast %broadcast_in_dim3A_473 : i32 to vector<16xi32>
    %broadcast_in_dim3A_475 = arith.constant 511 : i32
    %broadcast_in_dim3A_476 = vector.broadcast %broadcast_in_dim3A_475 : i32 to vector<16xi32>
    %broadcast_in_dim3A_477 = arith.constant 511 : i32
    %broadcast_in_dim3A_478 = vector.broadcast %broadcast_in_dim3A_477 : i32 to vector<16xi32>
    %add3A_479 = arith.addi %broadcast_in_dim3A_464, %broadcast_in_dim3A_472 : vector<16xi32>
    %shift_right_logical3A = arith.constant 1 : i32
    %shift_right_logical3A_480 = vector.broadcast %shift_right_logical3A : i32 to vector<16xi32>
    %shift_right_logical3A_481 = arith.shrui %add3A_479, %shift_right_logical3A_480 : vector<16xi32>
    %gather3A = tpu.vector_load_idx %arg8[%shift_right_logical3A_481] : memref<512xf32, #tpu.memory_space<vmem>>[vector<16xi32>], vector<16xf32>,
    %le3A = arith.cmpf ole, %mul3A_450, %gather3A : vector<16xf32>
    %add3A_482 = arith.constant 1 : i32
    %add3A_483 = vector.broadcast %add3A_482 : i32 to vector<16xi32>
    %add3A_484 = arith.addi %shift_right_logical3A_481, %add3A_483 : vector<16xi32>
    %select_n3A = arith.select %le3A, %broadcast_in_dim3A_464, %add3A_484 : vector<16xi1>, vector<16xi32>
    %select_n3A_485 = arith.select %le3A, %shift_right_logical3A_481, %broadcast_in_dim3A_472 : vector<16xi1>, vector<16xi32>
    %add3A_486 = arith.addi %broadcast_in_dim3A_466, %broadcast_in_dim3A_474 : vector<16xi32>
    %shift_right_logical3A_487 = arith.constant 1 : i32
    %shift_right_logical3A_488 = vector.broadcast %shift_right_logical3A_487 : i32 to vector<16xi32>
    %shift_right_logical3A_489 = arith.shrui %add3A_486, %shift_right_logical3A_488 : vector<16xi32>
    %gather3A_490 = tpu.vector_load_idx %arg8[%shift_right_logical3A_489] : memref<512xf32, #tpu.memory_space<vmem>>[vector<16xi32>], vector<16xf32>,
    %le3A_491 = arith.cmpf ole, %mul3A_454, %gather3A_490 : vector<16xf32>
    %add3A_492 = arith.constant 1 : i32
    %add3A_493 = vector.broadcast %add3A_492 : i32 to vector<16xi32>
    %add3A_494 = arith.addi %shift_right_logical3A_489, %add3A_493 : vector<16xi32>
    %select_n3A_495 = arith.select %le3A_491, %broadcast_in_dim3A_466, %add3A_494 : vector<16xi1>, vector<16xi32>
    %select_n3A_496 = arith.select %le3A_491, %shift_right_logical3A_489, %broadcast_in_dim3A_474 : vector<16xi1>, vector<16xi32>
    %add3A_497 = arith.addi %broadcast_in_dim3A_468, %broadcast_in_dim3A_476 : vector<16xi32>
    %shift_right_logical3A_498 = arith.constant 1 : i32
    %shift_right_logical3A_499 = vector.broadcast %shift_right_logical3A_498 : i32 to vector<16xi32>
    %shift_right_logical3A_500 = arith.shrui %add3A_497, %shift_right_logical3A_499 : vector<16xi32>
    %gather3A_501 = tpu.vector_load_idx %arg8[%shift_right_logical3A_500] : memref<512xf32, #tpu.memory_space<vmem>>[vector<16xi32>], vector<16xf32>,
    %le3A_502 = arith.cmpf ole, %mul3A_458, %gather3A_501 : vector<16xf32>
    %add3A_503 = arith.constant 1 : i32
    %add3A_504 = vector.broadcast %add3A_503 : i32 to vector<16xi32>
    %add3A_505 = arith.addi %shift_right_logical3A_500, %add3A_504 : vector<16xi32>
    %select_n3A_506 = arith.select %le3A_502, %broadcast_in_dim3A_468, %add3A_505 : vector<16xi1>, vector<16xi32>
    %select_n3A_507 = arith.select %le3A_502, %shift_right_logical3A_500, %broadcast_in_dim3A_476 : vector<16xi1>, vector<16xi32>
    %add3A_508 = arith.addi %broadcast_in_dim3A_470, %broadcast_in_dim3A_478 : vector<16xi32>
    %shift_right_logical3A_509 = arith.constant 1 : i32
    %shift_right_logical3A_510 = vector.broadcast %shift_right_logical3A_509 : i32 to vector<16xi32>
    %shift_right_logical3A_511 = arith.shrui %add3A_508, %shift_right_logical3A_510 : vector<16xi32>
    %gather3A_512 = tpu.vector_load_idx %arg8[%shift_right_logical3A_511] : memref<512xf32, #tpu.memory_space<vmem>>[vector<16xi32>], vector<16xf32>,
    %le3A_513 = arith.cmpf ole, %mul3A_462, %gather3A_512 : vector<16xf32>
    %add3A_514 = arith.constant 1 : i32
    %add3A_515 = vector.broadcast %add3A_514 : i32 to vector<16xi32>
    %add3A_516 = arith.addi %shift_right_logical3A_511, %add3A_515 : vector<16xi32>
    %select_n3A_517 = arith.select %le3A_513, %broadcast_in_dim3A_470, %add3A_516 : vector<16xi1>, vector<16xi32>
    %select_n3A_518 = arith.select %le3A_513, %shift_right_logical3A_511, %broadcast_in_dim3A_478 : vector<16xi1>, vector<16xi32>
    %add3A_519 = arith.addi %select_n3A, %select_n3A_485 : vector<16xi32>
    %shift_right_logical3A_520 = arith.constant 1 : i32
    %shift_right_logical3A_521 = vector.broadcast %shift_right_logical3A_520 : i32 to vector<16xi32>
    %shift_right_logical3A_522 = arith.shrui %add3A_519, %shift_right_logical3A_521 : vector<16xi32>
    %gather3A_523 = tpu.vector_load_idx %arg8[%shift_right_logical3A_522] : memref<512xf32, #tpu.memory_space<vmem>>[vector<16xi32>], vector<16xf32>,
    %le3A_524 = arith.cmpf ole, %mul3A_450, %gather3A_523 : vector<16xf32>
    %add3A_525 = arith.constant 1 : i32
    %add3A_526 = vector.broadcast %add3A_525 : i32 to vector<16xi32>
    %add3A_527 = arith.addi %shift_right_logical3A_522, %add3A_526 : vector<16xi32>
    %select_n3A_528 = arith.select %le3A_524, %select_n3A, %add3A_527 : vector<16xi1>, vector<16xi32>
    %select_n3A_529 = arith.select %le3A_524, %shift_right_logical3A_522, %select_n3A_485 : vector<16xi1>, vector<16xi32>
    %add3A_530 = arith.addi %select_n3A_495, %select_n3A_496 : vector<16xi32>
    %shift_right_logical3A_531 = arith.constant 1 : i32
    %shift_right_logical3A_532 = vector.broadcast %shift_right_logical3A_531 : i32 to vector<16xi32>
    %shift_right_logical3A_533 = arith.shrui %add3A_530, %shift_right_logical3A_532 : vector<16xi32>
    %gather3A_534 = tpu.vector_load_idx %arg8[%shift_right_logical3A_533] : memref<512xf32, #tpu.memory_space<vmem>>[vector<16xi32>], vector<16xf32>,
    %le3A_535 = arith.cmpf ole, %mul3A_454, %gather3A_534 : vector<16xf32>
    %add3A_536 = arith.constant 1 : i32
    %add3A_537 = vector.broadcast %add3A_536 : i32 to vector<16xi32>
    %add3A_538 = arith.addi %shift_right_logical3A_533, %add3A_537 : vector<16xi32>
    %select_n3A_539 = arith.select %le3A_535, %select_n3A_495, %add3A_538 : vector<16xi1>, vector<16xi32>
    %select_n3A_540 = arith.select %le3A_535, %shift_right_logical3A_533, %select_n3A_496 : vector<16xi1>, vector<16xi32>
    %add3A_541 = arith.addi %select_n3A_506, %select_n3A_507 : vector<16xi32>
    %shift_right_logical3A_542 = arith.constant 1 : i32
    %shift_right_logical3A_543 = vector.broadcast %shift_right_logical3A_542 : i32 to vector<16xi32>
    %shift_right_logical3A_544 = arith.shrui %add3A_541, %shift_right_logical3A_543 : vector<16xi32>
    %gather3A_545 = tpu.vector_load_idx %arg8[%shift_right_logical3A_544] : memref<512xf32, #tpu.memory_space<vmem>>[vector<16xi32>], vector<16xf32>,
    %le3A_546 = arith.cmpf ole, %mul3A_458, %gather3A_545 : vector<16xf32>
    %add3A_547 = arith.constant 1 : i32
    %add3A_548 = vector.broadcast %add3A_547 : i32 to vector<16xi32>
    %add3A_549 = arith.addi %shift_right_logical3A_544, %add3A_548 : vector<16xi32>
    %select_n3A_550 = arith.select %le3A_546, %select_n3A_506, %add3A_549 : vector<16xi1>, vector<16xi32>
    %select_n3A_551 = arith.select %le3A_546, %shift_right_logical3A_544, %select_n3A_507 : vector<16xi1>, vector<16xi32>
    %add3A_552 = arith.addi %select_n3A_517, %select_n3A_518 : vector<16xi32>
    %shift_right_logical3A_553 = arith.constant 1 : i32
    %shift_right_logical3A_554 = vector.broadcast %shift_right_logical3A_553 : i32 to vector<16xi32>
    %shift_right_logical3A_555 = arith.shrui %add3A_552, %shift_right_logical3A_554 : vector<16xi32>
    %gather3A_556 = tpu.vector_load_idx %arg8[%shift_right_logical3A_555] : memref<512xf32, #tpu.memory_space<vmem>>[vector<16xi32>], vector<16xf32>,
    %le3A_557 = arith.cmpf ole, %mul3A_462, %gather3A_556 : vector<16xf32>
    %add3A_558 = arith.constant 1 : i32
    %add3A_559 = vector.broadcast %add3A_558 : i32 to vector<16xi32>
    %add3A_560 = arith.addi %shift_right_logical3A_555, %add3A_559 : vector<16xi32>
    %select_n3A_561 = arith.select %le3A_557, %select_n3A_517, %add3A_560 : vector<16xi1>, vector<16xi32>
    %select_n3A_562 = arith.select %le3A_557, %shift_right_logical3A_555, %select_n3A_518 : vector<16xi1>, vector<16xi32>
    %add3A_563 = arith.addi %select_n3A_528, %select_n3A_529 : vector<16xi32>
    %shift_right_logical3A_564 = arith.constant 1 : i32
    %shift_right_logical3A_565 = vector.broadcast %shift_right_logical3A_564 : i32 to vector<16xi32>
    %shift_right_logical3A_566 = arith.shrui %add3A_563, %shift_right_logical3A_565 : vector<16xi32>
    %gather3A_567 = tpu.vector_load_idx %arg8[%shift_right_logical3A_566] : memref<512xf32, #tpu.memory_space<vmem>>[vector<16xi32>], vector<16xf32>,
    %le3A_568 = arith.cmpf ole, %mul3A_450, %gather3A_567 : vector<16xf32>
    %add3A_569 = arith.constant 1 : i32
    %add3A_570 = vector.broadcast %add3A_569 : i32 to vector<16xi32>
    %add3A_571 = arith.addi %shift_right_logical3A_566, %add3A_570 : vector<16xi32>
    %select_n3A_572 = arith.select %le3A_568, %select_n3A_528, %add3A_571 : vector<16xi1>, vector<16xi32>
    %select_n3A_573 = arith.select %le3A_568, %shift_right_logical3A_566, %select_n3A_529 : vector<16xi1>, vector<16xi32>
    %add3A_574 = arith.addi %select_n3A_539, %select_n3A_540 : vector<16xi32>
    %shift_right_logical3A_575 = arith.constant 1 : i32
    %shift_right_logical3A_576 = vector.broadcast %shift_right_logical3A_575 : i32 to vector<16xi32>
    %shift_right_logical3A_577 = arith.shrui %add3A_574, %shift_right_logical3A_576 : vector<16xi32>
    %gather3A_578 = tpu.vector_load_idx %arg8[%shift_right_logical3A_577] : memref<512xf32, #tpu.memory_space<vmem>>[vector<16xi32>], vector<16xf32>,
    %le3A_579 = arith.cmpf ole, %mul3A_454, %gather3A_578 : vector<16xf32>
    %add3A_580 = arith.constant 1 : i32
    %add3A_581 = vector.broadcast %add3A_580 : i32 to vector<16xi32>
    %add3A_582 = arith.addi %shift_right_logical3A_577, %add3A_581 : vector<16xi32>
    %select_n3A_583 = arith.select %le3A_579, %select_n3A_539, %add3A_582 : vector<16xi1>, vector<16xi32>
    %select_n3A_584 = arith.select %le3A_579, %shift_right_logical3A_577, %select_n3A_540 : vector<16xi1>, vector<16xi32>
    %add3A_585 = arith.addi %select_n3A_550, %select_n3A_551 : vector<16xi32>
    %shift_right_logical3A_586 = arith.constant 1 : i32
    %shift_right_logical3A_587 = vector.broadcast %shift_right_logical3A_586 : i32 to vector<16xi32>
    %shift_right_logical3A_588 = arith.shrui %add3A_585, %shift_right_logical3A_587 : vector<16xi32>
    %gather3A_589 = tpu.vector_load_idx %arg8[%shift_right_logical3A_588] : memref<512xf32, #tpu.memory_space<vmem>>[vector<16xi32>], vector<16xf32>,
    %le3A_590 = arith.cmpf ole, %mul3A_458, %gather3A_589 : vector<16xf32>
    %add3A_591 = arith.constant 1 : i32
    %add3A_592 = vector.broadcast %add3A_591 : i32 to vector<16xi32>
    %add3A_593 = arith.addi %shift_right_logical3A_588, %add3A_592 : vector<16xi32>
    %select_n3A_594 = arith.select %le3A_590, %select_n3A_550, %add3A_593 : vector<16xi1>, vector<16xi32>
    %select_n3A_595 = arith.select %le3A_590, %shift_right_logical3A_588, %select_n3A_551 : vector<16xi1>, vector<16xi32>
    %add3A_596 = arith.addi %select_n3A_561, %select_n3A_562 : vector<16xi32>
    %shift_right_logical3A_597 = arith.constant 1 : i32
    %shift_right_logical3A_598 = vector.broadcast %shift_right_logical3A_597 : i32 to vector<16xi32>
    %shift_right_logical3A_599 = arith.shrui %add3A_596, %shift_right_logical3A_598 : vector<16xi32>
    %gather3A_600 = tpu.vector_load_idx %arg8[%shift_right_logical3A_599] : memref<512xf32, #tpu.memory_space<vmem>>[vector<16xi32>], vector<16xf32>,
    %le3A_601 = arith.cmpf ole, %mul3A_462, %gather3A_600 : vector<16xf32>
    %add3A_602 = arith.constant 1 : i32
    %add3A_603 = vector.broadcast %add3A_602 : i32 to vector<16xi32>
    %add3A_604 = arith.addi %shift_right_logical3A_599, %add3A_603 : vector<16xi32>
    %select_n3A_605 = arith.select %le3A_601, %select_n3A_561, %add3A_604 : vector<16xi1>, vector<16xi32>
    %select_n3A_606 = arith.select %le3A_601, %shift_right_logical3A_599, %select_n3A_562 : vector<16xi1>, vector<16xi32>
    %add3A_607 = arith.addi %select_n3A_572, %select_n3A_573 : vector<16xi32>
    %shift_right_logical3A_608 = arith.constant 1 : i32
    %shift_right_logical3A_609 = vector.broadcast %shift_right_logical3A_608 : i32 to vector<16xi32>
    %shift_right_logical3A_610 = arith.shrui %add3A_607, %shift_right_logical3A_609 : vector<16xi32>
    %gather3A_611 = tpu.vector_load_idx %arg8[%shift_right_logical3A_610] : memref<512xf32, #tpu.memory_space<vmem>>[vector<16xi32>], vector<16xf32>,
    %le3A_612 = arith.cmpf ole, %mul3A_450, %gather3A_611 : vector<16xf32>
    %add3A_613 = arith.constant 1 : i32
    %add3A_614 = vector.broadcast %add3A_613 : i32 to vector<16xi32>
    %add3A_615 = arith.addi %shift_right_logical3A_610, %add3A_614 : vector<16xi32>
    %select_n3A_616 = arith.select %le3A_612, %select_n3A_572, %add3A_615 : vector<16xi1>, vector<16xi32>
    %select_n3A_617 = arith.select %le3A_612, %shift_right_logical3A_610, %select_n3A_573 : vector<16xi1>, vector<16xi32>
    %add3A_618 = arith.addi %select_n3A_583, %select_n3A_584 : vector<16xi32>
    %shift_right_logical3A_619 = arith.constant 1 : i32
    %shift_right_logical3A_620 = vector.broadcast %shift_right_logical3A_619 : i32 to vector<16xi32>
    %shift_right_logical3A_621 = arith.shrui %add3A_618, %shift_right_logical3A_620 : vector<16xi32>
    %gather3A_622 = tpu.vector_load_idx %arg8[%shift_right_logical3A_621] : memref<512xf32, #tpu.memory_space<vmem>>[vector<16xi32>], vector<16xf32>,
    %le3A_623 = arith.cmpf ole, %mul3A_454, %gather3A_622 : vector<16xf32>
    %add3A_624 = arith.constant 1 : i32
    %add3A_625 = vector.broadcast %add3A_624 : i32 to vector<16xi32>
    %add3A_626 = arith.addi %shift_right_logical3A_621, %add3A_625 : vector<16xi32>
    %select_n3A_627 = arith.select %le3A_623, %select_n3A_583, %add3A_626 : vector<16xi1>, vector<16xi32>
    %select_n3A_628 = arith.select %le3A_623, %shift_right_logical3A_621, %select_n3A_584 : vector<16xi1>, vector<16xi32>
    %add3A_629 = arith.addi %select_n3A_594, %select_n3A_595 : vector<16xi32>
    %shift_right_logical3A_630 = arith.constant 1 : i32
    %shift_right_logical3A_631 = vector.broadcast %shift_right_logical3A_630 : i32 to vector<16xi32>
    %shift_right_logical3A_632 = arith.shrui %add3A_629, %shift_right_logical3A_631 : vector<16xi32>
    %gather3A_633 = tpu.vector_load_idx %arg8[%shift_right_logical3A_632] : memref<512xf32, #tpu.memory_space<vmem>>[vector<16xi32>], vector<16xf32>,
    %le3A_634 = arith.cmpf ole, %mul3A_458, %gather3A_633 : vector<16xf32>
    %add3A_635 = arith.constant 1 : i32
    %add3A_636 = vector.broadcast %add3A_635 : i32 to vector<16xi32>
    %add3A_637 = arith.addi %shift_right_logical3A_632, %add3A_636 : vector<16xi32>
    %select_n3A_638 = arith.select %le3A_634, %select_n3A_594, %add3A_637 : vector<16xi1>, vector<16xi32>
    %select_n3A_639 = arith.select %le3A_634, %shift_right_logical3A_632, %select_n3A_595 : vector<16xi1>, vector<16xi32>
    %add3A_640 = arith.addi %select_n3A_605, %select_n3A_606 : vector<16xi32>
    %shift_right_logical3A_641 = arith.constant 1 : i32
    %shift_right_logical3A_642 = vector.broadcast %shift_right_logical3A_641 : i32 to vector<16xi32>
    %shift_right_logical3A_643 = arith.shrui %add3A_640, %shift_right_logical3A_642 : vector<16xi32>
    %gather3A_644 = tpu.vector_load_idx %arg8[%shift_right_logical3A_643] : memref<512xf32, #tpu.memory_space<vmem>>[vector<16xi32>], vector<16xf32>,
    %le3A_645 = arith.cmpf ole, %mul3A_462, %gather3A_644 : vector<16xf32>
    %add3A_646 = arith.constant 1 : i32
    %add3A_647 = vector.broadcast %add3A_646 : i32 to vector<16xi32>
    %add3A_648 = arith.addi %shift_right_logical3A_643, %add3A_647 : vector<16xi32>
    %select_n3A_649 = arith.select %le3A_645, %select_n3A_605, %add3A_648 : vector<16xi1>, vector<16xi32>
    %select_n3A_650 = arith.select %le3A_645, %shift_right_logical3A_643, %select_n3A_606 : vector<16xi1>, vector<16xi32>
    %add3A_651 = arith.addi %select_n3A_616, %select_n3A_617 : vector<16xi32>
    %shift_right_logical3A_652 = arith.constant 1 : i32
    %shift_right_logical3A_653 = vector.broadcast %shift_right_logical3A_652 : i32 to vector<16xi32>
    %shift_right_logical3A_654 = arith.shrui %add3A_651, %shift_right_logical3A_653 : vector<16xi32>
    %gather3A_655 = tpu.vector_load_idx %arg8[%shift_right_logical3A_654] : memref<512xf32, #tpu.memory_space<vmem>>[vector<16xi32>], vector<16xf32>,
    %le3A_656 = arith.cmpf ole, %mul3A_450, %gather3A_655 : vector<16xf32>
    %add3A_657 = arith.constant 1 : i32
    %add3A_658 = vector.broadcast %add3A_657 : i32 to vector<16xi32>
    %add3A_659 = arith.addi %shift_right_logical3A_654, %add3A_658 : vector<16xi32>
    %select_n3A_660 = arith.select %le3A_656, %select_n3A_616, %add3A_659 : vector<16xi1>, vector<16xi32>
    %select_n3A_661 = arith.select %le3A_656, %shift_right_logical3A_654, %select_n3A_617 : vector<16xi1>, vector<16xi32>
    %add3A_662 = arith.addi %select_n3A_627, %select_n3A_628 : vector<16xi32>
    %shift_right_logical3A_663 = arith.constant 1 : i32
    %shift_right_logical3A_664 = vector.broadcast %shift_right_logical3A_663 : i32 to vector<16xi32>
    %shift_right_logical3A_665 = arith.shrui %add3A_662, %shift_right_logical3A_664 : vector<16xi32>
    %gather3A_666 = tpu.vector_load_idx %arg8[%shift_right_logical3A_665] : memref<512xf32, #tpu.memory_space<vmem>>[vector<16xi32>], vector<16xf32>,
    %le3A_667 = arith.cmpf ole, %mul3A_454, %gather3A_666 : vector<16xf32>
    %add3A_668 = arith.constant 1 : i32
    %add3A_669 = vector.broadcast %add3A_668 : i32 to vector<16xi32>
    %add3A_670 = arith.addi %shift_right_logical3A_665, %add3A_669 : vector<16xi32>
    %select_n3A_671 = arith.select %le3A_667, %select_n3A_627, %add3A_670 : vector<16xi1>, vector<16xi32>
    %select_n3A_672 = arith.select %le3A_667, %shift_right_logical3A_665, %select_n3A_628 : vector<16xi1>, vector<16xi32>
    %add3A_673 = arith.addi %select_n3A_638, %select_n3A_639 : vector<16xi32>
    %shift_right_logical3A_674 = arith.constant 1 : i32
    %shift_right_logical3A_675 = vector.broadcast %shift_right_logical3A_674 : i32 to vector<16xi32>
    %shift_right_logical3A_676 = arith.shrui %add3A_673, %shift_right_logical3A_675 : vector<16xi32>
    %gather3A_677 = tpu.vector_load_idx %arg8[%shift_right_logical3A_676] : memref<512xf32, #tpu.memory_space<vmem>>[vector<16xi32>], vector<16xf32>,
    %le3A_678 = arith.cmpf ole, %mul3A_458, %gather3A_677 : vector<16xf32>
    %add3A_679 = arith.constant 1 : i32
    %add3A_680 = vector.broadcast %add3A_679 : i32 to vector<16xi32>
    %add3A_681 = arith.addi %shift_right_logical3A_676, %add3A_680 : vector<16xi32>
    %select_n3A_682 = arith.select %le3A_678, %select_n3A_638, %add3A_681 : vector<16xi1>, vector<16xi32>
    %select_n3A_683 = arith.select %le3A_678, %shift_right_logical3A_676, %select_n3A_639 : vector<16xi1>, vector<16xi32>
    %add3A_684 = arith.addi %select_n3A_649, %select_n3A_650 : vector<16xi32>
    %shift_right_logical3A_685 = arith.constant 1 : i32
    %shift_right_logical3A_686 = vector.broadcast %shift_right_logical3A_685 : i32 to vector<16xi32>
    %shift_right_logical3A_687 = arith.shrui %add3A_684, %shift_right_logical3A_686 : vector<16xi32>
    %gather3A_688 = tpu.vector_load_idx %arg8[%shift_right_logical3A_687] : memref<512xf32, #tpu.memory_space<vmem>>[vector<16xi32>], vector<16xf32>,
    %le3A_689 = arith.cmpf ole, %mul3A_462, %gather3A_688 : vector<16xf32>
    %add3A_690 = arith.constant 1 : i32
    %add3A_691 = vector.broadcast %add3A_690 : i32 to vector<16xi32>
    %add3A_692 = arith.addi %shift_right_logical3A_687, %add3A_691 : vector<16xi32>
    %select_n3A_693 = arith.select %le3A_689, %select_n3A_649, %add3A_692 : vector<16xi1>, vector<16xi32>
    %select_n3A_694 = arith.select %le3A_689, %shift_right_logical3A_687, %select_n3A_650 : vector<16xi1>, vector<16xi32>
    %add3A_695 = arith.addi %select_n3A_660, %select_n3A_661 : vector<16xi32>
    %shift_right_logical3A_696 = arith.constant 1 : i32
    %shift_right_logical3A_697 = vector.broadcast %shift_right_logical3A_696 : i32 to vector<16xi32>
    %shift_right_logical3A_698 = arith.shrui %add3A_695, %shift_right_logical3A_697 : vector<16xi32>
    %gather3A_699 = tpu.vector_load_idx %arg8[%shift_right_logical3A_698] : memref<512xf32, #tpu.memory_space<vmem>>[vector<16xi32>], vector<16xf32>,
    %le3A_700 = arith.cmpf ole, %mul3A_450, %gather3A_699 : vector<16xf32>
    %add3A_701 = arith.constant 1 : i32
    %add3A_702 = vector.broadcast %add3A_701 : i32 to vector<16xi32>
    %add3A_703 = arith.addi %shift_right_logical3A_698, %add3A_702 : vector<16xi32>
    %select_n3A_704 = arith.select %le3A_700, %select_n3A_660, %add3A_703 : vector<16xi1>, vector<16xi32>
    %select_n3A_705 = arith.select %le3A_700, %shift_right_logical3A_698, %select_n3A_661 : vector<16xi1>, vector<16xi32>
    %add3A_706 = arith.addi %select_n3A_671, %select_n3A_672 : vector<16xi32>
    %shift_right_logical3A_707 = arith.constant 1 : i32
    %shift_right_logical3A_708 = vector.broadcast %shift_right_logical3A_707 : i32 to vector<16xi32>
    %shift_right_logical3A_709 = arith.shrui %add3A_706, %shift_right_logical3A_708 : vector<16xi32>
    %gather3A_710 = tpu.vector_load_idx %arg8[%shift_right_logical3A_709] : memref<512xf32, #tpu.memory_space<vmem>>[vector<16xi32>], vector<16xf32>,
    %le3A_711 = arith.cmpf ole, %mul3A_454, %gather3A_710 : vector<16xf32>
    %add3A_712 = arith.constant 1 : i32
    %add3A_713 = vector.broadcast %add3A_712 : i32 to vector<16xi32>
    %add3A_714 = arith.addi %shift_right_logical3A_709, %add3A_713 : vector<16xi32>
    %select_n3A_715 = arith.select %le3A_711, %select_n3A_671, %add3A_714 : vector<16xi1>, vector<16xi32>
    %select_n3A_716 = arith.select %le3A_711, %shift_right_logical3A_709, %select_n3A_672 : vector<16xi1>, vector<16xi32>
    %add3A_717 = arith.addi %select_n3A_682, %select_n3A_683 : vector<16xi32>
    %shift_right_logical3A_718 = arith.constant 1 : i32
    %shift_right_logical3A_719 = vector.broadcast %shift_right_logical3A_718 : i32 to vector<16xi32>
    %shift_right_logical3A_720 = arith.shrui %add3A_717, %shift_right_logical3A_719 : vector<16xi32>
    %gather3A_721 = tpu.vector_load_idx %arg8[%shift_right_logical3A_720] : memref<512xf32, #tpu.memory_space<vmem>>[vector<16xi32>], vector<16xf32>,
    %le3A_722 = arith.cmpf ole, %mul3A_458, %gather3A_721 : vector<16xf32>
    %add3A_723 = arith.constant 1 : i32
    %add3A_724 = vector.broadcast %add3A_723 : i32 to vector<16xi32>
    %add3A_725 = arith.addi %shift_right_logical3A_720, %add3A_724 : vector<16xi32>
    %select_n3A_726 = arith.select %le3A_722, %select_n3A_682, %add3A_725 : vector<16xi1>, vector<16xi32>
    %select_n3A_727 = arith.select %le3A_722, %shift_right_logical3A_720, %select_n3A_683 : vector<16xi1>, vector<16xi32>
    %add3A_728 = arith.addi %select_n3A_693, %select_n3A_694 : vector<16xi32>
    %shift_right_logical3A_729 = arith.constant 1 : i32
    %shift_right_logical3A_730 = vector.broadcast %shift_right_logical3A_729 : i32 to vector<16xi32>
    %shift_right_logical3A_731 = arith.shrui %add3A_728, %shift_right_logical3A_730 : vector<16xi32>
    %gather3A_732 = tpu.vector_load_idx %arg8[%shift_right_logical3A_731] : memref<512xf32, #tpu.memory_space<vmem>>[vector<16xi32>], vector<16xf32>,
    %le3A_733 = arith.cmpf ole, %mul3A_462, %gather3A_732 : vector<16xf32>
    %add3A_734 = arith.constant 1 : i32
    %add3A_735 = vector.broadcast %add3A_734 : i32 to vector<16xi32>
    %add3A_736 = arith.addi %shift_right_logical3A_731, %add3A_735 : vector<16xi32>
    %select_n3A_737 = arith.select %le3A_733, %select_n3A_693, %add3A_736 : vector<16xi1>, vector<16xi32>
    %select_n3A_738 = arith.select %le3A_733, %shift_right_logical3A_731, %select_n3A_694 : vector<16xi1>, vector<16xi32>
    %add3A_739 = arith.addi %select_n3A_704, %select_n3A_705 : vector<16xi32>
    %shift_right_logical3A_740 = arith.constant 1 : i32
    %shift_right_logical3A_741 = vector.broadcast %shift_right_logical3A_740 : i32 to vector<16xi32>
    %shift_right_logical3A_742 = arith.shrui %add3A_739, %shift_right_logical3A_741 : vector<16xi32>
    %gather3A_743 = tpu.vector_load_idx %arg8[%shift_right_logical3A_742] : memref<512xf32, #tpu.memory_space<vmem>>[vector<16xi32>], vector<16xf32>,
    %le3A_744 = arith.cmpf ole, %mul3A_450, %gather3A_743 : vector<16xf32>
    %add3A_745 = arith.constant 1 : i32
    %add3A_746 = vector.broadcast %add3A_745 : i32 to vector<16xi32>
    %add3A_747 = arith.addi %shift_right_logical3A_742, %add3A_746 : vector<16xi32>
    %select_n3A_748 = arith.select %le3A_744, %select_n3A_704, %add3A_747 : vector<16xi1>, vector<16xi32>
    %select_n3A_749 = arith.select %le3A_744, %shift_right_logical3A_742, %select_n3A_705 : vector<16xi1>, vector<16xi32>
    %add3A_750 = arith.addi %select_n3A_715, %select_n3A_716 : vector<16xi32>
    %shift_right_logical3A_751 = arith.constant 1 : i32
    %shift_right_logical3A_752 = vector.broadcast %shift_right_logical3A_751 : i32 to vector<16xi32>
    %shift_right_logical3A_753 = arith.shrui %add3A_750, %shift_right_logical3A_752 : vector<16xi32>
    %gather3A_754 = tpu.vector_load_idx %arg8[%shift_right_logical3A_753] : memref<512xf32, #tpu.memory_space<vmem>>[vector<16xi32>], vector<16xf32>,
    %le3A_755 = arith.cmpf ole, %mul3A_454, %gather3A_754 : vector<16xf32>
    %add3A_756 = arith.constant 1 : i32
    %add3A_757 = vector.broadcast %add3A_756 : i32 to vector<16xi32>
    %add3A_758 = arith.addi %shift_right_logical3A_753, %add3A_757 : vector<16xi32>
    %select_n3A_759 = arith.select %le3A_755, %select_n3A_715, %add3A_758 : vector<16xi1>, vector<16xi32>
    %select_n3A_760 = arith.select %le3A_755, %shift_right_logical3A_753, %select_n3A_716 : vector<16xi1>, vector<16xi32>
    %add3A_761 = arith.addi %select_n3A_726, %select_n3A_727 : vector<16xi32>
    %shift_right_logical3A_762 = arith.constant 1 : i32
    %shift_right_logical3A_763 = vector.broadcast %shift_right_logical3A_762 : i32 to vector<16xi32>
    %shift_right_logical3A_764 = arith.shrui %add3A_761, %shift_right_logical3A_763 : vector<16xi32>
    %gather3A_765 = tpu.vector_load_idx %arg8[%shift_right_logical3A_764] : memref<512xf32, #tpu.memory_space<vmem>>[vector<16xi32>], vector<16xf32>,
    %le3A_766 = arith.cmpf ole, %mul3A_458, %gather3A_765 : vector<16xf32>
    %add3A_767 = arith.constant 1 : i32
    %add3A_768 = vector.broadcast %add3A_767 : i32 to vector<16xi32>
    %add3A_769 = arith.addi %shift_right_logical3A_764, %add3A_768 : vector<16xi32>
    %select_n3A_770 = arith.select %le3A_766, %select_n3A_726, %add3A_769 : vector<16xi1>, vector<16xi32>
    %select_n3A_771 = arith.select %le3A_766, %shift_right_logical3A_764, %select_n3A_727 : vector<16xi1>, vector<16xi32>
    %add3A_772 = arith.addi %select_n3A_737, %select_n3A_738 : vector<16xi32>
    %shift_right_logical3A_773 = arith.constant 1 : i32
    %shift_right_logical3A_774 = vector.broadcast %shift_right_logical3A_773 : i32 to vector<16xi32>
    %shift_right_logical3A_775 = arith.shrui %add3A_772, %shift_right_logical3A_774 : vector<16xi32>
    %gather3A_776 = tpu.vector_load_idx %arg8[%shift_right_logical3A_775] : memref<512xf32, #tpu.memory_space<vmem>>[vector<16xi32>], vector<16xf32>,
    %le3A_777 = arith.cmpf ole, %mul3A_462, %gather3A_776 : vector<16xf32>
    %add3A_778 = arith.constant 1 : i32
    %add3A_779 = vector.broadcast %add3A_778 : i32 to vector<16xi32>
    %add3A_780 = arith.addi %shift_right_logical3A_775, %add3A_779 : vector<16xi32>
    %select_n3A_781 = arith.select %le3A_777, %select_n3A_737, %add3A_780 : vector<16xi1>, vector<16xi32>
    %select_n3A_782 = arith.select %le3A_777, %shift_right_logical3A_775, %select_n3A_738 : vector<16xi1>, vector<16xi32>
    %add3A_783 = arith.addi %select_n3A_748, %select_n3A_749 : vector<16xi32>
    %shift_right_logical3A_784 = arith.constant 1 : i32
    %shift_right_logical3A_785 = vector.broadcast %shift_right_logical3A_784 : i32 to vector<16xi32>
    %shift_right_logical3A_786 = arith.shrui %add3A_783, %shift_right_logical3A_785 : vector<16xi32>
    %gather3A_787 = tpu.vector_load_idx %arg8[%shift_right_logical3A_786] : memref<512xf32, #tpu.memory_space<vmem>>[vector<16xi32>], vector<16xf32>,
    %le3A_788 = arith.cmpf ole, %mul3A_450, %gather3A_787 : vector<16xf32>
    %add3A_789 = arith.constant 1 : i32
    %add3A_790 = vector.broadcast %add3A_789 : i32 to vector<16xi32>
    %add3A_791 = arith.addi %shift_right_logical3A_786, %add3A_790 : vector<16xi32>
    %select_n3A_792 = arith.select %le3A_788, %select_n3A_748, %add3A_791 : vector<16xi1>, vector<16xi32>
    %select_n3A_793 = arith.select %le3A_788, %shift_right_logical3A_786, %select_n3A_749 : vector<16xi1>, vector<16xi32>
    %add3A_794 = arith.addi %select_n3A_759, %select_n3A_760 : vector<16xi32>
    %shift_right_logical3A_795 = arith.constant 1 : i32
    %shift_right_logical3A_796 = vector.broadcast %shift_right_logical3A_795 : i32 to vector<16xi32>
    %shift_right_logical3A_797 = arith.shrui %add3A_794, %shift_right_logical3A_796 : vector<16xi32>
    %gather3A_798 = tpu.vector_load_idx %arg8[%shift_right_logical3A_797] : memref<512xf32, #tpu.memory_space<vmem>>[vector<16xi32>], vector<16xf32>,
    %le3A_799 = arith.cmpf ole, %mul3A_454, %gather3A_798 : vector<16xf32>
    %add3A_800 = arith.constant 1 : i32
    %add3A_801 = vector.broadcast %add3A_800 : i32 to vector<16xi32>
    %add3A_802 = arith.addi %shift_right_logical3A_797, %add3A_801 : vector<16xi32>
    %select_n3A_803 = arith.select %le3A_799, %select_n3A_759, %add3A_802 : vector<16xi1>, vector<16xi32>
    %select_n3A_804 = arith.select %le3A_799, %shift_right_logical3A_797, %select_n3A_760 : vector<16xi1>, vector<16xi32>
    %add3A_805 = arith.addi %select_n3A_770, %select_n3A_771 : vector<16xi32>
    %shift_right_logical3A_806 = arith.constant 1 : i32
    %shift_right_logical3A_807 = vector.broadcast %shift_right_logical3A_806 : i32 to vector<16xi32>
    %shift_right_logical3A_808 = arith.shrui %add3A_805, %shift_right_logical3A_807 : vector<16xi32>
    %gather3A_809 = tpu.vector_load_idx %arg8[%shift_right_logical3A_808] : memref<512xf32, #tpu.memory_space<vmem>>[vector<16xi32>], vector<16xf32>,
    %le3A_810 = arith.cmpf ole, %mul3A_458, %gather3A_809 : vector<16xf32>
    %add3A_811 = arith.constant 1 : i32
    %add3A_812 = vector.broadcast %add3A_811 : i32 to vector<16xi32>
    %add3A_813 = arith.addi %shift_right_logical3A_808, %add3A_812 : vector<16xi32>
    %select_n3A_814 = arith.select %le3A_810, %select_n3A_770, %add3A_813 : vector<16xi1>, vector<16xi32>
    %select_n3A_815 = arith.select %le3A_810, %shift_right_logical3A_808, %select_n3A_771 : vector<16xi1>, vector<16xi32>
    %add3A_816 = arith.addi %select_n3A_781, %select_n3A_782 : vector<16xi32>
    %shift_right_logical3A_817 = arith.constant 1 : i32
    %shift_right_logical3A_818 = vector.broadcast %shift_right_logical3A_817 : i32 to vector<16xi32>
    %shift_right_logical3A_819 = arith.shrui %add3A_816, %shift_right_logical3A_818 : vector<16xi32>
    %gather3A_820 = tpu.vector_load_idx %arg8[%shift_right_logical3A_819] : memref<512xf32, #tpu.memory_space<vmem>>[vector<16xi32>], vector<16xf32>,
    %le3A_821 = arith.cmpf ole, %mul3A_462, %gather3A_820 : vector<16xf32>
    %add3A_822 = arith.constant 1 : i32
    %add3A_823 = vector.broadcast %add3A_822 : i32 to vector<16xi32>
    %add3A_824 = arith.addi %shift_right_logical3A_819, %add3A_823 : vector<16xi32>
    %select_n3A_825 = arith.select %le3A_821, %select_n3A_781, %add3A_824 : vector<16xi1>, vector<16xi32>
    %select_n3A_826 = arith.select %le3A_821, %shift_right_logical3A_819, %select_n3A_782 : vector<16xi1>, vector<16xi32>
    %add3A_827 = arith.addi %select_n3A_792, %select_n3A_793 : vector<16xi32>
    %shift_right_logical3A_828 = arith.constant 1 : i32
    %shift_right_logical3A_829 = vector.broadcast %shift_right_logical3A_828 : i32 to vector<16xi32>
    %shift_right_logical3A_830 = arith.shrui %add3A_827, %shift_right_logical3A_829 : vector<16xi32>
    %gather3A_831 = tpu.vector_load_idx %arg8[%shift_right_logical3A_830] : memref<512xf32, #tpu.memory_space<vmem>>[vector<16xi32>], vector<16xf32>,
    %le3A_832 = arith.cmpf ole, %mul3A_450, %gather3A_831 : vector<16xf32>
    %add3A_833 = arith.constant 1 : i32
    %add3A_834 = vector.broadcast %add3A_833 : i32 to vector<16xi32>
    %add3A_835 = arith.addi %shift_right_logical3A_830, %add3A_834 : vector<16xi32>
    %select_n3A_836 = arith.select %le3A_832, %select_n3A_792, %add3A_835 : vector<16xi1>, vector<16xi32>
    %select_n3A_837 = arith.select %le3A_832, %shift_right_logical3A_830, %select_n3A_793 : vector<16xi1>, vector<16xi32>
    %add3A_838 = arith.addi %select_n3A_803, %select_n3A_804 : vector<16xi32>
    %shift_right_logical3A_839 = arith.constant 1 : i32
    %shift_right_logical3A_840 = vector.broadcast %shift_right_logical3A_839 : i32 to vector<16xi32>
    %shift_right_logical3A_841 = arith.shrui %add3A_838, %shift_right_logical3A_840 : vector<16xi32>
    %gather3A_842 = tpu.vector_load_idx %arg8[%shift_right_logical3A_841] : memref<512xf32, #tpu.memory_space<vmem>>[vector<16xi32>], vector<16xf32>,
    %le3A_843 = arith.cmpf ole, %mul3A_454, %gather3A_842 : vector<16xf32>
    %add3A_844 = arith.constant 1 : i32
    %add3A_845 = vector.broadcast %add3A_844 : i32 to vector<16xi32>
    %add3A_846 = arith.addi %shift_right_logical3A_841, %add3A_845 : vector<16xi32>
    %select_n3A_847 = arith.select %le3A_843, %select_n3A_803, %add3A_846 : vector<16xi1>, vector<16xi32>
    %select_n3A_848 = arith.select %le3A_843, %shift_right_logical3A_841, %select_n3A_804 : vector<16xi1>, vector<16xi32>
    %add3A_849 = arith.addi %select_n3A_814, %select_n3A_815 : vector<16xi32>
    %shift_right_logical3A_850 = arith.constant 1 : i32
    %shift_right_logical3A_851 = vector.broadcast %shift_right_logical3A_850 : i32 to vector<16xi32>
    %shift_right_logical3A_852 = arith.shrui %add3A_849, %shift_right_logical3A_851 : vector<16xi32>
    %gather3A_853 = tpu.vector_load_idx %arg8[%shift_right_logical3A_852] : memref<512xf32, #tpu.memory_space<vmem>>[vector<16xi32>], vector<16xf32>,
    %le3A_854 = arith.cmpf ole, %mul3A_458, %gather3A_853 : vector<16xf32>
    %add3A_855 = arith.constant 1 : i32
    %add3A_856 = vector.broadcast %add3A_855 : i32 to vector<16xi32>
    %add3A_857 = arith.addi %shift_right_logical3A_852, %add3A_856 : vector<16xi32>
    %select_n3A_858 = arith.select %le3A_854, %select_n3A_814, %add3A_857 : vector<16xi1>, vector<16xi32>
    %select_n3A_859 = arith.select %le3A_854, %shift_right_logical3A_852, %select_n3A_815 : vector<16xi1>, vector<16xi32>
    %add3A_860 = arith.addi %select_n3A_825, %select_n3A_826 : vector<16xi32>
    %shift_right_logical3A_861 = arith.constant 1 : i32
    %shift_right_logical3A_862 = vector.broadcast %shift_right_logical3A_861 : i32 to vector<16xi32>
    %shift_right_logical3A_863 = arith.shrui %add3A_860, %shift_right_logical3A_862 : vector<16xi32>
    %gather3A_864 = tpu.vector_load_idx %arg8[%shift_right_logical3A_863] : memref<512xf32, #tpu.memory_space<vmem>>[vector<16xi32>], vector<16xf32>,
    %le3A_865 = arith.cmpf ole, %mul3A_462, %gather3A_864 : vector<16xf32>
    %add3A_866 = arith.constant 1 : i32
    %add3A_867 = vector.broadcast %add3A_866 : i32 to vector<16xi32>
    %add3A_868 = arith.addi %shift_right_logical3A_863, %add3A_867 : vector<16xi32>
    %select_n3A_869 = arith.select %le3A_865, %select_n3A_825, %add3A_868 : vector<16xi1>, vector<16xi32>
    %select_n3A_870 = arith.select %le3A_865, %shift_right_logical3A_863, %select_n3A_826 : vector<16xi1>, vector<16xi32>
    %gather3A_871 = tpu.vector_load_idx %arg9[%select_n3A_836] : memref<512xf32, #tpu.memory_space<vmem>>[vector<16xi32>], vector<16xf32>,
    %sub3A_872 = arith.subf %mul3A_450, %gather3A_871 : vector<16xf32>
    %mul3A_873 = arith.constant 13 : i32
    %mul3A_874 = vector.broadcast %mul3A_873 : i32 to vector<16xi32>
    %mul3A_875 = arith.muli %select_n3A_836, %mul3A_874 : vector<16xi32>
    %broadcast_in_dim3A_876 = arith.constant 0 : i32
    %broadcast_in_dim3A_877 = vector.broadcast %broadcast_in_dim3A_876 : i32 to vector<16xi32>
    %broadcast_in_dim3A_878 = arith.constant 12 : i32
    %broadcast_in_dim3A_879 = vector.broadcast %broadcast_in_dim3A_878 : i32 to vector<16xi32>
    %gather3A_880 = tpu.vector_load_idx %arg9[%select_n3A_847] : memref<512xf32, #tpu.memory_space<vmem>>[vector<16xi32>], vector<16xf32>,
    %sub3A_881 = arith.subf %mul3A_454, %gather3A_880 : vector<16xf32>
    %mul3A_882 = arith.constant 13 : i32
    %mul3A_883 = vector.broadcast %mul3A_882 : i32 to vector<16xi32>
    %mul3A_884 = arith.muli %select_n3A_847, %mul3A_883 : vector<16xi32>
    %broadcast_in_dim3A_885 = arith.constant 0 : i32
    %broadcast_in_dim3A_886 = vector.broadcast %broadcast_in_dim3A_885 : i32 to vector<16xi32>
    %broadcast_in_dim3A_887 = arith.constant 12 : i32
    %broadcast_in_dim3A_888 = vector.broadcast %broadcast_in_dim3A_887 : i32 to vector<16xi32>
    %gather3A_889 = tpu.vector_load_idx %arg9[%select_n3A_858] : memref<512xf32, #tpu.memory_space<vmem>>[vector<16xi32>], vector<16xf32>,
    %sub3A_890 = arith.subf %mul3A_458, %gather3A_889 : vector<16xf32>
    %mul3A_891 = arith.constant 13 : i32
    %mul3A_892 = vector.broadcast %mul3A_891 : i32 to vector<16xi32>
    %mul3A_893 = arith.muli %select_n3A_858, %mul3A_892 : vector<16xi32>
    %broadcast_in_dim3A_894 = arith.constant 0 : i32
    %broadcast_in_dim3A_895 = vector.broadcast %broadcast_in_dim3A_894 : i32 to vector<16xi32>
    %broadcast_in_dim3A_896 = arith.constant 12 : i32
    %broadcast_in_dim3A_897 = vector.broadcast %broadcast_in_dim3A_896 : i32 to vector<16xi32>
    %gather3A_898 = tpu.vector_load_idx %arg9[%select_n3A_869] : memref<512xf32, #tpu.memory_space<vmem>>[vector<16xi32>], vector<16xf32>,
    %sub3A_899 = arith.subf %mul3A_462, %gather3A_898 : vector<16xf32>
    %mul3A_900 = arith.constant 13 : i32
    %mul3A_901 = vector.broadcast %mul3A_900 : i32 to vector<16xi32>
    %mul3A_902 = arith.muli %select_n3A_869, %mul3A_901 : vector<16xi32>
    %broadcast_in_dim3A_903 = arith.constant 0 : i32
    %broadcast_in_dim3A_904 = vector.broadcast %broadcast_in_dim3A_903 : i32 to vector<16xi32>
    %broadcast_in_dim3A_905 = arith.constant 12 : i32
    %broadcast_in_dim3A_906 = vector.broadcast %broadcast_in_dim3A_905 : i32 to vector<16xi32>
    %add3A_907 = arith.addi %broadcast_in_dim3A_877, %broadcast_in_dim3A_879 : vector<16xi32>
    %shift_right_logical3A_908 = arith.constant 1 : i32
    %shift_right_logical3A_909 = vector.broadcast %shift_right_logical3A_908 : i32 to vector<16xi32>
    %shift_right_logical3A_910 = arith.shrui %add3A_907, %shift_right_logical3A_909 : vector<16xi32>
    %add3A_911 = arith.addi %mul3A_875, %shift_right_logical3A_910 : vector<16xi32>
    %gather3A_912 = tpu.vector_load_idx %arg10[%add3A_911] : memref<6656xf32, #tpu.memory_space<vmem>>[vector<16xi32>], vector<16xf32>,
    %le3A_913 = arith.cmpf ole, %sub3A_872, %gather3A_912 : vector<16xf32>
    %add3A_914 = arith.constant 1 : i32
    %add3A_915 = vector.broadcast %add3A_914 : i32 to vector<16xi32>
    %add3A_916 = arith.addi %shift_right_logical3A_910, %add3A_915 : vector<16xi32>
    %select_n3A_917 = arith.select %le3A_913, %broadcast_in_dim3A_877, %add3A_916 : vector<16xi1>, vector<16xi32>
    %select_n3A_918 = arith.select %le3A_913, %shift_right_logical3A_910, %broadcast_in_dim3A_879 : vector<16xi1>, vector<16xi32>
    %add3A_919 = arith.addi %broadcast_in_dim3A_886, %broadcast_in_dim3A_888 : vector<16xi32>
    %shift_right_logical3A_920 = arith.constant 1 : i32
    %shift_right_logical3A_921 = vector.broadcast %shift_right_logical3A_920 : i32 to vector<16xi32>
    %shift_right_logical3A_922 = arith.shrui %add3A_919, %shift_right_logical3A_921 : vector<16xi32>
    %add3A_923 = arith.addi %mul3A_884, %shift_right_logical3A_922 : vector<16xi32>
    %gather3A_924 = tpu.vector_load_idx %arg10[%add3A_923] : memref<6656xf32, #tpu.memory_space<vmem>>[vector<16xi32>], vector<16xf32>,
    %le3A_925 = arith.cmpf ole, %sub3A_881, %gather3A_924 : vector<16xf32>
    %add3A_926 = arith.constant 1 : i32
    %add3A_927 = vector.broadcast %add3A_926 : i32 to vector<16xi32>
    %add3A_928 = arith.addi %shift_right_logical3A_922, %add3A_927 : vector<16xi32>
    %select_n3A_929 = arith.select %le3A_925, %broadcast_in_dim3A_886, %add3A_928 : vector<16xi1>, vector<16xi32>
    %select_n3A_930 = arith.select %le3A_925, %shift_right_logical3A_922, %broadcast_in_dim3A_888 : vector<16xi1>, vector<16xi32>
    %add3A_931 = arith.addi %broadcast_in_dim3A_895, %broadcast_in_dim3A_897 : vector<16xi32>
    %shift_right_logical3A_932 = arith.constant 1 : i32
    %shift_right_logical3A_933 = vector.broadcast %shift_right_logical3A_932 : i32 to vector<16xi32>
    %shift_right_logical3A_934 = arith.shrui %add3A_931, %shift_right_logical3A_933 : vector<16xi32>
    %add3A_935 = arith.addi %mul3A_893, %shift_right_logical3A_934 : vector<16xi32>
    %gather3A_936 = tpu.vector_load_idx %arg10[%add3A_935] : memref<6656xf32, #tpu.memory_space<vmem>>[vector<16xi32>], vector<16xf32>,
    %le3A_937 = arith.cmpf ole, %sub3A_890, %gather3A_936 : vector<16xf32>
    %add3A_938 = arith.constant 1 : i32
    %add3A_939 = vector.broadcast %add3A_938 : i32 to vector<16xi32>
    %add3A_940 = arith.addi %shift_right_logical3A_934, %add3A_939 : vector<16xi32>
    %select_n3A_941 = arith.select %le3A_937, %broadcast_in_dim3A_895, %add3A_940 : vector<16xi1>, vector<16xi32>
    %select_n3A_942 = arith.select %le3A_937, %shift_right_logical3A_934, %broadcast_in_dim3A_897 : vector<16xi1>, vector<16xi32>
    %add3A_943 = arith.addi %broadcast_in_dim3A_904, %broadcast_in_dim3A_906 : vector<16xi32>
    %shift_right_logical3A_944 = arith.constant 1 : i32
    %shift_right_logical3A_945 = vector.broadcast %shift_right_logical3A_944 : i32 to vector<16xi32>
    %shift_right_logical3A_946 = arith.shrui %add3A_943, %shift_right_logical3A_945 : vector<16xi32>
    %add3A_947 = arith.addi %mul3A_902, %shift_right_logical3A_946 : vector<16xi32>
    %gather3A_948 = tpu.vector_load_idx %arg10[%add3A_947] : memref<6656xf32, #tpu.memory_space<vmem>>[vector<16xi32>], vector<16xf32>,
    %le3A_949 = arith.cmpf ole, %sub3A_899, %gather3A_948 : vector<16xf32>
    %add3A_950 = arith.constant 1 : i32
    %add3A_951 = vector.broadcast %add3A_950 : i32 to vector<16xi32>
    %add3A_952 = arith.addi %shift_right_logical3A_946, %add3A_951 : vector<16xi32>
    %select_n3A_953 = arith.select %le3A_949, %broadcast_in_dim3A_904, %add3A_952 : vector<16xi1>, vector<16xi32>
    %select_n3A_954 = arith.select %le3A_949, %shift_right_logical3A_946, %broadcast_in_dim3A_906 : vector<16xi1>, vector<16xi32>
    %add3A_955 = arith.addi %select_n3A_917, %select_n3A_918 : vector<16xi32>
    %shift_right_logical3A_956 = arith.constant 1 : i32
    %shift_right_logical3A_957 = vector.broadcast %shift_right_logical3A_956 : i32 to vector<16xi32>
    %shift_right_logical3A_958 = arith.shrui %add3A_955, %shift_right_logical3A_957 : vector<16xi32>
    %add3A_959 = arith.addi %mul3A_875, %shift_right_logical3A_958 : vector<16xi32>
    %gather3A_960 = tpu.vector_load_idx %arg10[%add3A_959] : memref<6656xf32, #tpu.memory_space<vmem>>[vector<16xi32>], vector<16xf32>,
    %le3A_961 = arith.cmpf ole, %sub3A_872, %gather3A_960 : vector<16xf32>
    %add3A_962 = arith.constant 1 : i32
    %add3A_963 = vector.broadcast %add3A_962 : i32 to vector<16xi32>
    %add3A_964 = arith.addi %shift_right_logical3A_958, %add3A_963 : vector<16xi32>
    %select_n3A_965 = arith.select %le3A_961, %select_n3A_917, %add3A_964 : vector<16xi1>, vector<16xi32>
    %select_n3A_966 = arith.select %le3A_961, %shift_right_logical3A_958, %select_n3A_918 : vector<16xi1>, vector<16xi32>
    %add3A_967 = arith.addi %select_n3A_929, %select_n3A_930 : vector<16xi32>
    %shift_right_logical3A_968 = arith.constant 1 : i32
    %shift_right_logical3A_969 = vector.broadcast %shift_right_logical3A_968 : i32 to vector<16xi32>
    %shift_right_logical3A_970 = arith.shrui %add3A_967, %shift_right_logical3A_969 : vector<16xi32>
    %add3A_971 = arith.addi %mul3A_884, %shift_right_logical3A_970 : vector<16xi32>
    %gather3A_972 = tpu.vector_load_idx %arg10[%add3A_971] : memref<6656xf32, #tpu.memory_space<vmem>>[vector<16xi32>], vector<16xf32>,
    %le3A_973 = arith.cmpf ole, %sub3A_881, %gather3A_972 : vector<16xf32>
    %add3A_974 = arith.constant 1 : i32
    %add3A_975 = vector.broadcast %add3A_974 : i32 to vector<16xi32>
    %add3A_976 = arith.addi %shift_right_logical3A_970, %add3A_975 : vector<16xi32>
    %select_n3A_977 = arith.select %le3A_973, %select_n3A_929, %add3A_976 : vector<16xi1>, vector<16xi32>
    %select_n3A_978 = arith.select %le3A_973, %shift_right_logical3A_970, %select_n3A_930 : vector<16xi1>, vector<16xi32>
    %add3A_979 = arith.addi %select_n3A_941, %select_n3A_942 : vector<16xi32>
    %shift_right_logical3A_980 = arith.constant 1 : i32
    %shift_right_logical3A_981 = vector.broadcast %shift_right_logical3A_980 : i32 to vector<16xi32>
    %shift_right_logical3A_982 = arith.shrui %add3A_979, %shift_right_logical3A_981 : vector<16xi32>
    %add3A_983 = arith.addi %mul3A_893, %shift_right_logical3A_982 : vector<16xi32>
    %gather3A_984 = tpu.vector_load_idx %arg10[%add3A_983] : memref<6656xf32, #tpu.memory_space<vmem>>[vector<16xi32>], vector<16xf32>,
    %le3A_985 = arith.cmpf ole, %sub3A_890, %gather3A_984 : vector<16xf32>
    %add3A_986 = arith.constant 1 : i32
    %add3A_987 = vector.broadcast %add3A_986 : i32 to vector<16xi32>
    %add3A_988 = arith.addi %shift_right_logical3A_982, %add3A_987 : vector<16xi32>
    %select_n3A_989 = arith.select %le3A_985, %select_n3A_941, %add3A_988 : vector<16xi1>, vector<16xi32>
    %select_n3A_990 = arith.select %le3A_985, %shift_right_logical3A_982, %select_n3A_942 : vector<16xi1>, vector<16xi32>
    %add3A_991 = arith.addi %select_n3A_953, %select_n3A_954 : vector<16xi32>
    %shift_right_logical3A_992 = arith.constant 1 : i32
    %shift_right_logical3A_993 = vector.broadcast %shift_right_logical3A_992 : i32 to vector<16xi32>
    %shift_right_logical3A_994 = arith.shrui %add3A_991, %shift_right_logical3A_993 : vector<16xi32>
    %add3A_995 = arith.addi %mul3A_902, %shift_right_logical3A_994 : vector<16xi32>
    %gather3A_996 = tpu.vector_load_idx %arg10[%add3A_995] : memref<6656xf32, #tpu.memory_space<vmem>>[vector<16xi32>], vector<16xf32>,
    %le3A_997 = arith.cmpf ole, %sub3A_899, %gather3A_996 : vector<16xf32>
    %add3A_998 = arith.constant 1 : i32
    %add3A_999 = vector.broadcast %add3A_998 : i32 to vector<16xi32>
    %add3A_1000 = arith.addi %shift_right_logical3A_994, %add3A_999 : vector<16xi32>
    %select_n3A_1001 = arith.select %le3A_997, %select_n3A_953, %add3A_1000 : vector<16xi1>, vector<16xi32>
    %select_n3A_1002 = arith.select %le3A_997, %shift_right_logical3A_994, %select_n3A_954 : vector<16xi1>, vector<16xi32>
    %add3A_1003 = arith.addi %select_n3A_965, %select_n3A_966 : vector<16xi32>
    %shift_right_logical3A_1004 = arith.constant 1 : i32
    %shift_right_logical3A_1005 = vector.broadcast %shift_right_logical3A_1004 : i32 to vector<16xi32>
    %shift_right_logical3A_1006 = arith.shrui %add3A_1003, %shift_right_logical3A_1005 : vector<16xi32>
    %add3A_1007 = arith.addi %mul3A_875, %shift_right_logical3A_1006 : vector<16xi32>
    %gather3A_1008 = tpu.vector_load_idx %arg10[%add3A_1007] : memref<6656xf32, #tpu.memory_space<vmem>>[vector<16xi32>], vector<16xf32>,
    %le3A_1009 = arith.cmpf ole, %sub3A_872, %gather3A_1008 : vector<16xf32>
    %add3A_1010 = arith.constant 1 : i32
    %add3A_1011 = vector.broadcast %add3A_1010 : i32 to vector<16xi32>
    %add3A_1012 = arith.addi %shift_right_logical3A_1006, %add3A_1011 : vector<16xi32>
    %select_n3A_1013 = arith.select %le3A_1009, %select_n3A_965, %add3A_1012 : vector<16xi1>, vector<16xi32>
    %select_n3A_1014 = arith.select %le3A_1009, %shift_right_logical3A_1006, %select_n3A_966 : vector<16xi1>, vector<16xi32>
    %add3A_1015 = arith.addi %select_n3A_977, %select_n3A_978 : vector<16xi32>
    %shift_right_logical3A_1016 = arith.constant 1 : i32
    %shift_right_logical3A_1017 = vector.broadcast %shift_right_logical3A_1016 : i32 to vector<16xi32>
    %shift_right_logical3A_1018 = arith.shrui %add3A_1015, %shift_right_logical3A_1017 : vector<16xi32>
    %add3A_1019 = arith.addi %mul3A_884, %shift_right_logical3A_1018 : vector<16xi32>
    %gather3A_1020 = tpu.vector_load_idx %arg10[%add3A_1019] : memref<6656xf32, #tpu.memory_space<vmem>>[vector<16xi32>], vector<16xf32>,
    %le3A_1021 = arith.cmpf ole, %sub3A_881, %gather3A_1020 : vector<16xf32>
    %add3A_1022 = arith.constant 1 : i32
    %add3A_1023 = vector.broadcast %add3A_1022 : i32 to vector<16xi32>
    %add3A_1024 = arith.addi %shift_right_logical3A_1018, %add3A_1023 : vector<16xi32>
    %select_n3A_1025 = arith.select %le3A_1021, %select_n3A_977, %add3A_1024 : vector<16xi1>, vector<16xi32>
    %select_n3A_1026 = arith.select %le3A_1021, %shift_right_logical3A_1018, %select_n3A_978 : vector<16xi1>, vector<16xi32>
    %add3A_1027 = arith.addi %select_n3A_989, %select_n3A_990 : vector<16xi32>
    %shift_right_logical3A_1028 = arith.constant 1 : i32
    %shift_right_logical3A_1029 = vector.broadcast %shift_right_logical3A_1028 : i32 to vector<16xi32>
    %shift_right_logical3A_1030 = arith.shrui %add3A_1027, %shift_right_logical3A_1029 : vector<16xi32>
    %add3A_1031 = arith.addi %mul3A_893, %shift_right_logical3A_1030 : vector<16xi32>
    %gather3A_1032 = tpu.vector_load_idx %arg10[%add3A_1031] : memref<6656xf32, #tpu.memory_space<vmem>>[vector<16xi32>], vector<16xf32>,
    %le3A_1033 = arith.cmpf ole, %sub3A_890, %gather3A_1032 : vector<16xf32>
    %add3A_1034 = arith.constant 1 : i32
    %add3A_1035 = vector.broadcast %add3A_1034 : i32 to vector<16xi32>
    %add3A_1036 = arith.addi %shift_right_logical3A_1030, %add3A_1035 : vector<16xi32>
    %select_n3A_1037 = arith.select %le3A_1033, %select_n3A_989, %add3A_1036 : vector<16xi1>, vector<16xi32>
    %select_n3A_1038 = arith.select %le3A_1033, %shift_right_logical3A_1030, %select_n3A_990 : vector<16xi1>, vector<16xi32>
    %add3A_1039 = arith.addi %select_n3A_1001, %select_n3A_1002 : vector<16xi32>
    %shift_right_logical3A_1040 = arith.constant 1 : i32
    %shift_right_logical3A_1041 = vector.broadcast %shift_right_logical3A_1040 : i32 to vector<16xi32>
    %shift_right_logical3A_1042 = arith.shrui %add3A_1039, %shift_right_logical3A_1041 : vector<16xi32>
    %add3A_1043 = arith.addi %mul3A_902, %shift_right_logical3A_1042 : vector<16xi32>
    %gather3A_1044 = tpu.vector_load_idx %arg10[%add3A_1043] : memref<6656xf32, #tpu.memory_space<vmem>>[vector<16xi32>], vector<16xf32>,
    %le3A_1045 = arith.cmpf ole, %sub3A_899, %gather3A_1044 : vector<16xf32>
    %add3A_1046 = arith.constant 1 : i32
    %add3A_1047 = vector.broadcast %add3A_1046 : i32 to vector<16xi32>
    %add3A_1048 = arith.addi %shift_right_logical3A_1042, %add3A_1047 : vector<16xi32>
    %select_n3A_1049 = arith.select %le3A_1045, %select_n3A_1001, %add3A_1048 : vector<16xi1>, vector<16xi32>
    %select_n3A_1050 = arith.select %le3A_1045, %shift_right_logical3A_1042, %select_n3A_1002 : vector<16xi1>, vector<16xi32>
    %add3A_1051 = arith.addi %select_n3A_1013, %select_n3A_1014 : vector<16xi32>
    %shift_right_logical3A_1052 = arith.constant 1 : i32
    %shift_right_logical3A_1053 = vector.broadcast %shift_right_logical3A_1052 : i32 to vector<16xi32>
    %shift_right_logical3A_1054 = arith.shrui %add3A_1051, %shift_right_logical3A_1053 : vector<16xi32>
    %add3A_1055 = arith.addi %mul3A_875, %shift_right_logical3A_1054 : vector<16xi32>
    %gather3A_1056 = tpu.vector_load_idx %arg10[%add3A_1055] : memref<6656xf32, #tpu.memory_space<vmem>>[vector<16xi32>], vector<16xf32>,
    %le3A_1057 = arith.cmpf ole, %sub3A_872, %gather3A_1056 : vector<16xf32>
    %add3A_1058 = arith.constant 1 : i32
    %add3A_1059 = vector.broadcast %add3A_1058 : i32 to vector<16xi32>
    %add3A_1060 = arith.addi %shift_right_logical3A_1054, %add3A_1059 : vector<16xi32>
    %select_n3A_1061 = arith.select %le3A_1057, %select_n3A_1013, %add3A_1060 : vector<16xi1>, vector<16xi32>
    %select_n3A_1062 = arith.select %le3A_1057, %shift_right_logical3A_1054, %select_n3A_1014 : vector<16xi1>, vector<16xi32>
    %add3A_1063 = arith.addi %select_n3A_1025, %select_n3A_1026 : vector<16xi32>
    %shift_right_logical3A_1064 = arith.constant 1 : i32
    %shift_right_logical3A_1065 = vector.broadcast %shift_right_logical3A_1064 : i32 to vector<16xi32>
    %shift_right_logical3A_1066 = arith.shrui %add3A_1063, %shift_right_logical3A_1065 : vector<16xi32>
    %add3A_1067 = arith.addi %mul3A_884, %shift_right_logical3A_1066 : vector<16xi32>
    %gather3A_1068 = tpu.vector_load_idx %arg10[%add3A_1067] : memref<6656xf32, #tpu.memory_space<vmem>>[vector<16xi32>], vector<16xf32>,
    %le3A_1069 = arith.cmpf ole, %sub3A_881, %gather3A_1068 : vector<16xf32>
    %add3A_1070 = arith.constant 1 : i32
    %add3A_1071 = vector.broadcast %add3A_1070 : i32 to vector<16xi32>
    %add3A_1072 = arith.addi %shift_right_logical3A_1066, %add3A_1071 : vector<16xi32>
    %select_n3A_1073 = arith.select %le3A_1069, %select_n3A_1025, %add3A_1072 : vector<16xi1>, vector<16xi32>
    %select_n3A_1074 = arith.select %le3A_1069, %shift_right_logical3A_1066, %select_n3A_1026 : vector<16xi1>, vector<16xi32>
    %add3A_1075 = arith.addi %select_n3A_1037, %select_n3A_1038 : vector<16xi32>
    %shift_right_logical3A_1076 = arith.constant 1 : i32
    %shift_right_logical3A_1077 = vector.broadcast %shift_right_logical3A_1076 : i32 to vector<16xi32>
    %shift_right_logical3A_1078 = arith.shrui %add3A_1075, %shift_right_logical3A_1077 : vector<16xi32>
    %add3A_1079 = arith.addi %mul3A_893, %shift_right_logical3A_1078 : vector<16xi32>
    %gather3A_1080 = tpu.vector_load_idx %arg10[%add3A_1079] : memref<6656xf32, #tpu.memory_space<vmem>>[vector<16xi32>], vector<16xf32>,
    %le3A_1081 = arith.cmpf ole, %sub3A_890, %gather3A_1080 : vector<16xf32>
    %add3A_1082 = arith.constant 1 : i32
    %add3A_1083 = vector.broadcast %add3A_1082 : i32 to vector<16xi32>
    %add3A_1084 = arith.addi %shift_right_logical3A_1078, %add3A_1083 : vector<16xi32>
    %select_n3A_1085 = arith.select %le3A_1081, %select_n3A_1037, %add3A_1084 : vector<16xi1>, vector<16xi32>
    %select_n3A_1086 = arith.select %le3A_1081, %shift_right_logical3A_1078, %select_n3A_1038 : vector<16xi1>, vector<16xi32>
    %add3A_1087 = arith.addi %select_n3A_1049, %select_n3A_1050 : vector<16xi32>
    %shift_right_logical3A_1088 = arith.constant 1 : i32
    %shift_right_logical3A_1089 = vector.broadcast %shift_right_logical3A_1088 : i32 to vector<16xi32>
    %shift_right_logical3A_1090 = arith.shrui %add3A_1087, %shift_right_logical3A_1089 : vector<16xi32>
    %add3A_1091 = arith.addi %mul3A_902, %shift_right_logical3A_1090 : vector<16xi32>
    %gather3A_1092 = tpu.vector_load_idx %arg10[%add3A_1091] : memref<6656xf32, #tpu.memory_space<vmem>>[vector<16xi32>], vector<16xf32>,
    %le3A_1093 = arith.cmpf ole, %sub3A_899, %gather3A_1092 : vector<16xf32>
    %add3A_1094 = arith.constant 1 : i32
    %add3A_1095 = vector.broadcast %add3A_1094 : i32 to vector<16xi32>
    %add3A_1096 = arith.addi %shift_right_logical3A_1090, %add3A_1095 : vector<16xi32>
    %select_n3A_1097 = arith.select %le3A_1093, %select_n3A_1049, %add3A_1096 : vector<16xi1>, vector<16xi32>
    %select_n3A_1098 = arith.select %le3A_1093, %shift_right_logical3A_1090, %select_n3A_1050 : vector<16xi1>, vector<16xi32>
    %add3A_1099 = arith.addi %mul3A_875, %select_n3A_1061 : vector<16xi32>
    %swap3A_1100 = arith.constant 0 : i32
    %swap3A_1101 = arith.index_cast %swap3A_1100 : i32 to index
    %swap3A_1102 = arith.constant 0 : index
    %swap3A_1103 = tpu.vector_load %arg12[%swap3A_1101, %swap3A_1102] {strides = array<i32>} : memref<2x64xi32, #tpu.memory_space<vmem>>, vector<16xi32>,
    tpu.vector_store %arg12[%swap3A_1101, %swap3A_1102], %add3A_1099 {strides = array<i32>} : memref<2x64xi32, #tpu.memory_space<vmem>>, vector<16xi32>,
    %add3A_1104 = arith.addi %mul3A_884, %select_n3A_1073 : vector<16xi32>
    %swap3A_1105 = arith.constant 0 : i32
    %swap3A_1106 = arith.index_cast %swap3A_1105 : i32 to index
    %swap3A_1107 = arith.constant 16 : index
    %swap3A_1108 = tpu.vector_load %arg12[%swap3A_1106, %swap3A_1107] {strides = array<i32>} : memref<2x64xi32, #tpu.memory_space<vmem>>, vector<16xi32>,
    tpu.vector_store %arg12[%swap3A_1106, %swap3A_1107], %add3A_1104 {strides = array<i32>} : memref<2x64xi32, #tpu.memory_space<vmem>>, vector<16xi32>,
    %add3A_1109 = arith.addi %mul3A_893, %select_n3A_1085 : vector<16xi32>
    %swap3A_1110 = arith.constant 0 : i32
    %swap3A_1111 = arith.index_cast %swap3A_1110 : i32 to index
    %swap3A_1112 = arith.constant 32 : index
    %swap3A_1113 = tpu.vector_load %arg12[%swap3A_1111, %swap3A_1112] {strides = array<i32>} : memref<2x64xi32, #tpu.memory_space<vmem>>, vector<16xi32>,
    tpu.vector_store %arg12[%swap3A_1111, %swap3A_1112], %add3A_1109 {strides = array<i32>} : memref<2x64xi32, #tpu.memory_space<vmem>>, vector<16xi32>,
    %add3A_1114 = arith.addi %mul3A_902, %select_n3A_1097 : vector<16xi32>
    %swap3A_1115 = arith.constant 0 : i32
    %swap3A_1116 = arith.index_cast %swap3A_1115 : i32 to index
    %swap3A_1117 = arith.constant 48 : index
    %swap3A_1118 = tpu.vector_load %arg12[%swap3A_1116, %swap3A_1117] {strides = array<i32>} : memref<2x64xi32, #tpu.memory_space<vmem>>, vector<16xi32>,
    tpu.vector_store %arg12[%swap3A_1116, %swap3A_1117], %add3A_1114 {strides = array<i32>} : memref<2x64xi32, #tpu.memory_space<vmem>>, vector<16xi32>,
    %dma_start3A_1119 = arith.constant 0 : i32
    %dma_start3A_1120 = arith.constant 0 : i32
    %dma_start3A_1121 = arith.constant 0 : i32
    %dma_start3A_1122 = arith.constant 0 : i32
    %dma_start3A_1123 = tpu.memref_slice %arg13[%dma_start3A_1120, %dma_start3A_1121, %dma_start3A_1122] : memref<2x64x16xf32, #tpu.memory_space<vmem>> -> memref<1x64x16xf32, #tpu.memory_space<vmem>>
    %dma_start3A_1124 = tpu.memref_squeeze %dma_start3A_1123 : memref<1x64x16xf32, #tpu.memory_space<vmem>> -> memref<64x16xf32, #tpu.memory_space<vmem>>
    %dma_start3A_1125 = arith.constant 0 : i32
    %dma_start3A_1126 = tpu.memref_slice %arg12[%dma_start3A_1119, %dma_start3A_1125] : memref<2x64xi32, #tpu.memory_space<vmem>> -> memref<1x64xi32, #tpu.memory_space<vmem>>
    %dma_start3A_1127 = tpu.memref_squeeze %dma_start3A_1126 : memref<1x64xi32, #tpu.memory_space<vmem>> -> memref<64xi32, #tpu.memory_space<vmem>>
    %dma_start3A_1128 = arith.constant 0 : i32
    %dma_start3A_1129 = arith.constant 0 : i32
    %dma_start3A_1130 = tpu.memref_slice %arg2[%dma_start3A_1128, %dma_start3A_1129] : memref<6656x16xf32, #tpu.memory_space<hbm>> -> memref<6656x16xf32, #tpu.memory_space<hbm>>
    tpu.enqueue_indirect_dma source(%dma_start3A_1130 : memref<6656x16xf32, #tpu.memory_space<hbm>>) target(%dma_start3A_1124 : memref<64x16xf32, #tpu.memory_space<vmem>>) offsets(%dma_start3A_1127 : memref<64xi32, #tpu.memory_space<vmem>>) semaphore(%arg15 : memref<!tpu.dma_semaphore, #tpu.memory_space<semaphore_mem>>)
    %get3A_1131 = arith.constant 64 : index
    %get3A_1132 = tpu.vector_load %arg11[%get3A_1131] {strides = array<i32>} : memref<128xf32, #tpu.memory_space<vmem>>, vector<16xf32>,
    %mul3A_1133 = vector.broadcast %squeeze3A_446 : f32 to vector<16xf32>
    %mul3A_1134 = arith.mulf %get3A_1132, %mul3A_1133 : vector<16xf32>
    %get3A_1135 = arith.constant 80 : index
    %get3A_1136 = tpu.vector_load %arg11[%get3A_1135] {strides = array<i32>} : memref<128xf32, #tpu.memory_space<vmem>>, vector<16xf32>,
    %mul3A_1137 = vector.broadcast %squeeze3A_446 : f32 to vector<16xf32>
    %mul3A_1138 = arith.mulf %get3A_1136, %mul3A_1137 : vector<16xf32>
    %get3A_1139 = arith.constant 96 : index
    %get3A_1140 = tpu.vector_load %arg11[%get3A_1139] {strides = array<i32>} : memref<128xf32, #tpu.memory_space<vmem>>, vector<16xf32>,
    %mul3A_1141 = vector.broadcast %squeeze3A_446 : f32 to vector<16xf32>
    %mul3A_1142 = arith.mulf %get3A_1140, %mul3A_1141 : vector<16xf32>
    %get3A_1143 = arith.constant 112 : index
    %get3A_1144 = tpu.vector_load %arg11[%get3A_1143] {strides = array<i32>} : memref<128xf32, #tpu.memory_space<vmem>>, vector<16xf32>,
    %mul3A_1145 = vector.broadcast %squeeze3A_446 : f32 to vector<16xf32>
    %mul3A_1146 = arith.mulf %get3A_1144, %mul3A_1145 : vector<16xf32>
    %broadcast_in_dim3A_1147 = arith.constant 0 : i32
    %broadcast_in_dim3A_1148 = vector.broadcast %broadcast_in_dim3A_1147 : i32 to vector<16xi32>
    %broadcast_in_dim3A_1149 = arith.constant 0 : i32
    %broadcast_in_dim3A_1150 = vector.broadcast %broadcast_in_dim3A_1149 : i32 to vector<16xi32>
    %broadcast_in_dim3A_1151 = arith.constant 0 : i32
    %broadcast_in_dim3A_1152 = vector.broadcast %broadcast_in_dim3A_1151 : i32 to vector<16xi32>
    %broadcast_in_dim3A_1153 = arith.constant 0 : i32
    %broadcast_in_dim3A_1154 = vector.broadcast %broadcast_in_dim3A_1153 : i32 to vector<16xi32>
    %broadcast_in_dim3A_1155 = arith.constant 511 : i32
    %broadcast_in_dim3A_1156 = vector.broadcast %broadcast_in_dim3A_1155 : i32 to vector<16xi32>
    %broadcast_in_dim3A_1157 = arith.constant 511 : i32
    %broadcast_in_dim3A_1158 = vector.broadcast %broadcast_in_dim3A_1157 : i32 to vector<16xi32>
    %broadcast_in_dim3A_1159 = arith.constant 511 : i32
    %broadcast_in_dim3A_1160 = vector.broadcast %broadcast_in_dim3A_1159 : i32 to vector<16xi32>
    %broadcast_in_dim3A_1161 = arith.constant 511 : i32
    %broadcast_in_dim3A_1162 = vector.broadcast %broadcast_in_dim3A_1161 : i32 to vector<16xi32>
    %add3A_1163 = arith.addi %broadcast_in_dim3A_1148, %broadcast_in_dim3A_1156 : vector<16xi32>
    %shift_right_logical3A_1164 = arith.constant 1 : i32
    %shift_right_logical3A_1165 = vector.broadcast %shift_right_logical3A_1164 : i32 to vector<16xi32>
    %shift_right_logical3A_1166 = arith.shrui %add3A_1163, %shift_right_logical3A_1165 : vector<16xi32>
    %gather3A_1167 = tpu.vector_load_idx %arg8[%shift_right_logical3A_1166] : memref<512xf32, #tpu.memory_space<vmem>>[vector<16xi32>], vector<16xf32>,
    %le3A_1168 = arith.cmpf ole, %mul3A_1134, %gather3A_1167 : vector<16xf32>
    %add3A_1169 = arith.constant 1 : i32
    %add3A_1170 = vector.broadcast %add3A_1169 : i32 to vector<16xi32>
    %add3A_1171 = arith.addi %shift_right_logical3A_1166, %add3A_1170 : vector<16xi32>
    %select_n3A_1172 = arith.select %le3A_1168, %broadcast_in_dim3A_1148, %add3A_1171 : vector<16xi1>, vector<16xi32>
    %select_n3A_1173 = arith.select %le3A_1168, %shift_right_logical3A_1166, %broadcast_in_dim3A_1156 : vector<16xi1>, vector<16xi32>
    %add3A_1174 = arith.addi %broadcast_in_dim3A_1150, %broadcast_in_dim3A_1158 : vector<16xi32>
    %shift_right_logical3A_1175 = arith.constant 1 : i32
    %shift_right_logical3A_1176 = vector.broadcast %shift_right_logical3A_1175 : i32 to vector<16xi32>
    %shift_right_logical3A_1177 = arith.shrui %add3A_1174, %shift_right_logical3A_1176 : vector<16xi32>
    %gather3A_1178 = tpu.vector_load_idx %arg8[%shift_right_logical3A_1177] : memref<512xf32, #tpu.memory_space<vmem>>[vector<16xi32>], vector<16xf32>,
    %le3A_1179 = arith.cmpf ole, %mul3A_1138, %gather3A_1178 : vector<16xf32>
    %add3A_1180 = arith.constant 1 : i32
    %add3A_1181 = vector.broadcast %add3A_1180 : i32 to vector<16xi32>
    %add3A_1182 = arith.addi %shift_right_logical3A_1177, %add3A_1181 : vector<16xi32>
    %select_n3A_1183 = arith.select %le3A_1179, %broadcast_in_dim3A_1150, %add3A_1182 : vector<16xi1>, vector<16xi32>
    %select_n3A_1184 = arith.select %le3A_1179, %shift_right_logical3A_1177, %broadcast_in_dim3A_1158 : vector<16xi1>, vector<16xi32>
    %add3A_1185 = arith.addi %broadcast_in_dim3A_1152, %broadcast_in_dim3A_1160 : vector<16xi32>
    %shift_right_logical3A_1186 = arith.constant 1 : i32
    %shift_right_logical3A_1187 = vector.broadcast %shift_right_logical3A_1186 : i32 to vector<16xi32>
    %shift_right_logical3A_1188 = arith.shrui %add3A_1185, %shift_right_logical3A_1187 : vector<16xi32>
    %gather3A_1189 = tpu.vector_load_idx %arg8[%shift_right_logical3A_1188] : memref<512xf32, #tpu.memory_space<vmem>>[vector<16xi32>], vector<16xf32>,
    %le3A_1190 = arith.cmpf ole, %mul3A_1142, %gather3A_1189 : vector<16xf32>
    %add3A_1191 = arith.constant 1 : i32
    %add3A_1192 = vector.broadcast %add3A_1191 : i32 to vector<16xi32>
    %add3A_1193 = arith.addi %shift_right_logical3A_1188, %add3A_1192 : vector<16xi32>
    %select_n3A_1194 = arith.select %le3A_1190, %broadcast_in_dim3A_1152, %add3A_1193 : vector<16xi1>, vector<16xi32>
    %select_n3A_1195 = arith.select %le3A_1190, %shift_right_logical3A_1188, %broadcast_in_dim3A_1160 : vector<16xi1>, vector<16xi32>
    %add3A_1196 = arith.addi %broadcast_in_dim3A_1154, %broadcast_in_dim3A_1162 : vector<16xi32>
    %shift_right_logical3A_1197 = arith.constant 1 : i32
    %shift_right_logical3A_1198 = vector.broadcast %shift_right_logical3A_1197 : i32 to vector<16xi32>
    %shift_right_logical3A_1199 = arith.shrui %add3A_1196, %shift_right_logical3A_1198 : vector<16xi32>
    %gather3A_1200 = tpu.vector_load_idx %arg8[%shift_right_logical3A_1199] : memref<512xf32, #tpu.memory_space<vmem>>[vector<16xi32>], vector<16xf32>,
    %le3A_1201 = arith.cmpf ole, %mul3A_1146, %gather3A_1200 : vector<16xf32>
    %add3A_1202 = arith.constant 1 : i32
    %add3A_1203 = vector.broadcast %add3A_1202 : i32 to vector<16xi32>
    %add3A_1204 = arith.addi %shift_right_logical3A_1199, %add3A_1203 : vector<16xi32>
    %select_n3A_1205 = arith.select %le3A_1201, %broadcast_in_dim3A_1154, %add3A_1204 : vector<16xi1>, vector<16xi32>
    %select_n3A_1206 = arith.select %le3A_1201, %shift_right_logical3A_1199, %broadcast_in_dim3A_1162 : vector<16xi1>, vector<16xi32>
    %add3A_1207 = arith.addi %select_n3A_1172, %select_n3A_1173 : vector<16xi32>
    %shift_right_logical3A_1208 = arith.constant 1 : i32
    %shift_right_logical3A_1209 = vector.broadcast %shift_right_logical3A_1208 : i32 to vector<16xi32>
    %shift_right_logical3A_1210 = arith.shrui %add3A_1207, %shift_right_logical3A_1209 : vector<16xi32>
    %gather3A_1211 = tpu.vector_load_idx %arg8[%shift_right_logical3A_1210] : memref<512xf32, #tpu.memory_space<vmem>>[vector<16xi32>], vector<16xf32>,
    %le3A_1212 = arith.cmpf ole, %mul3A_1134, %gather3A_1211 : vector<16xf32>
    %add3A_1213 = arith.constant 1 : i32
    %add3A_1214 = vector.broadcast %add3A_1213 : i32 to vector<16xi32>
    %add3A_1215 = arith.addi %shift_right_logical3A_1210, %add3A_1214 : vector<16xi32>
    %select_n3A_1216 = arith.select %le3A_1212, %select_n3A_1172, %add3A_1215 : vector<16xi1>, vector<16xi32>
    %select_n3A_1217 = arith.select %le3A_1212, %shift_right_logical3A_1210, %select_n3A_1173 : vector<16xi1>, vector<16xi32>
    %add3A_1218 = arith.addi %select_n3A_1183, %select_n3A_1184 : vector<16xi32>
    %shift_right_logical3A_1219 = arith.constant 1 : i32
    %shift_right_logical3A_1220 = vector.broadcast %shift_right_logical3A_1219 : i32 to vector<16xi32>
    %shift_right_logical3A_1221 = arith.shrui %add3A_1218, %shift_right_logical3A_1220 : vector<16xi32>
    %gather3A_1222 = tpu.vector_load_idx %arg8[%shift_right_logical3A_1221] : memref<512xf32, #tpu.memory_space<vmem>>[vector<16xi32>], vector<16xf32>,
    %le3A_1223 = arith.cmpf ole, %mul3A_1138, %gather3A_1222 : vector<16xf32>
    %add3A_1224 = arith.constant 1 : i32
    %add3A_1225 = vector.broadcast %add3A_1224 : i32 to vector<16xi32>
    %add3A_1226 = arith.addi %shift_right_logical3A_1221, %add3A_1225 : vector<16xi32>
    %select_n3A_1227 = arith.select %le3A_1223, %select_n3A_1183, %add3A_1226 : vector<16xi1>, vector<16xi32>
    %select_n3A_1228 = arith.select %le3A_1223, %shift_right_logical3A_1221, %select_n3A_1184 : vector<16xi1>, vector<16xi32>
    %add3A_1229 = arith.addi %select_n3A_1194, %select_n3A_1195 : vector<16xi32>
    %shift_right_logical3A_1230 = arith.constant 1 : i32
    %shift_right_logical3A_1231 = vector.broadcast %shift_right_logical3A_1230 : i32 to vector<16xi32>
    %shift_right_logical3A_1232 = arith.shrui %add3A_1229, %shift_right_logical3A_1231 : vector<16xi32>
    %gather3A_1233 = tpu.vector_load_idx %arg8[%shift_right_logical3A_1232] : memref<512xf32, #tpu.memory_space<vmem>>[vector<16xi32>], vector<16xf32>,
    %le3A_1234 = arith.cmpf ole, %mul3A_1142, %gather3A_1233 : vector<16xf32>
    %add3A_1235 = arith.constant 1 : i32
    %add3A_1236 = vector.broadcast %add3A_1235 : i32 to vector<16xi32>
    %add3A_1237 = arith.addi %shift_right_logical3A_1232, %add3A_1236 : vector<16xi32>
    %select_n3A_1238 = arith.select %le3A_1234, %select_n3A_1194, %add3A_1237 : vector<16xi1>, vector<16xi32>
    %select_n3A_1239 = arith.select %le3A_1234, %shift_right_logical3A_1232, %select_n3A_1195 : vector<16xi1>, vector<16xi32>
    %add3A_1240 = arith.addi %select_n3A_1205, %select_n3A_1206 : vector<16xi32>
    %shift_right_logical3A_1241 = arith.constant 1 : i32
    %shift_right_logical3A_1242 = vector.broadcast %shift_right_logical3A_1241 : i32 to vector<16xi32>
    %shift_right_logical3A_1243 = arith.shrui %add3A_1240, %shift_right_logical3A_1242 : vector<16xi32>
    %gather3A_1244 = tpu.vector_load_idx %arg8[%shift_right_logical3A_1243] : memref<512xf32, #tpu.memory_space<vmem>>[vector<16xi32>], vector<16xf32>,
    %le3A_1245 = arith.cmpf ole, %mul3A_1146, %gather3A_1244 : vector<16xf32>
    %add3A_1246 = arith.constant 1 : i32
    %add3A_1247 = vector.broadcast %add3A_1246 : i32 to vector<16xi32>
    %add3A_1248 = arith.addi %shift_right_logical3A_1243, %add3A_1247 : vector<16xi32>
    %select_n3A_1249 = arith.select %le3A_1245, %select_n3A_1205, %add3A_1248 : vector<16xi1>, vector<16xi32>
    %select_n3A_1250 = arith.select %le3A_1245, %shift_right_logical3A_1243, %select_n3A_1206 : vector<16xi1>, vector<16xi32>
    %add3A_1251 = arith.addi %select_n3A_1216, %select_n3A_1217 : vector<16xi32>
    %shift_right_logical3A_1252 = arith.constant 1 : i32
    %shift_right_logical3A_1253 = vector.broadcast %shift_right_logical3A_1252 : i32 to vector<16xi32>
    %shift_right_logical3A_1254 = arith.shrui %add3A_1251, %shift_right_logical3A_1253 : vector<16xi32>
    %gather3A_1255 = tpu.vector_load_idx %arg8[%shift_right_logical3A_1254] : memref<512xf32, #tpu.memory_space<vmem>>[vector<16xi32>], vector<16xf32>,
    %le3A_1256 = arith.cmpf ole, %mul3A_1134, %gather3A_1255 : vector<16xf32>
    %add3A_1257 = arith.constant 1 : i32
    %add3A_1258 = vector.broadcast %add3A_1257 : i32 to vector<16xi32>
    %add3A_1259 = arith.addi %shift_right_logical3A_1254, %add3A_1258 : vector<16xi32>
    %select_n3A_1260 = arith.select %le3A_1256, %select_n3A_1216, %add3A_1259 : vector<16xi1>, vector<16xi32>
    %select_n3A_1261 = arith.select %le3A_1256, %shift_right_logical3A_1254, %select_n3A_1217 : vector<16xi1>, vector<16xi32>
    %add3A_1262 = arith.addi %select_n3A_1227, %select_n3A_1228 : vector<16xi32>
    %shift_right_logical3A_1263 = arith.constant 1 : i32
    %shift_right_logical3A_1264 = vector.broadcast %shift_right_logical3A_1263 : i32 to vector<16xi32>
    %shift_right_logical3A_1265 = arith.shrui %add3A_1262, %shift_right_logical3A_1264 : vector<16xi32>
    %gather3A_1266 = tpu.vector_load_idx %arg8[%shift_right_logical3A_1265] : memref<512xf32, #tpu.memory_space<vmem>>[vector<16xi32>], vector<16xf32>,
    %le3A_1267 = arith.cmpf ole, %mul3A_1138, %gather3A_1266 : vector<16xf32>
    %add3A_1268 = arith.constant 1 : i32
    %add3A_1269 = vector.broadcast %add3A_1268 : i32 to vector<16xi32>
    %add3A_1270 = arith.addi %shift_right_logical3A_1265, %add3A_1269 : vector<16xi32>
    %select_n3A_1271 = arith.select %le3A_1267, %select_n3A_1227, %add3A_1270 : vector<16xi1>, vector<16xi32>
    %select_n3A_1272 = arith.select %le3A_1267, %shift_right_logical3A_1265, %select_n3A_1228 : vector<16xi1>, vector<16xi32>
    %add3A_1273 = arith.addi %select_n3A_1238, %select_n3A_1239 : vector<16xi32>
    %shift_right_logical3A_1274 = arith.constant 1 : i32
    %shift_right_logical3A_1275 = vector.broadcast %shift_right_logical3A_1274 : i32 to vector<16xi32>
    %shift_right_logical3A_1276 = arith.shrui %add3A_1273, %shift_right_logical3A_1275 : vector<16xi32>
    %gather3A_1277 = tpu.vector_load_idx %arg8[%shift_right_logical3A_1276] : memref<512xf32, #tpu.memory_space<vmem>>[vector<16xi32>], vector<16xf32>,
    %le3A_1278 = arith.cmpf ole, %mul3A_1142, %gather3A_1277 : vector<16xf32>
    %add3A_1279 = arith.constant 1 : i32
    %add3A_1280 = vector.broadcast %add3A_1279 : i32 to vector<16xi32>
    %add3A_1281 = arith.addi %shift_right_logical3A_1276, %add3A_1280 : vector<16xi32>
    %select_n3A_1282 = arith.select %le3A_1278, %select_n3A_1238, %add3A_1281 : vector<16xi1>, vector<16xi32>
    %select_n3A_1283 = arith.select %le3A_1278, %shift_right_logical3A_1276, %select_n3A_1239 : vector<16xi1>, vector<16xi32>
    %add3A_1284 = arith.addi %select_n3A_1249, %select_n3A_1250 : vector<16xi32>
    %shift_right_logical3A_1285 = arith.constant 1 : i32
    %shift_right_logical3A_1286 = vector.broadcast %shift_right_logical3A_1285 : i32 to vector<16xi32>
    %shift_right_logical3A_1287 = arith.shrui %add3A_1284, %shift_right_logical3A_1286 : vector<16xi32>
    %gather3A_1288 = tpu.vector_load_idx %arg8[%shift_right_logical3A_1287] : memref<512xf32, #tpu.memory_space<vmem>>[vector<16xi32>], vector<16xf32>,
    %le3A_1289 = arith.cmpf ole, %mul3A_1146, %gather3A_1288 : vector<16xf32>
    %add3A_1290 = arith.constant 1 : i32
    %add3A_1291 = vector.broadcast %add3A_1290 : i32 to vector<16xi32>
    %add3A_1292 = arith.addi %shift_right_logical3A_1287, %add3A_1291 : vector<16xi32>
    %select_n3A_1293 = arith.select %le3A_1289, %select_n3A_1249, %add3A_1292 : vector<16xi1>, vector<16xi32>
    %select_n3A_1294 = arith.select %le3A_1289, %shift_right_logical3A_1287, %select_n3A_1250 : vector<16xi1>, vector<16xi32>
    %add3A_1295 = arith.addi %select_n3A_1260, %select_n3A_1261 : vector<16xi32>
    %shift_right_logical3A_1296 = arith.constant 1 : i32
    %shift_right_logical3A_1297 = vector.broadcast %shift_right_logical3A_1296 : i32 to vector<16xi32>
    %shift_right_logical3A_1298 = arith.shrui %add3A_1295, %shift_right_logical3A_1297 : vector<16xi32>
    %gather3A_1299 = tpu.vector_load_idx %arg8[%shift_right_logical3A_1298] : memref<512xf32, #tpu.memory_space<vmem>>[vector<16xi32>], vector<16xf32>,
    %le3A_1300 = arith.cmpf ole, %mul3A_1134, %gather3A_1299 : vector<16xf32>
    %add3A_1301 = arith.constant 1 : i32
    %add3A_1302 = vector.broadcast %add3A_1301 : i32 to vector<16xi32>
    %add3A_1303 = arith.addi %shift_right_logical3A_1298, %add3A_1302 : vector<16xi32>
    %select_n3A_1304 = arith.select %le3A_1300, %select_n3A_1260, %add3A_1303 : vector<16xi1>, vector<16xi32>
    %select_n3A_1305 = arith.select %le3A_1300, %shift_right_logical3A_1298, %select_n3A_1261 : vector<16xi1>, vector<16xi32>
    %add3A_1306 = arith.addi %select_n3A_1271, %select_n3A_1272 : vector<16xi32>
    %shift_right_logical3A_1307 = arith.constant 1 : i32
    %shift_right_logical3A_1308 = vector.broadcast %shift_right_logical3A_1307 : i32 to vector<16xi32>
    %shift_right_logical3A_1309 = arith.shrui %add3A_1306, %shift_right_logical3A_1308 : vector<16xi32>
    %gather3A_1310 = tpu.vector_load_idx %arg8[%shift_right_logical3A_1309] : memref<512xf32, #tpu.memory_space<vmem>>[vector<16xi32>], vector<16xf32>,
    %le3A_1311 = arith.cmpf ole, %mul3A_1138, %gather3A_1310 : vector<16xf32>
    %add3A_1312 = arith.constant 1 : i32
    %add3A_1313 = vector.broadcast %add3A_1312 : i32 to vector<16xi32>
    %add3A_1314 = arith.addi %shift_right_logical3A_1309, %add3A_1313 : vector<16xi32>
    %select_n3A_1315 = arith.select %le3A_1311, %select_n3A_1271, %add3A_1314 : vector<16xi1>, vector<16xi32>
    %select_n3A_1316 = arith.select %le3A_1311, %shift_right_logical3A_1309, %select_n3A_1272 : vector<16xi1>, vector<16xi32>
    %add3A_1317 = arith.addi %select_n3A_1282, %select_n3A_1283 : vector<16xi32>
    %shift_right_logical3A_1318 = arith.constant 1 : i32
    %shift_right_logical3A_1319 = vector.broadcast %shift_right_logical3A_1318 : i32 to vector<16xi32>
    %shift_right_logical3A_1320 = arith.shrui %add3A_1317, %shift_right_logical3A_1319 : vector<16xi32>
    %gather3A_1321 = tpu.vector_load_idx %arg8[%shift_right_logical3A_1320] : memref<512xf32, #tpu.memory_space<vmem>>[vector<16xi32>], vector<16xf32>,
    %le3A_1322 = arith.cmpf ole, %mul3A_1142, %gather3A_1321 : vector<16xf32>
    %add3A_1323 = arith.constant 1 : i32
    %add3A_1324 = vector.broadcast %add3A_1323 : i32 to vector<16xi32>
    %add3A_1325 = arith.addi %shift_right_logical3A_1320, %add3A_1324 : vector<16xi32>
    %select_n3A_1326 = arith.select %le3A_1322, %select_n3A_1282, %add3A_1325 : vector<16xi1>, vector<16xi32>
    %select_n3A_1327 = arith.select %le3A_1322, %shift_right_logical3A_1320, %select_n3A_1283 : vector<16xi1>, vector<16xi32>
    %add3A_1328 = arith.addi %select_n3A_1293, %select_n3A_1294 : vector<16xi32>
    %shift_right_logical3A_1329 = arith.constant 1 : i32
    %shift_right_logical3A_1330 = vector.broadcast %shift_right_logical3A_1329 : i32 to vector<16xi32>
    %shift_right_logical3A_1331 = arith.shrui %add3A_1328, %shift_right_logical3A_1330 : vector<16xi32>
    %gather3A_1332 = tpu.vector_load_idx %arg8[%shift_right_logical3A_1331] : memref<512xf32, #tpu.memory_space<vmem>>[vector<16xi32>], vector<16xf32>,
    %le3A_1333 = arith.cmpf ole, %mul3A_1146, %gather3A_1332 : vector<16xf32>
    %add3A_1334 = arith.constant 1 : i32
    %add3A_1335 = vector.broadcast %add3A_1334 : i32 to vector<16xi32>
    %add3A_1336 = arith.addi %shift_right_logical3A_1331, %add3A_1335 : vector<16xi32>
    %select_n3A_1337 = arith.select %le3A_1333, %select_n3A_1293, %add3A_1336 : vector<16xi1>, vector<16xi32>
    %select_n3A_1338 = arith.select %le3A_1333, %shift_right_logical3A_1331, %select_n3A_1294 : vector<16xi1>, vector<16xi32>
    %add3A_1339 = arith.addi %select_n3A_1304, %select_n3A_1305 : vector<16xi32>
    %shift_right_logical3A_1340 = arith.constant 1 : i32
    %shift_right_logical3A_1341 = vector.broadcast %shift_right_logical3A_1340 : i32 to vector<16xi32>
    %shift_right_logical3A_1342 = arith.shrui %add3A_1339, %shift_right_logical3A_1341 : vector<16xi32>
    %gather3A_1343 = tpu.vector_load_idx %arg8[%shift_right_logical3A_1342] : memref<512xf32, #tpu.memory_space<vmem>>[vector<16xi32>], vector<16xf32>,
    %le3A_1344 = arith.cmpf ole, %mul3A_1134, %gather3A_1343 : vector<16xf32>
    %add3A_1345 = arith.constant 1 : i32
    %add3A_1346 = vector.broadcast %add3A_1345 : i32 to vector<16xi32>
    %add3A_1347 = arith.addi %shift_right_logical3A_1342, %add3A_1346 : vector<16xi32>
    %select_n3A_1348 = arith.select %le3A_1344, %select_n3A_1304, %add3A_1347 : vector<16xi1>, vector<16xi32>
    %select_n3A_1349 = arith.select %le3A_1344, %shift_right_logical3A_1342, %select_n3A_1305 : vector<16xi1>, vector<16xi32>
    %add3A_1350 = arith.addi %select_n3A_1315, %select_n3A_1316 : vector<16xi32>
    %shift_right_logical3A_1351 = arith.constant 1 : i32
    %shift_right_logical3A_1352 = vector.broadcast %shift_right_logical3A_1351 : i32 to vector<16xi32>
    %shift_right_logical3A_1353 = arith.shrui %add3A_1350, %shift_right_logical3A_1352 : vector<16xi32>
    %gather3A_1354 = tpu.vector_load_idx %arg8[%shift_right_logical3A_1353] : memref<512xf32, #tpu.memory_space<vmem>>[vector<16xi32>], vector<16xf32>,
    %le3A_1355 = arith.cmpf ole, %mul3A_1138, %gather3A_1354 : vector<16xf32>
    %add3A_1356 = arith.constant 1 : i32
    %add3A_1357 = vector.broadcast %add3A_1356 : i32 to vector<16xi32>
    %add3A_1358 = arith.addi %shift_right_logical3A_1353, %add3A_1357 : vector<16xi32>
    %select_n3A_1359 = arith.select %le3A_1355, %select_n3A_1315, %add3A_1358 : vector<16xi1>, vector<16xi32>
    %select_n3A_1360 = arith.select %le3A_1355, %shift_right_logical3A_1353, %select_n3A_1316 : vector<16xi1>, vector<16xi32>
    %add3A_1361 = arith.addi %select_n3A_1326, %select_n3A_1327 : vector<16xi32>
    %shift_right_logical3A_1362 = arith.constant 1 : i32
    %shift_right_logical3A_1363 = vector.broadcast %shift_right_logical3A_1362 : i32 to vector<16xi32>
    %shift_right_logical3A_1364 = arith.shrui %add3A_1361, %shift_right_logical3A_1363 : vector<16xi32>
    %gather3A_1365 = tpu.vector_load_idx %arg8[%shift_right_logical3A_1364] : memref<512xf32, #tpu.memory_space<vmem>>[vector<16xi32>], vector<16xf32>,
    %le3A_1366 = arith.cmpf ole, %mul3A_1142, %gather3A_1365 : vector<16xf32>
    %add3A_1367 = arith.constant 1 : i32
    %add3A_1368 = vector.broadcast %add3A_1367 : i32 to vector<16xi32>
    %add3A_1369 = arith.addi %shift_right_logical3A_1364, %add3A_1368 : vector<16xi32>
    %select_n3A_1370 = arith.select %le3A_1366, %select_n3A_1326, %add3A_1369 : vector<16xi1>, vector<16xi32>
    %select_n3A_1371 = arith.select %le3A_1366, %shift_right_logical3A_1364, %select_n3A_1327 : vector<16xi1>, vector<16xi32>
    %add3A_1372 = arith.addi %select_n3A_1337, %select_n3A_1338 : vector<16xi32>
    %shift_right_logical3A_1373 = arith.constant 1 : i32
    %shift_right_logical3A_1374 = vector.broadcast %shift_right_logical3A_1373 : i32 to vector<16xi32>
    %shift_right_logical3A_1375 = arith.shrui %add3A_1372, %shift_right_logical3A_1374 : vector<16xi32>
    %gather3A_1376 = tpu.vector_load_idx %arg8[%shift_right_logical3A_1375] : memref<512xf32, #tpu.memory_space<vmem>>[vector<16xi32>], vector<16xf32>,
    %le3A_1377 = arith.cmpf ole, %mul3A_1146, %gather3A_1376 : vector<16xf32>
    %add3A_1378 = arith.constant 1 : i32
    %add3A_1379 = vector.broadcast %add3A_1378 : i32 to vector<16xi32>
    %add3A_1380 = arith.addi %shift_right_logical3A_1375, %add3A_1379 : vector<16xi32>
    %select_n3A_1381 = arith.select %le3A_1377, %select_n3A_1337, %add3A_1380 : vector<16xi1>, vector<16xi32>
    %select_n3A_1382 = arith.select %le3A_1377, %shift_right_logical3A_1375, %select_n3A_1338 : vector<16xi1>, vector<16xi32>
    %add3A_1383 = arith.addi %select_n3A_1348, %select_n3A_1349 : vector<16xi32>
    %shift_right_logical3A_1384 = arith.constant 1 : i32
    %shift_right_logical3A_1385 = vector.broadcast %shift_right_logical3A_1384 : i32 to vector<16xi32>
    %shift_right_logical3A_1386 = arith.shrui %add3A_1383, %shift_right_logical3A_1385 : vector<16xi32>
    %gather3A_1387 = tpu.vector_load_idx %arg8[%shift_right_logical3A_1386] : memref<512xf32, #tpu.memory_space<vmem>>[vector<16xi32>], vector<16xf32>,
    %le3A_1388 = arith.cmpf ole, %mul3A_1134, %gather3A_1387 : vector<16xf32>
    %add3A_1389 = arith.constant 1 : i32
    %add3A_1390 = vector.broadcast %add3A_1389 : i32 to vector<16xi32>
    %add3A_1391 = arith.addi %shift_right_logical3A_1386, %add3A_1390 : vector<16xi32>
    %select_n3A_1392 = arith.select %le3A_1388, %select_n3A_1348, %add3A_1391 : vector<16xi1>, vector<16xi32>
    %select_n3A_1393 = arith.select %le3A_1388, %shift_right_logical3A_1386, %select_n3A_1349 : vector<16xi1>, vector<16xi32>
    %add3A_1394 = arith.addi %select_n3A_1359, %select_n3A_1360 : vector<16xi32>
    %shift_right_logical3A_1395 = arith.constant 1 : i32
    %shift_right_logical3A_1396 = vector.broadcast %shift_right_logical3A_1395 : i32 to vector<16xi32>
    %shift_right_logical3A_1397 = arith.shrui %add3A_1394, %shift_right_logical3A_1396 : vector<16xi32>
    %gather3A_1398 = tpu.vector_load_idx %arg8[%shift_right_logical3A_1397] : memref<512xf32, #tpu.memory_space<vmem>>[vector<16xi32>], vector<16xf32>,
    %le3A_1399 = arith.cmpf ole, %mul3A_1138, %gather3A_1398 : vector<16xf32>
    %add3A_1400 = arith.constant 1 : i32
    %add3A_1401 = vector.broadcast %add3A_1400 : i32 to vector<16xi32>
    %add3A_1402 = arith.addi %shift_right_logical3A_1397, %add3A_1401 : vector<16xi32>
    %select_n3A_1403 = arith.select %le3A_1399, %select_n3A_1359, %add3A_1402 : vector<16xi1>, vector<16xi32>
    %select_n3A_1404 = arith.select %le3A_1399, %shift_right_logical3A_1397, %select_n3A_1360 : vector<16xi1>, vector<16xi32>
    %add3A_1405 = arith.addi %select_n3A_1370, %select_n3A_1371 : vector<16xi32>
    %shift_right_logical3A_1406 = arith.constant 1 : i32
    %shift_right_logical3A_1407 = vector.broadcast %shift_right_logical3A_1406 : i32 to vector<16xi32>
    %shift_right_logical3A_1408 = arith.shrui %add3A_1405, %shift_right_logical3A_1407 : vector<16xi32>
    %gather3A_1409 = tpu.vector_load_idx %arg8[%shift_right_logical3A_1408] : memref<512xf32, #tpu.memory_space<vmem>>[vector<16xi32>], vector<16xf32>,
    %le3A_1410 = arith.cmpf ole, %mul3A_1142, %gather3A_1409 : vector<16xf32>
    %add3A_1411 = arith.constant 1 : i32
    %add3A_1412 = vector.broadcast %add3A_1411 : i32 to vector<16xi32>
    %add3A_1413 = arith.addi %shift_right_logical3A_1408, %add3A_1412 : vector<16xi32>
    %select_n3A_1414 = arith.select %le3A_1410, %select_n3A_1370, %add3A_1413 : vector<16xi1>, vector<16xi32>
    %select_n3A_1415 = arith.select %le3A_1410, %shift_right_logical3A_1408, %select_n3A_1371 : vector<16xi1>, vector<16xi32>
    %add3A_1416 = arith.addi %select_n3A_1381, %select_n3A_1382 : vector<16xi32>
    %shift_right_logical3A_1417 = arith.constant 1 : i32
    %shift_right_logical3A_1418 = vector.broadcast %shift_right_logical3A_1417 : i32 to vector<16xi32>
    %shift_right_logical3A_1419 = arith.shrui %add3A_1416, %shift_right_logical3A_1418 : vector<16xi32>
    %gather3A_1420 = tpu.vector_load_idx %arg8[%shift_right_logical3A_1419] : memref<512xf32, #tpu.memory_space<vmem>>[vector<16xi32>], vector<16xf32>,
    %le3A_1421 = arith.cmpf ole, %mul3A_1146, %gather3A_1420 : vector<16xf32>
    %add3A_1422 = arith.constant 1 : i32
    %add3A_1423 = vector.broadcast %add3A_1422 : i32 to vector<16xi32>
    %add3A_1424 = arith.addi %shift_right_logical3A_1419, %add3A_1423 : vector<16xi32>
    %select_n3A_1425 = arith.select %le3A_1421, %select_n3A_1381, %add3A_1424 : vector<16xi1>, vector<16xi32>
    %select_n3A_1426 = arith.select %le3A_1421, %shift_right_logical3A_1419, %select_n3A_1382 : vector<16xi1>, vector<16xi32>
    %add3A_1427 = arith.addi %select_n3A_1392, %select_n3A_1393 : vector<16xi32>
    %shift_right_logical3A_1428 = arith.constant 1 : i32
    %shift_right_logical3A_1429 = vector.broadcast %shift_right_logical3A_1428 : i32 to vector<16xi32>
    %shift_right_logical3A_1430 = arith.shrui %add3A_1427, %shift_right_logical3A_1429 : vector<16xi32>
    %gather3A_1431 = tpu.vector_load_idx %arg8[%shift_right_logical3A_1430] : memref<512xf32, #tpu.memory_space<vmem>>[vector<16xi32>], vector<16xf32>,
    %le3A_1432 = arith.cmpf ole, %mul3A_1134, %gather3A_1431 : vector<16xf32>
    %add3A_1433 = arith.constant 1 : i32
    %add3A_1434 = vector.broadcast %add3A_1433 : i32 to vector<16xi32>
    %add3A_1435 = arith.addi %shift_right_logical3A_1430, %add3A_1434 : vector<16xi32>
    %select_n3A_1436 = arith.select %le3A_1432, %select_n3A_1392, %add3A_1435 : vector<16xi1>, vector<16xi32>
    %select_n3A_1437 = arith.select %le3A_1432, %shift_right_logical3A_1430, %select_n3A_1393 : vector<16xi1>, vector<16xi32>
    %add3A_1438 = arith.addi %select_n3A_1403, %select_n3A_1404 : vector<16xi32>
    %shift_right_logical3A_1439 = arith.constant 1 : i32
    %shift_right_logical3A_1440 = vector.broadcast %shift_right_logical3A_1439 : i32 to vector<16xi32>
    %shift_right_logical3A_1441 = arith.shrui %add3A_1438, %shift_right_logical3A_1440 : vector<16xi32>
    %gather3A_1442 = tpu.vector_load_idx %arg8[%shift_right_logical3A_1441] : memref<512xf32, #tpu.memory_space<vmem>>[vector<16xi32>], vector<16xf32>,
    %le3A_1443 = arith.cmpf ole, %mul3A_1138, %gather3A_1442 : vector<16xf32>
    %add3A_1444 = arith.constant 1 : i32
    %add3A_1445 = vector.broadcast %add3A_1444 : i32 to vector<16xi32>
    %add3A_1446 = arith.addi %shift_right_logical3A_1441, %add3A_1445 : vector<16xi32>
    %select_n3A_1447 = arith.select %le3A_1443, %select_n3A_1403, %add3A_1446 : vector<16xi1>, vector<16xi32>
    %select_n3A_1448 = arith.select %le3A_1443, %shift_right_logical3A_1441, %select_n3A_1404 : vector<16xi1>, vector<16xi32>
    %add3A_1449 = arith.addi %select_n3A_1414, %select_n3A_1415 : vector<16xi32>
    %shift_right_logical3A_1450 = arith.constant 1 : i32
    %shift_right_logical3A_1451 = vector.broadcast %shift_right_logical3A_1450 : i32 to vector<16xi32>
    %shift_right_logical3A_1452 = arith.shrui %add3A_1449, %shift_right_logical3A_1451 : vector<16xi32>
    %gather3A_1453 = tpu.vector_load_idx %arg8[%shift_right_logical3A_1452] : memref<512xf32, #tpu.memory_space<vmem>>[vector<16xi32>], vector<16xf32>,
    %le3A_1454 = arith.cmpf ole, %mul3A_1142, %gather3A_1453 : vector<16xf32>
    %add3A_1455 = arith.constant 1 : i32
    %add3A_1456 = vector.broadcast %add3A_1455 : i32 to vector<16xi32>
    %add3A_1457 = arith.addi %shift_right_logical3A_1452, %add3A_1456 : vector<16xi32>
    %select_n3A_1458 = arith.select %le3A_1454, %select_n3A_1414, %add3A_1457 : vector<16xi1>, vector<16xi32>
    %select_n3A_1459 = arith.select %le3A_1454, %shift_right_logical3A_1452, %select_n3A_1415 : vector<16xi1>, vector<16xi32>
    %add3A_1460 = arith.addi %select_n3A_1425, %select_n3A_1426 : vector<16xi32>
    %shift_right_logical3A_1461 = arith.constant 1 : i32
    %shift_right_logical3A_1462 = vector.broadcast %shift_right_logical3A_1461 : i32 to vector<16xi32>
    %shift_right_logical3A_1463 = arith.shrui %add3A_1460, %shift_right_logical3A_1462 : vector<16xi32>
    %gather3A_1464 = tpu.vector_load_idx %arg8[%shift_right_logical3A_1463] : memref<512xf32, #tpu.memory_space<vmem>>[vector<16xi32>], vector<16xf32>,
    %le3A_1465 = arith.cmpf ole, %mul3A_1146, %gather3A_1464 : vector<16xf32>
    %add3A_1466 = arith.constant 1 : i32
    %add3A_1467 = vector.broadcast %add3A_1466 : i32 to vector<16xi32>
    %add3A_1468 = arith.addi %shift_right_logical3A_1463, %add3A_1467 : vector<16xi32>
    %select_n3A_1469 = arith.select %le3A_1465, %select_n3A_1425, %add3A_1468 : vector<16xi1>, vector<16xi32>
    %select_n3A_1470 = arith.select %le3A_1465, %shift_right_logical3A_1463, %select_n3A_1426 : vector<16xi1>, vector<16xi32>
    %add3A_1471 = arith.addi %select_n3A_1436, %select_n3A_1437 : vector<16xi32>
    %shift_right_logical3A_1472 = arith.constant 1 : i32
    %shift_right_logical3A_1473 = vector.broadcast %shift_right_logical3A_1472 : i32 to vector<16xi32>
    %shift_right_logical3A_1474 = arith.shrui %add3A_1471, %shift_right_logical3A_1473 : vector<16xi32>
    %gather3A_1475 = tpu.vector_load_idx %arg8[%shift_right_logical3A_1474] : memref<512xf32, #tpu.memory_space<vmem>>[vector<16xi32>], vector<16xf32>,
    %le3A_1476 = arith.cmpf ole, %mul3A_1134, %gather3A_1475 : vector<16xf32>
    %add3A_1477 = arith.constant 1 : i32
    %add3A_1478 = vector.broadcast %add3A_1477 : i32 to vector<16xi32>
    %add3A_1479 = arith.addi %shift_right_logical3A_1474, %add3A_1478 : vector<16xi32>
    %select_n3A_1480 = arith.select %le3A_1476, %select_n3A_1436, %add3A_1479 : vector<16xi1>, vector<16xi32>
    %select_n3A_1481 = arith.select %le3A_1476, %shift_right_logical3A_1474, %select_n3A_1437 : vector<16xi1>, vector<16xi32>
    %add3A_1482 = arith.addi %select_n3A_1447, %select_n3A_1448 : vector<16xi32>
    %shift_right_logical3A_1483 = arith.constant 1 : i32
    %shift_right_logical3A_1484 = vector.broadcast %shift_right_logical3A_1483 : i32 to vector<16xi32>
    %shift_right_logical3A_1485 = arith.shrui %add3A_1482, %shift_right_logical3A_1484 : vector<16xi32>
    %gather3A_1486 = tpu.vector_load_idx %arg8[%shift_right_logical3A_1485] : memref<512xf32, #tpu.memory_space<vmem>>[vector<16xi32>], vector<16xf32>,
    %le3A_1487 = arith.cmpf ole, %mul3A_1138, %gather3A_1486 : vector<16xf32>
    %add3A_1488 = arith.constant 1 : i32
    %add3A_1489 = vector.broadcast %add3A_1488 : i32 to vector<16xi32>
    %add3A_1490 = arith.addi %shift_right_logical3A_1485, %add3A_1489 : vector<16xi32>
    %select_n3A_1491 = arith.select %le3A_1487, %select_n3A_1447, %add3A_1490 : vector<16xi1>, vector<16xi32>
    %select_n3A_1492 = arith.select %le3A_1487, %shift_right_logical3A_1485, %select_n3A_1448 : vector<16xi1>, vector<16xi32>
    %add3A_1493 = arith.addi %select_n3A_1458, %select_n3A_1459 : vector<16xi32>
    %shift_right_logical3A_1494 = arith.constant 1 : i32
    %shift_right_logical3A_1495 = vector.broadcast %shift_right_logical3A_1494 : i32 to vector<16xi32>
    %shift_right_logical3A_1496 = arith.shrui %add3A_1493, %shift_right_logical3A_1495 : vector<16xi32>
    %gather3A_1497 = tpu.vector_load_idx %arg8[%shift_right_logical3A_1496] : memref<512xf32, #tpu.memory_space<vmem>>[vector<16xi32>], vector<16xf32>,
    %le3A_1498 = arith.cmpf ole, %mul3A_1142, %gather3A_1497 : vector<16xf32>
    %add3A_1499 = arith.constant 1 : i32
    %add3A_1500 = vector.broadcast %add3A_1499 : i32 to vector<16xi32>
    %add3A_1501 = arith.addi %shift_right_logical3A_1496, %add3A_1500 : vector<16xi32>
    %select_n3A_1502 = arith.select %le3A_1498, %select_n3A_1458, %add3A_1501 : vector<16xi1>, vector<16xi32>
    %select_n3A_1503 = arith.select %le3A_1498, %shift_right_logical3A_1496, %select_n3A_1459 : vector<16xi1>, vector<16xi32>
    %add3A_1504 = arith.addi %select_n3A_1469, %select_n3A_1470 : vector<16xi32>
    %shift_right_logical3A_1505 = arith.constant 1 : i32
    %shift_right_logical3A_1506 = vector.broadcast %shift_right_logical3A_1505 : i32 to vector<16xi32>
    %shift_right_logical3A_1507 = arith.shrui %add3A_1504, %shift_right_logical3A_1506 : vector<16xi32>
    %gather3A_1508 = tpu.vector_load_idx %arg8[%shift_right_logical3A_1507] : memref<512xf32, #tpu.memory_space<vmem>>[vector<16xi32>], vector<16xf32>,
    %le3A_1509 = arith.cmpf ole, %mul3A_1146, %gather3A_1508 : vector<16xf32>
    %add3A_1510 = arith.constant 1 : i32
    %add3A_1511 = vector.broadcast %add3A_1510 : i32 to vector<16xi32>
    %add3A_1512 = arith.addi %shift_right_logical3A_1507, %add3A_1511 : vector<16xi32>
    %select_n3A_1513 = arith.select %le3A_1509, %select_n3A_1469, %add3A_1512 : vector<16xi1>, vector<16xi32>
    %select_n3A_1514 = arith.select %le3A_1509, %shift_right_logical3A_1507, %select_n3A_1470 : vector<16xi1>, vector<16xi32>
    %add3A_1515 = arith.addi %select_n3A_1480, %select_n3A_1481 : vector<16xi32>
    %shift_right_logical3A_1516 = arith.constant 1 : i32
    %shift_right_logical3A_1517 = vector.broadcast %shift_right_logical3A_1516 : i32 to vector<16xi32>
    %shift_right_logical3A_1518 = arith.shrui %add3A_1515, %shift_right_logical3A_1517 : vector<16xi32>
    %gather3A_1519 = tpu.vector_load_idx %arg8[%shift_right_logical3A_1518] : memref<512xf32, #tpu.memory_space<vmem>>[vector<16xi32>], vector<16xf32>,
    %le3A_1520 = arith.cmpf ole, %mul3A_1134, %gather3A_1519 : vector<16xf32>
    %add3A_1521 = arith.constant 1 : i32
    %add3A_1522 = vector.broadcast %add3A_1521 : i32 to vector<16xi32>
    %add3A_1523 = arith.addi %shift_right_logical3A_1518, %add3A_1522 : vector<16xi32>
    %select_n3A_1524 = arith.select %le3A_1520, %select_n3A_1480, %add3A_1523 : vector<16xi1>, vector<16xi32>
    %select_n3A_1525 = arith.select %le3A_1520, %shift_right_logical3A_1518, %select_n3A_1481 : vector<16xi1>, vector<16xi32>
    %add3A_1526 = arith.addi %select_n3A_1491, %select_n3A_1492 : vector<16xi32>
    %shift_right_logical3A_1527 = arith.constant 1 : i32
    %shift_right_logical3A_1528 = vector.broadcast %shift_right_logical3A_1527 : i32 to vector<16xi32>
    %shift_right_logical3A_1529 = arith.shrui %add3A_1526, %shift_right_logical3A_1528 : vector<16xi32>
    %gather3A_1530 = tpu.vector_load_idx %arg8[%shift_right_logical3A_1529] : memref<512xf32, #tpu.memory_space<vmem>>[vector<16xi32>], vector<16xf32>,
    %le3A_1531 = arith.cmpf ole, %mul3A_1138, %gather3A_1530 : vector<16xf32>
    %add3A_1532 = arith.constant 1 : i32
    %add3A_1533 = vector.broadcast %add3A_1532 : i32 to vector<16xi32>
    %add3A_1534 = arith.addi %shift_right_logical3A_1529, %add3A_1533 : vector<16xi32>
    %select_n3A_1535 = arith.select %le3A_1531, %select_n3A_1491, %add3A_1534 : vector<16xi1>, vector<16xi32>
    %select_n3A_1536 = arith.select %le3A_1531, %shift_right_logical3A_1529, %select_n3A_1492 : vector<16xi1>, vector<16xi32>
    %add3A_1537 = arith.addi %select_n3A_1502, %select_n3A_1503 : vector<16xi32>
    %shift_right_logical3A_1538 = arith.constant 1 : i32
    %shift_right_logical3A_1539 = vector.broadcast %shift_right_logical3A_1538 : i32 to vector<16xi32>
    %shift_right_logical3A_1540 = arith.shrui %add3A_1537, %shift_right_logical3A_1539 : vector<16xi32>
    %gather3A_1541 = tpu.vector_load_idx %arg8[%shift_right_logical3A_1540] : memref<512xf32, #tpu.memory_space<vmem>>[vector<16xi32>], vector<16xf32>,
    %le3A_1542 = arith.cmpf ole, %mul3A_1142, %gather3A_1541 : vector<16xf32>
    %add3A_1543 = arith.constant 1 : i32
    %add3A_1544 = vector.broadcast %add3A_1543 : i32 to vector<16xi32>
    %add3A_1545 = arith.addi %shift_right_logical3A_1540, %add3A_1544 : vector<16xi32>
    %select_n3A_1546 = arith.select %le3A_1542, %select_n3A_1502, %add3A_1545 : vector<16xi1>, vector<16xi32>
    %select_n3A_1547 = arith.select %le3A_1542, %shift_right_logical3A_1540, %select_n3A_1503 : vector<16xi1>, vector<16xi32>
    %add3A_1548 = arith.addi %select_n3A_1513, %select_n3A_1514 : vector<16xi32>
    %shift_right_logical3A_1549 = arith.constant 1 : i32
    %shift_right_logical3A_1550 = vector.broadcast %shift_right_logical3A_1549 : i32 to vector<16xi32>
    %shift_right_logical3A_1551 = arith.shrui %add3A_1548, %shift_right_logical3A_1550 : vector<16xi32>
    %gather3A_1552 = tpu.vector_load_idx %arg8[%shift_right_logical3A_1551] : memref<512xf32, #tpu.memory_space<vmem>>[vector<16xi32>], vector<16xf32>,
    %le3A_1553 = arith.cmpf ole, %mul3A_1146, %gather3A_1552 : vector<16xf32>
    %add3A_1554 = arith.constant 1 : i32
    %add3A_1555 = vector.broadcast %add3A_1554 : i32 to vector<16xi32>
    %add3A_1556 = arith.addi %shift_right_logical3A_1551, %add3A_1555 : vector<16xi32>
    %select_n3A_1557 = arith.select %le3A_1553, %select_n3A_1513, %add3A_1556 : vector<16xi1>, vector<16xi32>
    %select_n3A_1558 = arith.select %le3A_1553, %shift_right_logical3A_1551, %select_n3A_1514 : vector<16xi1>, vector<16xi32>
    %gather3A_1559 = tpu.vector_load_idx %arg9[%select_n3A_1524] : memref<512xf32, #tpu.memory_space<vmem>>[vector<16xi32>], vector<16xf32>,
    %sub3A_1560 = arith.subf %mul3A_1134, %gather3A_1559 : vector<16xf32>
    %mul3A_1561 = arith.constant 13 : i32
    %mul3A_1562 = vector.broadcast %mul3A_1561 : i32 to vector<16xi32>
    %mul3A_1563 = arith.muli %select_n3A_1524, %mul3A_1562 : vector<16xi32>
    %broadcast_in_dim3A_1564 = arith.constant 0 : i32
    %broadcast_in_dim3A_1565 = vector.broadcast %broadcast_in_dim3A_1564 : i32 to vector<16xi32>
    %broadcast_in_dim3A_1566 = arith.constant 12 : i32
    %broadcast_in_dim3A_1567 = vector.broadcast %broadcast_in_dim3A_1566 : i32 to vector<16xi32>
    %gather3A_1568 = tpu.vector_load_idx %arg9[%select_n3A_1535] : memref<512xf32, #tpu.memory_space<vmem>>[vector<16xi32>], vector<16xf32>,
    %sub3A_1569 = arith.subf %mul3A_1138, %gather3A_1568 : vector<16xf32>
    %mul3A_1570 = arith.constant 13 : i32
    %mul3A_1571 = vector.broadcast %mul3A_1570 : i32 to vector<16xi32>
    %mul3A_1572 = arith.muli %select_n3A_1535, %mul3A_1571 : vector<16xi32>
    %broadcast_in_dim3A_1573 = arith.constant 0 : i32
    %broadcast_in_dim3A_1574 = vector.broadcast %broadcast_in_dim3A_1573 : i32 to vector<16xi32>
    %broadcast_in_dim3A_1575 = arith.constant 12 : i32
    %broadcast_in_dim3A_1576 = vector.broadcast %broadcast_in_dim3A_1575 : i32 to vector<16xi32>
    %gather3A_1577 = tpu.vector_load_idx %arg9[%select_n3A_1546] : memref<512xf32, #tpu.memory_space<vmem>>[vector<16xi32>], vector<16xf32>,
    %sub3A_1578 = arith.subf %mul3A_1142, %gather3A_1577 : vector<16xf32>
    %mul3A_1579 = arith.constant 13 : i32
    %mul3A_1580 = vector.broadcast %mul3A_1579 : i32 to vector<16xi32>
    %mul3A_1581 = arith.muli %select_n3A_1546, %mul3A_1580 : vector<16xi32>
    %broadcast_in_dim3A_1582 = arith.constant 0 : i32
    %broadcast_in_dim3A_1583 = vector.broadcast %broadcast_in_dim3A_1582 : i32 to vector<16xi32>
    %broadcast_in_dim3A_1584 = arith.constant 12 : i32
    %broadcast_in_dim3A_1585 = vector.broadcast %broadcast_in_dim3A_1584 : i32 to vector<16xi32>
    %gather3A_1586 = tpu.vector_load_idx %arg9[%select_n3A_1557] : memref<512xf32, #tpu.memory_space<vmem>>[vector<16xi32>], vector<16xf32>,
    %sub3A_1587 = arith.subf %mul3A_1146, %gather3A_1586 : vector<16xf32>
    %mul3A_1588 = arith.constant 13 : i32
    %mul3A_1589 = vector.broadcast %mul3A_1588 : i32 to vector<16xi32>
    %mul3A_1590 = arith.muli %select_n3A_1557, %mul3A_1589 : vector<16xi32>
    %broadcast_in_dim3A_1591 = arith.constant 0 : i32
    %broadcast_in_dim3A_1592 = vector.broadcast %broadcast_in_dim3A_1591 : i32 to vector<16xi32>
    %broadcast_in_dim3A_1593 = arith.constant 12 : i32
    %broadcast_in_dim3A_1594 = vector.broadcast %broadcast_in_dim3A_1593 : i32 to vector<16xi32>
    %add3A_1595 = arith.addi %broadcast_in_dim3A_1565, %broadcast_in_dim3A_1567 : vector<16xi32>
    %shift_right_logical3A_1596 = arith.constant 1 : i32
    %shift_right_logical3A_1597 = vector.broadcast %shift_right_logical3A_1596 : i32 to vector<16xi32>
    %shift_right_logical3A_1598 = arith.shrui %add3A_1595, %shift_right_logical3A_1597 : vector<16xi32>
    %add3A_1599 = arith.addi %mul3A_1563, %shift_right_logical3A_1598 : vector<16xi32>
    %gather3A_1600 = tpu.vector_load_idx %arg10[%add3A_1599] : memref<6656xf32, #tpu.memory_space<vmem>>[vector<16xi32>], vector<16xf32>,
    %le3A_1601 = arith.cmpf ole, %sub3A_1560, %gather3A_1600 : vector<16xf32>
    %add3A_1602 = arith.constant 1 : i32
    %add3A_1603 = vector.broadcast %add3A_1602 : i32 to vector<16xi32>
    %add3A_1604 = arith.addi %shift_right_logical3A_1598, %add3A_1603 : vector<16xi32>
    %select_n3A_1605 = arith.select %le3A_1601, %broadcast_in_dim3A_1565, %add3A_1604 : vector<16xi1>, vector<16xi32>
    %select_n3A_1606 = arith.select %le3A_1601, %shift_right_logical3A_1598, %broadcast_in_dim3A_1567 : vector<16xi1>, vector<16xi32>
    %add3A_1607 = arith.addi %broadcast_in_dim3A_1574, %broadcast_in_dim3A_1576 : vector<16xi32>
    %shift_right_logical3A_1608 = arith.constant 1 : i32
    %shift_right_logical3A_1609 = vector.broadcast %shift_right_logical3A_1608 : i32 to vector<16xi32>
    %shift_right_logical3A_1610 = arith.shrui %add3A_1607, %shift_right_logical3A_1609 : vector<16xi32>
    %add3A_1611 = arith.addi %mul3A_1572, %shift_right_logical3A_1610 : vector<16xi32>
    %gather3A_1612 = tpu.vector_load_idx %arg10[%add3A_1611] : memref<6656xf32, #tpu.memory_space<vmem>>[vector<16xi32>], vector<16xf32>,
    %le3A_1613 = arith.cmpf ole, %sub3A_1569, %gather3A_1612 : vector<16xf32>
    %add3A_1614 = arith.constant 1 : i32
    %add3A_1615 = vector.broadcast %add3A_1614 : i32 to vector<16xi32>
    %add3A_1616 = arith.addi %shift_right_logical3A_1610, %add3A_1615 : vector<16xi32>
    %select_n3A_1617 = arith.select %le3A_1613, %broadcast_in_dim3A_1574, %add3A_1616 : vector<16xi1>, vector<16xi32>
    %select_n3A_1618 = arith.select %le3A_1613, %shift_right_logical3A_1610, %broadcast_in_dim3A_1576 : vector<16xi1>, vector<16xi32>
    %add3A_1619 = arith.addi %broadcast_in_dim3A_1583, %broadcast_in_dim3A_1585 : vector<16xi32>
    %shift_right_logical3A_1620 = arith.constant 1 : i32
    %shift_right_logical3A_1621 = vector.broadcast %shift_right_logical3A_1620 : i32 to vector<16xi32>
    %shift_right_logical3A_1622 = arith.shrui %add3A_1619, %shift_right_logical3A_1621 : vector<16xi32>
    %add3A_1623 = arith.addi %mul3A_1581, %shift_right_logical3A_1622 : vector<16xi32>
    %gather3A_1624 = tpu.vector_load_idx %arg10[%add3A_1623] : memref<6656xf32, #tpu.memory_space<vmem>>[vector<16xi32>], vector<16xf32>,
    %le3A_1625 = arith.cmpf ole, %sub3A_1578, %gather3A_1624 : vector<16xf32>
    %add3A_1626 = arith.constant 1 : i32
    %add3A_1627 = vector.broadcast %add3A_1626 : i32 to vector<16xi32>
    %add3A_1628 = arith.addi %shift_right_logical3A_1622, %add3A_1627 : vector<16xi32>
    %select_n3A_1629 = arith.select %le3A_1625, %broadcast_in_dim3A_1583, %add3A_1628 : vector<16xi1>, vector<16xi32>
    %select_n3A_1630 = arith.select %le3A_1625, %shift_right_logical3A_1622, %broadcast_in_dim3A_1585 : vector<16xi1>, vector<16xi32>
    %add3A_1631 = arith.addi %broadcast_in_dim3A_1592, %broadcast_in_dim3A_1594 : vector<16xi32>
    %shift_right_logical3A_1632 = arith.constant 1 : i32
    %shift_right_logical3A_1633 = vector.broadcast %shift_right_logical3A_1632 : i32 to vector<16xi32>
    %shift_right_logical3A_1634 = arith.shrui %add3A_1631, %shift_right_logical3A_1633 : vector<16xi32>
    %add3A_1635 = arith.addi %mul3A_1590, %shift_right_logical3A_1634 : vector<16xi32>
    %gather3A_1636 = tpu.vector_load_idx %arg10[%add3A_1635] : memref<6656xf32, #tpu.memory_space<vmem>>[vector<16xi32>], vector<16xf32>,
    %le3A_1637 = arith.cmpf ole, %sub3A_1587, %gather3A_1636 : vector<16xf32>
    %add3A_1638 = arith.constant 1 : i32
    %add3A_1639 = vector.broadcast %add3A_1638 : i32 to vector<16xi32>
    %add3A_1640 = arith.addi %shift_right_logical3A_1634, %add3A_1639 : vector<16xi32>
    %select_n3A_1641 = arith.select %le3A_1637, %broadcast_in_dim3A_1592, %add3A_1640 : vector<16xi1>, vector<16xi32>
    %select_n3A_1642 = arith.select %le3A_1637, %shift_right_logical3A_1634, %broadcast_in_dim3A_1594 : vector<16xi1>, vector<16xi32>
    %add3A_1643 = arith.addi %select_n3A_1605, %select_n3A_1606 : vector<16xi32>
    %shift_right_logical3A_1644 = arith.constant 1 : i32
    %shift_right_logical3A_1645 = vector.broadcast %shift_right_logical3A_1644 : i32 to vector<16xi32>
    %shift_right_logical3A_1646 = arith.shrui %add3A_1643, %shift_right_logical3A_1645 : vector<16xi32>
    %add3A_1647 = arith.addi %mul3A_1563, %shift_right_logical3A_1646 : vector<16xi32>
    %gather3A_1648 = tpu.vector_load_idx %arg10[%add3A_1647] : memref<6656xf32, #tpu.memory_space<vmem>>[vector<16xi32>], vector<16xf32>,
    %le3A_1649 = arith.cmpf ole, %sub3A_1560, %gather3A_1648 : vector<16xf32>
    %add3A_1650 = arith.constant 1 : i32
    %add3A_1651 = vector.broadcast %add3A_1650 : i32 to vector<16xi32>
    %add3A_1652 = arith.addi %shift_right_logical3A_1646, %add3A_1651 : vector<16xi32>
    %select_n3A_1653 = arith.select %le3A_1649, %select_n3A_1605, %add3A_1652 : vector<16xi1>, vector<16xi32>
    %select_n3A_1654 = arith.select %le3A_1649, %shift_right_logical3A_1646, %select_n3A_1606 : vector<16xi1>, vector<16xi32>
    %add3A_1655 = arith.addi %select_n3A_1617, %select_n3A_1618 : vector<16xi32>
    %shift_right_logical3A_1656 = arith.constant 1 : i32
    %shift_right_logical3A_1657 = vector.broadcast %shift_right_logical3A_1656 : i32 to vector<16xi32>
    %shift_right_logical3A_1658 = arith.shrui %add3A_1655, %shift_right_logical3A_1657 : vector<16xi32>
    %add3A_1659 = arith.addi %mul3A_1572, %shift_right_logical3A_1658 : vector<16xi32>
    %gather3A_1660 = tpu.vector_load_idx %arg10[%add3A_1659] : memref<6656xf32, #tpu.memory_space<vmem>>[vector<16xi32>], vector<16xf32>,
    %le3A_1661 = arith.cmpf ole, %sub3A_1569, %gather3A_1660 : vector<16xf32>
    %add3A_1662 = arith.constant 1 : i32
    %add3A_1663 = vector.broadcast %add3A_1662 : i32 to vector<16xi32>
    %add3A_1664 = arith.addi %shift_right_logical3A_1658, %add3A_1663 : vector<16xi32>
    %select_n3A_1665 = arith.select %le3A_1661, %select_n3A_1617, %add3A_1664 : vector<16xi1>, vector<16xi32>
    %select_n3A_1666 = arith.select %le3A_1661, %shift_right_logical3A_1658, %select_n3A_1618 : vector<16xi1>, vector<16xi32>
    %add3A_1667 = arith.addi %select_n3A_1629, %select_n3A_1630 : vector<16xi32>
    %shift_right_logical3A_1668 = arith.constant 1 : i32
    %shift_right_logical3A_1669 = vector.broadcast %shift_right_logical3A_1668 : i32 to vector<16xi32>
    %shift_right_logical3A_1670 = arith.shrui %add3A_1667, %shift_right_logical3A_1669 : vector<16xi32>
    %add3A_1671 = arith.addi %mul3A_1581, %shift_right_logical3A_1670 : vector<16xi32>
    %gather3A_1672 = tpu.vector_load_idx %arg10[%add3A_1671] : memref<6656xf32, #tpu.memory_space<vmem>>[vector<16xi32>], vector<16xf32>,
    %le3A_1673 = arith.cmpf ole, %sub3A_1578, %gather3A_1672 : vector<16xf32>
    %add3A_1674 = arith.constant 1 : i32
    %add3A_1675 = vector.broadcast %add3A_1674 : i32 to vector<16xi32>
    %add3A_1676 = arith.addi %shift_right_logical3A_1670, %add3A_1675 : vector<16xi32>
    %select_n3A_1677 = arith.select %le3A_1673, %select_n3A_1629, %add3A_1676 : vector<16xi1>, vector<16xi32>
    %select_n3A_1678 = arith.select %le3A_1673, %shift_right_logical3A_1670, %select_n3A_1630 : vector<16xi1>, vector<16xi32>
    %add3A_1679 = arith.addi %select_n3A_1641, %select_n3A_1642 : vector<16xi32>
    %shift_right_logical3A_1680 = arith.constant 1 : i32
    %shift_right_logical3A_1681 = vector.broadcast %shift_right_logical3A_1680 : i32 to vector<16xi32>
    %shift_right_logical3A_1682 = arith.shrui %add3A_1679, %shift_right_logical3A_1681 : vector<16xi32>
    %add3A_1683 = arith.addi %mul3A_1590, %shift_right_logical3A_1682 : vector<16xi32>
    %gather3A_1684 = tpu.vector_load_idx %arg10[%add3A_1683] : memref<6656xf32, #tpu.memory_space<vmem>>[vector<16xi32>], vector<16xf32>,
    %le3A_1685 = arith.cmpf ole, %sub3A_1587, %gather3A_1684 : vector<16xf32>
    %add3A_1686 = arith.constant 1 : i32
    %add3A_1687 = vector.broadcast %add3A_1686 : i32 to vector<16xi32>
    %add3A_1688 = arith.addi %shift_right_logical3A_1682, %add3A_1687 : vector<16xi32>
    %select_n3A_1689 = arith.select %le3A_1685, %select_n3A_1641, %add3A_1688 : vector<16xi1>, vector<16xi32>
    %select_n3A_1690 = arith.select %le3A_1685, %shift_right_logical3A_1682, %select_n3A_1642 : vector<16xi1>, vector<16xi32>
    %add3A_1691 = arith.addi %select_n3A_1653, %select_n3A_1654 : vector<16xi32>
    %shift_right_logical3A_1692 = arith.constant 1 : i32
    %shift_right_logical3A_1693 = vector.broadcast %shift_right_logical3A_1692 : i32 to vector<16xi32>
    %shift_right_logical3A_1694 = arith.shrui %add3A_1691, %shift_right_logical3A_1693 : vector<16xi32>
    %add3A_1695 = arith.addi %mul3A_1563, %shift_right_logical3A_1694 : vector<16xi32>
    %gather3A_1696 = tpu.vector_load_idx %arg10[%add3A_1695] : memref<6656xf32, #tpu.memory_space<vmem>>[vector<16xi32>], vector<16xf32>,
    %le3A_1697 = arith.cmpf ole, %sub3A_1560, %gather3A_1696 : vector<16xf32>
    %add3A_1698 = arith.constant 1 : i32
    %add3A_1699 = vector.broadcast %add3A_1698 : i32 to vector<16xi32>
    %add3A_1700 = arith.addi %shift_right_logical3A_1694, %add3A_1699 : vector<16xi32>
    %select_n3A_1701 = arith.select %le3A_1697, %select_n3A_1653, %add3A_1700 : vector<16xi1>, vector<16xi32>
    %select_n3A_1702 = arith.select %le3A_1697, %shift_right_logical3A_1694, %select_n3A_1654 : vector<16xi1>, vector<16xi32>
    %add3A_1703 = arith.addi %select_n3A_1665, %select_n3A_1666 : vector<16xi32>
    %shift_right_logical3A_1704 = arith.constant 1 : i32
    %shift_right_logical3A_1705 = vector.broadcast %shift_right_logical3A_1704 : i32 to vector<16xi32>
    %shift_right_logical3A_1706 = arith.shrui %add3A_1703, %shift_right_logical3A_1705 : vector<16xi32>
    %add3A_1707 = arith.addi %mul3A_1572, %shift_right_logical3A_1706 : vector<16xi32>
    %gather3A_1708 = tpu.vector_load_idx %arg10[%add3A_1707] : memref<6656xf32, #tpu.memory_space<vmem>>[vector<16xi32>], vector<16xf32>,
    %le3A_1709 = arith.cmpf ole, %sub3A_1569, %gather3A_1708 : vector<16xf32>
    %add3A_1710 = arith.constant 1 : i32
    %add3A_1711 = vector.broadcast %add3A_1710 : i32 to vector<16xi32>
    %add3A_1712 = arith.addi %shift_right_logical3A_1706, %add3A_1711 : vector<16xi32>
    %select_n3A_1713 = arith.select %le3A_1709, %select_n3A_1665, %add3A_1712 : vector<16xi1>, vector<16xi32>
    %select_n3A_1714 = arith.select %le3A_1709, %shift_right_logical3A_1706, %select_n3A_1666 : vector<16xi1>, vector<16xi32>
    %add3A_1715 = arith.addi %select_n3A_1677, %select_n3A_1678 : vector<16xi32>
    %shift_right_logical3A_1716 = arith.constant 1 : i32
    %shift_right_logical3A_1717 = vector.broadcast %shift_right_logical3A_1716 : i32 to vector<16xi32>
    %shift_right_logical3A_1718 = arith.shrui %add3A_1715, %shift_right_logical3A_1717 : vector<16xi32>
    %add3A_1719 = arith.addi %mul3A_1581, %shift_right_logical3A_1718 : vector<16xi32>
    %gather3A_1720 = tpu.vector_load_idx %arg10[%add3A_1719] : memref<6656xf32, #tpu.memory_space<vmem>>[vector<16xi32>], vector<16xf32>,
    %le3A_1721 = arith.cmpf ole, %sub3A_1578, %gather3A_1720 : vector<16xf32>
    %add3A_1722 = arith.constant 1 : i32
    %add3A_1723 = vector.broadcast %add3A_1722 : i32 to vector<16xi32>
    %add3A_1724 = arith.addi %shift_right_logical3A_1718, %add3A_1723 : vector<16xi32>
    %select_n3A_1725 = arith.select %le3A_1721, %select_n3A_1677, %add3A_1724 : vector<16xi1>, vector<16xi32>
    %select_n3A_1726 = arith.select %le3A_1721, %shift_right_logical3A_1718, %select_n3A_1678 : vector<16xi1>, vector<16xi32>
    %add3A_1727 = arith.addi %select_n3A_1689, %select_n3A_1690 : vector<16xi32>
    %shift_right_logical3A_1728 = arith.constant 1 : i32
    %shift_right_logical3A_1729 = vector.broadcast %shift_right_logical3A_1728 : i32 to vector<16xi32>
    %shift_right_logical3A_1730 = arith.shrui %add3A_1727, %shift_right_logical3A_1729 : vector<16xi32>
    %add3A_1731 = arith.addi %mul3A_1590, %shift_right_logical3A_1730 : vector<16xi32>
    %gather3A_1732 = tpu.vector_load_idx %arg10[%add3A_1731] : memref<6656xf32, #tpu.memory_space<vmem>>[vector<16xi32>], vector<16xf32>,
    %le3A_1733 = arith.cmpf ole, %sub3A_1587, %gather3A_1732 : vector<16xf32>
    %add3A_1734 = arith.constant 1 : i32
    %add3A_1735 = vector.broadcast %add3A_1734 : i32 to vector<16xi32>
    %add3A_1736 = arith.addi %shift_right_logical3A_1730, %add3A_1735 : vector<16xi32>
    %select_n3A_1737 = arith.select %le3A_1733, %select_n3A_1689, %add3A_1736 : vector<16xi1>, vector<16xi32>
    %select_n3A_1738 = arith.select %le3A_1733, %shift_right_logical3A_1730, %select_n3A_1690 : vector<16xi1>, vector<16xi32>
    %add3A_1739 = arith.addi %select_n3A_1701, %select_n3A_1702 : vector<16xi32>
    %shift_right_logical3A_1740 = arith.constant 1 : i32
    %shift_right_logical3A_1741 = vector.broadcast %shift_right_logical3A_1740 : i32 to vector<16xi32>
    %shift_right_logical3A_1742 = arith.shrui %add3A_1739, %shift_right_logical3A_1741 : vector<16xi32>
    %add3A_1743 = arith.addi %mul3A_1563, %shift_right_logical3A_1742 : vector<16xi32>
    %gather3A_1744 = tpu.vector_load_idx %arg10[%add3A_1743] : memref<6656xf32, #tpu.memory_space<vmem>>[vector<16xi32>], vector<16xf32>,
    %le3A_1745 = arith.cmpf ole, %sub3A_1560, %gather3A_1744 : vector<16xf32>
    %add3A_1746 = arith.constant 1 : i32
    %add3A_1747 = vector.broadcast %add3A_1746 : i32 to vector<16xi32>
    %add3A_1748 = arith.addi %shift_right_logical3A_1742, %add3A_1747 : vector<16xi32>
    %select_n3A_1749 = arith.select %le3A_1745, %select_n3A_1701, %add3A_1748 : vector<16xi1>, vector<16xi32>
    %select_n3A_1750 = arith.select %le3A_1745, %shift_right_logical3A_1742, %select_n3A_1702 : vector<16xi1>, vector<16xi32>
    %add3A_1751 = arith.addi %select_n3A_1713, %select_n3A_1714 : vector<16xi32>
    %shift_right_logical3A_1752 = arith.constant 1 : i32
    %shift_right_logical3A_1753 = vector.broadcast %shift_right_logical3A_1752 : i32 to vector<16xi32>
    %shift_right_logical3A_1754 = arith.shrui %add3A_1751, %shift_right_logical3A_1753 : vector<16xi32>
    %add3A_1755 = arith.addi %mul3A_1572, %shift_right_logical3A_1754 : vector<16xi32>
    %gather3A_1756 = tpu.vector_load_idx %arg10[%add3A_1755] : memref<6656xf32, #tpu.memory_space<vmem>>[vector<16xi32>], vector<16xf32>,
    %le3A_1757 = arith.cmpf ole, %sub3A_1569, %gather3A_1756 : vector<16xf32>
    %add3A_1758 = arith.constant 1 : i32
    %add3A_1759 = vector.broadcast %add3A_1758 : i32 to vector<16xi32>
    %add3A_1760 = arith.addi %shift_right_logical3A_1754, %add3A_1759 : vector<16xi32>
    %select_n3A_1761 = arith.select %le3A_1757, %select_n3A_1713, %add3A_1760 : vector<16xi1>, vector<16xi32>
    %select_n3A_1762 = arith.select %le3A_1757, %shift_right_logical3A_1754, %select_n3A_1714 : vector<16xi1>, vector<16xi32>
    %add3A_1763 = arith.addi %select_n3A_1725, %select_n3A_1726 : vector<16xi32>
    %shift_right_logical3A_1764 = arith.constant 1 : i32
    %shift_right_logical3A_1765 = vector.broadcast %shift_right_logical3A_1764 : i32 to vector<16xi32>
    %shift_right_logical3A_1766 = arith.shrui %add3A_1763, %shift_right_logical3A_1765 : vector<16xi32>
    %add3A_1767 = arith.addi %mul3A_1581, %shift_right_logical3A_1766 : vector<16xi32>
    %gather3A_1768 = tpu.vector_load_idx %arg10[%add3A_1767] : memref<6656xf32, #tpu.memory_space<vmem>>[vector<16xi32>], vector<16xf32>,
    %le3A_1769 = arith.cmpf ole, %sub3A_1578, %gather3A_1768 : vector<16xf32>
    %add3A_1770 = arith.constant 1 : i32
    %add3A_1771 = vector.broadcast %add3A_1770 : i32 to vector<16xi32>
    %add3A_1772 = arith.addi %shift_right_logical3A_1766, %add3A_1771 : vector<16xi32>
    %select_n3A_1773 = arith.select %le3A_1769, %select_n3A_1725, %add3A_1772 : vector<16xi1>, vector<16xi32>
    %select_n3A_1774 = arith.select %le3A_1769, %shift_right_logical3A_1766, %select_n3A_1726 : vector<16xi1>, vector<16xi32>
    %add3A_1775 = arith.addi %select_n3A_1737, %select_n3A_1738 : vector<16xi32>
    %shift_right_logical3A_1776 = arith.constant 1 : i32
    %shift_right_logical3A_1777 = vector.broadcast %shift_right_logical3A_1776 : i32 to vector<16xi32>
    %shift_right_logical3A_1778 = arith.shrui %add3A_1775, %shift_right_logical3A_1777 : vector<16xi32>
    %add3A_1779 = arith.addi %mul3A_1590, %shift_right_logical3A_1778 : vector<16xi32>
    %gather3A_1780 = tpu.vector_load_idx %arg10[%add3A_1779] : memref<6656xf32, #tpu.memory_space<vmem>>[vector<16xi32>], vector<16xf32>,
    %le3A_1781 = arith.cmpf ole, %sub3A_1587, %gather3A_1780 : vector<16xf32>
    %add3A_1782 = arith.constant 1 : i32
    %add3A_1783 = vector.broadcast %add3A_1782 : i32 to vector<16xi32>
    %add3A_1784 = arith.addi %shift_right_logical3A_1778, %add3A_1783 : vector<16xi32>
    %select_n3A_1785 = arith.select %le3A_1781, %select_n3A_1737, %add3A_1784 : vector<16xi1>, vector<16xi32>
    %select_n3A_1786 = arith.select %le3A_1781, %shift_right_logical3A_1778, %select_n3A_1738 : vector<16xi1>, vector<16xi32>
    %add3A_1787 = arith.addi %mul3A_1563, %select_n3A_1749 : vector<16xi32>
    %swap3A_1788 = arith.constant 1 : i32
    %swap3A_1789 = arith.index_cast %swap3A_1788 : i32 to index
    %swap3A_1790 = arith.constant 0 : index
    %swap3A_1791 = tpu.vector_load %arg12[%swap3A_1789, %swap3A_1790] {strides = array<i32>} : memref<2x64xi32, #tpu.memory_space<vmem>>, vector<16xi32>,
    tpu.vector_store %arg12[%swap3A_1789, %swap3A_1790], %add3A_1787 {strides = array<i32>} : memref<2x64xi32, #tpu.memory_space<vmem>>, vector<16xi32>,
    %add3A_1792 = arith.addi %mul3A_1572, %select_n3A_1761 : vector<16xi32>
    %swap3A_1793 = arith.constant 1 : i32
    %swap3A_1794 = arith.index_cast %swap3A_1793 : i32 to index
    %swap3A_1795 = arith.constant 16 : index
    %swap3A_1796 = tpu.vector_load %arg12[%swap3A_1794, %swap3A_1795] {strides = array<i32>} : memref<2x64xi32, #tpu.memory_space<vmem>>, vector<16xi32>,
    tpu.vector_store %arg12[%swap3A_1794, %swap3A_1795], %add3A_1792 {strides = array<i32>} : memref<2x64xi32, #tpu.memory_space<vmem>>, vector<16xi32>,
    %add3A_1797 = arith.addi %mul3A_1581, %select_n3A_1773 : vector<16xi32>
    %swap3A_1798 = arith.constant 1 : i32
    %swap3A_1799 = arith.index_cast %swap3A_1798 : i32 to index
    %swap3A_1800 = arith.constant 32 : index
    %swap3A_1801 = tpu.vector_load %arg12[%swap3A_1799, %swap3A_1800] {strides = array<i32>} : memref<2x64xi32, #tpu.memory_space<vmem>>, vector<16xi32>,
    tpu.vector_store %arg12[%swap3A_1799, %swap3A_1800], %add3A_1797 {strides = array<i32>} : memref<2x64xi32, #tpu.memory_space<vmem>>, vector<16xi32>,
    %add3A_1802 = arith.addi %mul3A_1590, %select_n3A_1785 : vector<16xi32>
    %swap3A_1803 = arith.constant 1 : i32
    %swap3A_1804 = arith.index_cast %swap3A_1803 : i32 to index
    %swap3A_1805 = arith.constant 48 : index
    %swap3A_1806 = tpu.vector_load %arg12[%swap3A_1804, %swap3A_1805] {strides = array<i32>} : memref<2x64xi32, #tpu.memory_space<vmem>>, vector<16xi32>,
    tpu.vector_store %arg12[%swap3A_1804, %swap3A_1805], %add3A_1802 {strides = array<i32>} : memref<2x64xi32, #tpu.memory_space<vmem>>, vector<16xi32>,
    %dma_start3A_1807 = arith.constant 1 : i32
    %dma_start3A_1808 = arith.constant 1 : i32
    %dma_start3A_1809 = arith.constant 0 : i32
    %dma_start3A_1810 = arith.constant 0 : i32
    %dma_start3A_1811 = tpu.memref_slice %arg13[%dma_start3A_1808, %dma_start3A_1809, %dma_start3A_1810] : memref<2x64x16xf32, #tpu.memory_space<vmem>> -> memref<1x64x16xf32, #tpu.memory_space<vmem>>
    %dma_start3A_1812 = tpu.memref_squeeze %dma_start3A_1811 : memref<1x64x16xf32, #tpu.memory_space<vmem>> -> memref<64x16xf32, #tpu.memory_space<vmem>>
    %dma_start3A_1813 = arith.constant 0 : i32
    %dma_start3A_1814 = tpu.memref_slice %arg12[%dma_start3A_1807, %dma_start3A_1813] : memref<2x64xi32, #tpu.memory_space<vmem>> -> memref<1x64xi32, #tpu.memory_space<vmem>>
    %dma_start3A_1815 = tpu.memref_squeeze %dma_start3A_1814 : memref<1x64xi32, #tpu.memory_space<vmem>> -> memref<64xi32, #tpu.memory_space<vmem>>
    %dma_start3A_1816 = arith.constant 0 : i32
    %dma_start3A_1817 = arith.constant 0 : i32
    %dma_start3A_1818 = tpu.memref_slice %arg2[%dma_start3A_1816, %dma_start3A_1817] : memref<6656x16xf32, #tpu.memory_space<hbm>> -> memref<6656x16xf32, #tpu.memory_space<hbm>>
    tpu.enqueue_indirect_dma source(%dma_start3A_1818 : memref<6656x16xf32, #tpu.memory_space<hbm>>) target(%dma_start3A_1812 : memref<64x16xf32, #tpu.memory_space<vmem>>) offsets(%dma_start3A_1815 : memref<64xi32, #tpu.memory_space<vmem>>) semaphore(%arg16 : memref<!tpu.dma_semaphore, #tpu.memory_space<semaphore_mem>>)
    %dma_wait3A_1819 = arith.constant 0 : i32
    %dma_wait3A_1820 = arith.constant 0 : i32
    %dma_wait3A_1821 = arith.constant 0 : i32
    %dma_wait3A_1822 = arith.constant 0 : i32
    %dma_wait3A_1823 = tpu.memref_slice %arg13[%dma_wait3A_1820, %dma_wait3A_1821, %dma_wait3A_1822] : memref<2x64x16xf32, #tpu.memory_space<vmem>> -> memref<1x64x16xf32, #tpu.memory_space<vmem>>
    %dma_wait3A_1824 = tpu.memref_squeeze %dma_wait3A_1823 : memref<1x64x16xf32, #tpu.memory_space<vmem>> -> memref<64x16xf32, #tpu.memory_space<vmem>>
    %dma_wait3A_1825 = arith.constant 0 : i32
    %dma_wait3A_1826 = tpu.memref_slice %arg12[%dma_wait3A_1819, %dma_wait3A_1825] : memref<2x64xi32, #tpu.memory_space<vmem>> -> memref<1x64xi32, #tpu.memory_space<vmem>>
    %dma_wait3A_1827 = tpu.memref_squeeze %dma_wait3A_1826 : memref<1x64xi32, #tpu.memory_space<vmem>> -> memref<64xi32, #tpu.memory_space<vmem>>
    %dma_wait3A_1828 = arith.constant 0 : i32
    %dma_wait3A_1829 = arith.constant 0 : i32
    %dma_wait3A_1830 = tpu.memref_slice %arg2[%dma_wait3A_1828, %dma_wait3A_1829] : memref<6656x16xf32, #tpu.memory_space<hbm>> -> memref<6656x16xf32, #tpu.memory_space<hbm>>
    tpu.wait_indirect_dma semaphore(%arg15 : memref<!tpu.dma_semaphore, #tpu.memory_space<semaphore_mem>>) src(%dma_wait3A_1830 : memref<6656x16xf32, #tpu.memory_space<hbm>>) dst(%dma_wait3A_1824 : memref<64x16xf32, #tpu.memory_space<vmem>>)
    %broadcast_in_dim3A_1831 = arith.constant 0 : i32
    %broadcast_in_dim3A_1832 = vector.broadcast %broadcast_in_dim3A_1831 : i32 to vector<16xi32>
    %broadcast_in_dim3A_1833 = arith.constant 0 : i32
    %broadcast_in_dim3A_1834 = vector.broadcast %broadcast_in_dim3A_1833 : i32 to vector<16xi32>
    %broadcast_in_dim3A_1835 = arith.constant 0 : i32
    %broadcast_in_dim3A_1836 = vector.broadcast %broadcast_in_dim3A_1835 : i32 to vector<16xi32>
    %broadcast_in_dim3A_1837 = arith.constant 0 : i32
    %broadcast_in_dim3A_1838 = vector.broadcast %broadcast_in_dim3A_1837 : i32 to vector<16xi32>
    %broadcast_in_dim3A_1839 = arith.constant 15 : i32
    %broadcast_in_dim3A_1840 = vector.broadcast %broadcast_in_dim3A_1839 : i32 to vector<16xi32>
    %broadcast_in_dim3A_1841 = arith.constant 15 : i32
    %broadcast_in_dim3A_1842 = vector.broadcast %broadcast_in_dim3A_1841 : i32 to vector<16xi32>
    %broadcast_in_dim3A_1843 = arith.constant 15 : i32
    %broadcast_in_dim3A_1844 = vector.broadcast %broadcast_in_dim3A_1843 : i32 to vector<16xi32>
    %broadcast_in_dim3A_1845 = arith.constant 15 : i32
    %broadcast_in_dim3A_1846 = vector.broadcast %broadcast_in_dim3A_1845 : i32 to vector<16xi32>
    %broadcast_in_dim3A_1847 = arith.constant 0 : i32
    %broadcast_in_dim3A_1848 = vector.broadcast %broadcast_in_dim3A_1847 : i32 to vector<16xi32>
    %add3A_1849 = arith.addi %broadcast_in_dim3A_1832, %broadcast_in_dim3A_1840 : vector<16xi32>
    %shift_right_logical3A_1850 = arith.constant 1 : i32
    %shift_right_logical3A_1851 = vector.broadcast %shift_right_logical3A_1850 : i32 to vector<16xi32>
    %shift_right_logical3A_1852 = arith.shrui %add3A_1849, %shift_right_logical3A_1851 : vector<16xi32>
    %add3A_1853 = arith.constant 0 : i32
    %add3A_1854 = vector.broadcast %add3A_1853 : i32 to vector<16xi32>
    %add3A_1855 = arith.addi %iota3A, %add3A_1854 : vector<16xi32>
    %gather3A_1856 = tpu.vector_load_idx %arg13[%broadcast_in_dim3A_1848, %add3A_1855, %shift_right_logical3A_1852] : memref<2x64x16xf32, #tpu.memory_space<vmem>>[vector<16xi32>, vector<16xi32>, vector<16xi32>], vector<16xf32>,
    %le3A_1857 = arith.cmpf ole, %sub3A_872, %gather3A_1856 : vector<16xf32>
    %add3A_1858 = arith.constant 1 : i32
    %add3A_1859 = vector.broadcast %add3A_1858 : i32 to vector<16xi32>
    %add3A_1860 = arith.addi %shift_right_logical3A_1852, %add3A_1859 : vector<16xi32>
    %select_n3A_1861 = arith.select %le3A_1857, %broadcast_in_dim3A_1832, %add3A_1860 : vector<16xi1>, vector<16xi32>
    %select_n3A_1862 = arith.select %le3A_1857, %shift_right_logical3A_1852, %broadcast_in_dim3A_1840 : vector<16xi1>, vector<16xi32>
    %add3A_1863 = arith.addi %broadcast_in_dim3A_1834, %broadcast_in_dim3A_1842 : vector<16xi32>
    %shift_right_logical3A_1864 = arith.constant 1 : i32
    %shift_right_logical3A_1865 = vector.broadcast %shift_right_logical3A_1864 : i32 to vector<16xi32>
    %shift_right_logical3A_1866 = arith.shrui %add3A_1863, %shift_right_logical3A_1865 : vector<16xi32>
    %add3A_1867 = arith.constant 16 : i32
    %add3A_1868 = vector.broadcast %add3A_1867 : i32 to vector<16xi32>
    %add3A_1869 = arith.addi %iota3A, %add3A_1868 : vector<16xi32>
    %gather3A_1870 = tpu.vector_load_idx %arg13[%broadcast_in_dim3A_1848, %add3A_1869, %shift_right_logical3A_1866] : memref<2x64x16xf32, #tpu.memory_space<vmem>>[vector<16xi32>, vector<16xi32>, vector<16xi32>], vector<16xf32>,
    %le3A_1871 = arith.cmpf ole, %sub3A_881, %gather3A_1870 : vector<16xf32>
    %add3A_1872 = arith.constant 1 : i32
    %add3A_1873 = vector.broadcast %add3A_1872 : i32 to vector<16xi32>
    %add3A_1874 = arith.addi %shift_right_logical3A_1866, %add3A_1873 : vector<16xi32>
    %select_n3A_1875 = arith.select %le3A_1871, %broadcast_in_dim3A_1834, %add3A_1874 : vector<16xi1>, vector<16xi32>
    %select_n3A_1876 = arith.select %le3A_1871, %shift_right_logical3A_1866, %broadcast_in_dim3A_1842 : vector<16xi1>, vector<16xi32>
    %add3A_1877 = arith.addi %broadcast_in_dim3A_1836, %broadcast_in_dim3A_1844 : vector<16xi32>
    %shift_right_logical3A_1878 = arith.constant 1 : i32
    %shift_right_logical3A_1879 = vector.broadcast %shift_right_logical3A_1878 : i32 to vector<16xi32>
    %shift_right_logical3A_1880 = arith.shrui %add3A_1877, %shift_right_logical3A_1879 : vector<16xi32>
    %add3A_1881 = arith.constant 32 : i32
    %add3A_1882 = vector.broadcast %add3A_1881 : i32 to vector<16xi32>
    %add3A_1883 = arith.addi %iota3A, %add3A_1882 : vector<16xi32>
    %gather3A_1884 = tpu.vector_load_idx %arg13[%broadcast_in_dim3A_1848, %add3A_1883, %shift_right_logical3A_1880] : memref<2x64x16xf32, #tpu.memory_space<vmem>>[vector<16xi32>, vector<16xi32>, vector<16xi32>], vector<16xf32>,
    %le3A_1885 = arith.cmpf ole, %sub3A_890, %gather3A_1884 : vector<16xf32>
    %add3A_1886 = arith.constant 1 : i32
    %add3A_1887 = vector.broadcast %add3A_1886 : i32 to vector<16xi32>
    %add3A_1888 = arith.addi %shift_right_logical3A_1880, %add3A_1887 : vector<16xi32>
    %select_n3A_1889 = arith.select %le3A_1885, %broadcast_in_dim3A_1836, %add3A_1888 : vector<16xi1>, vector<16xi32>
    %select_n3A_1890 = arith.select %le3A_1885, %shift_right_logical3A_1880, %broadcast_in_dim3A_1844 : vector<16xi1>, vector<16xi32>
    %add3A_1891 = arith.addi %broadcast_in_dim3A_1838, %broadcast_in_dim3A_1846 : vector<16xi32>
    %shift_right_logical3A_1892 = arith.constant 1 : i32
    %shift_right_logical3A_1893 = vector.broadcast %shift_right_logical3A_1892 : i32 to vector<16xi32>
    %shift_right_logical3A_1894 = arith.shrui %add3A_1891, %shift_right_logical3A_1893 : vector<16xi32>
    %add3A_1895 = arith.constant 48 : i32
    %add3A_1896 = vector.broadcast %add3A_1895 : i32 to vector<16xi32>
    %add3A_1897 = arith.addi %iota3A, %add3A_1896 : vector<16xi32>
    %gather3A_1898 = tpu.vector_load_idx %arg13[%broadcast_in_dim3A_1848, %add3A_1897, %shift_right_logical3A_1894] : memref<2x64x16xf32, #tpu.memory_space<vmem>>[vector<16xi32>, vector<16xi32>, vector<16xi32>], vector<16xf32>,
    %le3A_1899 = arith.cmpf ole, %sub3A_899, %gather3A_1898 : vector<16xf32>
    %add3A_1900 = arith.constant 1 : i32
    %add3A_1901 = vector.broadcast %add3A_1900 : i32 to vector<16xi32>
    %add3A_1902 = arith.addi %shift_right_logical3A_1894, %add3A_1901 : vector<16xi32>
    %select_n3A_1903 = arith.select %le3A_1899, %broadcast_in_dim3A_1838, %add3A_1902 : vector<16xi1>, vector<16xi32>
    %select_n3A_1904 = arith.select %le3A_1899, %shift_right_logical3A_1894, %broadcast_in_dim3A_1846 : vector<16xi1>, vector<16xi32>
    %add3A_1905 = arith.addi %select_n3A_1861, %select_n3A_1862 : vector<16xi32>
    %shift_right_logical3A_1906 = arith.constant 1 : i32
    %shift_right_logical3A_1907 = vector.broadcast %shift_right_logical3A_1906 : i32 to vector<16xi32>
    %shift_right_logical3A_1908 = arith.shrui %add3A_1905, %shift_right_logical3A_1907 : vector<16xi32>
    %add3A_1909 = arith.constant 0 : i32
    %add3A_1910 = vector.broadcast %add3A_1909 : i32 to vector<16xi32>
    %add3A_1911 = arith.addi %iota3A, %add3A_1910 : vector<16xi32>
    %gather3A_1912 = tpu.vector_load_idx %arg13[%broadcast_in_dim3A_1848, %add3A_1911, %shift_right_logical3A_1908] : memref<2x64x16xf32, #tpu.memory_space<vmem>>[vector<16xi32>, vector<16xi32>, vector<16xi32>], vector<16xf32>,
    %le3A_1913 = arith.cmpf ole, %sub3A_872, %gather3A_1912 : vector<16xf32>
    %add3A_1914 = arith.constant 1 : i32
    %add3A_1915 = vector.broadcast %add3A_1914 : i32 to vector<16xi32>
    %add3A_1916 = arith.addi %shift_right_logical3A_1908, %add3A_1915 : vector<16xi32>
    %select_n3A_1917 = arith.select %le3A_1913, %select_n3A_1861, %add3A_1916 : vector<16xi1>, vector<16xi32>
    %select_n3A_1918 = arith.select %le3A_1913, %shift_right_logical3A_1908, %select_n3A_1862 : vector<16xi1>, vector<16xi32>
    %add3A_1919 = arith.addi %select_n3A_1875, %select_n3A_1876 : vector<16xi32>
    %shift_right_logical3A_1920 = arith.constant 1 : i32
    %shift_right_logical3A_1921 = vector.broadcast %shift_right_logical3A_1920 : i32 to vector<16xi32>
    %shift_right_logical3A_1922 = arith.shrui %add3A_1919, %shift_right_logical3A_1921 : vector<16xi32>
    %add3A_1923 = arith.constant 16 : i32
    %add3A_1924 = vector.broadcast %add3A_1923 : i32 to vector<16xi32>
    %add3A_1925 = arith.addi %iota3A, %add3A_1924 : vector<16xi32>
    %gather3A_1926 = tpu.vector_load_idx %arg13[%broadcast_in_dim3A_1848, %add3A_1925, %shift_right_logical3A_1922] : memref<2x64x16xf32, #tpu.memory_space<vmem>>[vector<16xi32>, vector<16xi32>, vector<16xi32>], vector<16xf32>,
    %le3A_1927 = arith.cmpf ole, %sub3A_881, %gather3A_1926 : vector<16xf32>
    %add3A_1928 = arith.constant 1 : i32
    %add3A_1929 = vector.broadcast %add3A_1928 : i32 to vector<16xi32>
    %add3A_1930 = arith.addi %shift_right_logical3A_1922, %add3A_1929 : vector<16xi32>
    %select_n3A_1931 = arith.select %le3A_1927, %select_n3A_1875, %add3A_1930 : vector<16xi1>, vector<16xi32>
    %select_n3A_1932 = arith.select %le3A_1927, %shift_right_logical3A_1922, %select_n3A_1876 : vector<16xi1>, vector<16xi32>
    %add3A_1933 = arith.addi %select_n3A_1889, %select_n3A_1890 : vector<16xi32>
    %shift_right_logical3A_1934 = arith.constant 1 : i32
    %shift_right_logical3A_1935 = vector.broadcast %shift_right_logical3A_1934 : i32 to vector<16xi32>
    %shift_right_logical3A_1936 = arith.shrui %add3A_1933, %shift_right_logical3A_1935 : vector<16xi32>
    %add3A_1937 = arith.constant 32 : i32
    %add3A_1938 = vector.broadcast %add3A_1937 : i32 to vector<16xi32>
    %add3A_1939 = arith.addi %iota3A, %add3A_1938 : vector<16xi32>
    %gather3A_1940 = tpu.vector_load_idx %arg13[%broadcast_in_dim3A_1848, %add3A_1939, %shift_right_logical3A_1936] : memref<2x64x16xf32, #tpu.memory_space<vmem>>[vector<16xi32>, vector<16xi32>, vector<16xi32>], vector<16xf32>,
    %le3A_1941 = arith.cmpf ole, %sub3A_890, %gather3A_1940 : vector<16xf32>
    %add3A_1942 = arith.constant 1 : i32
    %add3A_1943 = vector.broadcast %add3A_1942 : i32 to vector<16xi32>
    %add3A_1944 = arith.addi %shift_right_logical3A_1936, %add3A_1943 : vector<16xi32>
    %select_n3A_1945 = arith.select %le3A_1941, %select_n3A_1889, %add3A_1944 : vector<16xi1>, vector<16xi32>
    %select_n3A_1946 = arith.select %le3A_1941, %shift_right_logical3A_1936, %select_n3A_1890 : vector<16xi1>, vector<16xi32>
    %add3A_1947 = arith.addi %select_n3A_1903, %select_n3A_1904 : vector<16xi32>
    %shift_right_logical3A_1948 = arith.constant 1 : i32
    %shift_right_logical3A_1949 = vector.broadcast %shift_right_logical3A_1948 : i32 to vector<16xi32>
    %shift_right_logical3A_1950 = arith.shrui %add3A_1947, %shift_right_logical3A_1949 : vector<16xi32>
    %add3A_1951 = arith.constant 48 : i32
    %add3A_1952 = vector.broadcast %add3A_1951 : i32 to vector<16xi32>
    %add3A_1953 = arith.addi %iota3A, %add3A_1952 : vector<16xi32>
    %gather3A_1954 = tpu.vector_load_idx %arg13[%broadcast_in_dim3A_1848, %add3A_1953, %shift_right_logical3A_1950] : memref<2x64x16xf32, #tpu.memory_space<vmem>>[vector<16xi32>, vector<16xi32>, vector<16xi32>], vector<16xf32>,
    %le3A_1955 = arith.cmpf ole, %sub3A_899, %gather3A_1954 : vector<16xf32>
    %add3A_1956 = arith.constant 1 : i32
    %add3A_1957 = vector.broadcast %add3A_1956 : i32 to vector<16xi32>
    %add3A_1958 = arith.addi %shift_right_logical3A_1950, %add3A_1957 : vector<16xi32>
    %select_n3A_1959 = arith.select %le3A_1955, %select_n3A_1903, %add3A_1958 : vector<16xi1>, vector<16xi32>
    %select_n3A_1960 = arith.select %le3A_1955, %shift_right_logical3A_1950, %select_n3A_1904 : vector<16xi1>, vector<16xi32>
    %add3A_1961 = arith.addi %select_n3A_1917, %select_n3A_1918 : vector<16xi32>
    %shift_right_logical3A_1962 = arith.constant 1 : i32
    %shift_right_logical3A_1963 = vector.broadcast %shift_right_logical3A_1962 : i32 to vector<16xi32>
    %shift_right_logical3A_1964 = arith.shrui %add3A_1961, %shift_right_logical3A_1963 : vector<16xi32>
    %add3A_1965 = arith.constant 0 : i32
    %add3A_1966 = vector.broadcast %add3A_1965 : i32 to vector<16xi32>
    %add3A_1967 = arith.addi %iota3A, %add3A_1966 : vector<16xi32>
    %gather3A_1968 = tpu.vector_load_idx %arg13[%broadcast_in_dim3A_1848, %add3A_1967, %shift_right_logical3A_1964] : memref<2x64x16xf32, #tpu.memory_space<vmem>>[vector<16xi32>, vector<16xi32>, vector<16xi32>], vector<16xf32>,
    %le3A_1969 = arith.cmpf ole, %sub3A_872, %gather3A_1968 : vector<16xf32>
    %add3A_1970 = arith.constant 1 : i32
    %add3A_1971 = vector.broadcast %add3A_1970 : i32 to vector<16xi32>
    %add3A_1972 = arith.addi %shift_right_logical3A_1964, %add3A_1971 : vector<16xi32>
    %select_n3A_1973 = arith.select %le3A_1969, %select_n3A_1917, %add3A_1972 : vector<16xi1>, vector<16xi32>
    %select_n3A_1974 = arith.select %le3A_1969, %shift_right_logical3A_1964, %select_n3A_1918 : vector<16xi1>, vector<16xi32>
    %add3A_1975 = arith.addi %select_n3A_1931, %select_n3A_1932 : vector<16xi32>
    %shift_right_logical3A_1976 = arith.constant 1 : i32
    %shift_right_logical3A_1977 = vector.broadcast %shift_right_logical3A_1976 : i32 to vector<16xi32>
    %shift_right_logical3A_1978 = arith.shrui %add3A_1975, %shift_right_logical3A_1977 : vector<16xi32>
    %add3A_1979 = arith.constant 16 : i32
    %add3A_1980 = vector.broadcast %add3A_1979 : i32 to vector<16xi32>
    %add3A_1981 = arith.addi %iota3A, %add3A_1980 : vector<16xi32>
    %gather3A_1982 = tpu.vector_load_idx %arg13[%broadcast_in_dim3A_1848, %add3A_1981, %shift_right_logical3A_1978] : memref<2x64x16xf32, #tpu.memory_space<vmem>>[vector<16xi32>, vector<16xi32>, vector<16xi32>], vector<16xf32>,
    %le3A_1983 = arith.cmpf ole, %sub3A_881, %gather3A_1982 : vector<16xf32>
    %add3A_1984 = arith.constant 1 : i32
    %add3A_1985 = vector.broadcast %add3A_1984 : i32 to vector<16xi32>
    %add3A_1986 = arith.addi %shift_right_logical3A_1978, %add3A_1985 : vector<16xi32>
    %select_n3A_1987 = arith.select %le3A_1983, %select_n3A_1931, %add3A_1986 : vector<16xi1>, vector<16xi32>
    %select_n3A_1988 = arith.select %le3A_1983, %shift_right_logical3A_1978, %select_n3A_1932 : vector<16xi1>, vector<16xi32>
    %add3A_1989 = arith.addi %select_n3A_1945, %select_n3A_1946 : vector<16xi32>
    %shift_right_logical3A_1990 = arith.constant 1 : i32
    %shift_right_logical3A_1991 = vector.broadcast %shift_right_logical3A_1990 : i32 to vector<16xi32>
    %shift_right_logical3A_1992 = arith.shrui %add3A_1989, %shift_right_logical3A_1991 : vector<16xi32>
    %add3A_1993 = arith.constant 32 : i32
    %add3A_1994 = vector.broadcast %add3A_1993 : i32 to vector<16xi32>
    %add3A_1995 = arith.addi %iota3A, %add3A_1994 : vector<16xi32>
    %gather3A_1996 = tpu.vector_load_idx %arg13[%broadcast_in_dim3A_1848, %add3A_1995, %shift_right_logical3A_1992] : memref<2x64x16xf32, #tpu.memory_space<vmem>>[vector<16xi32>, vector<16xi32>, vector<16xi32>], vector<16xf32>,
    %le3A_1997 = arith.cmpf ole, %sub3A_890, %gather3A_1996 : vector<16xf32>
    %add3A_1998 = arith.constant 1 : i32
    %add3A_1999 = vector.broadcast %add3A_1998 : i32 to vector<16xi32>
    %add3A_2000 = arith.addi %shift_right_logical3A_1992, %add3A_1999 : vector<16xi32>
    %select_n3A_2001 = arith.select %le3A_1997, %select_n3A_1945, %add3A_2000 : vector<16xi1>, vector<16xi32>
    %select_n3A_2002 = arith.select %le3A_1997, %shift_right_logical3A_1992, %select_n3A_1946 : vector<16xi1>, vector<16xi32>
    %add3A_2003 = arith.addi %select_n3A_1959, %select_n3A_1960 : vector<16xi32>
    %shift_right_logical3A_2004 = arith.constant 1 : i32
    %shift_right_logical3A_2005 = vector.broadcast %shift_right_logical3A_2004 : i32 to vector<16xi32>
    %shift_right_logical3A_2006 = arith.shrui %add3A_2003, %shift_right_logical3A_2005 : vector<16xi32>
    %add3A_2007 = arith.constant 48 : i32
    %add3A_2008 = vector.broadcast %add3A_2007 : i32 to vector<16xi32>
    %add3A_2009 = arith.addi %iota3A, %add3A_2008 : vector<16xi32>
    %gather3A_2010 = tpu.vector_load_idx %arg13[%broadcast_in_dim3A_1848, %add3A_2009, %shift_right_logical3A_2006] : memref<2x64x16xf32, #tpu.memory_space<vmem>>[vector<16xi32>, vector<16xi32>, vector<16xi32>], vector<16xf32>,
    %le3A_2011 = arith.cmpf ole, %sub3A_899, %gather3A_2010 : vector<16xf32>
    %add3A_2012 = arith.constant 1 : i32
    %add3A_2013 = vector.broadcast %add3A_2012 : i32 to vector<16xi32>
    %add3A_2014 = arith.addi %shift_right_logical3A_2006, %add3A_2013 : vector<16xi32>
    %select_n3A_2015 = arith.select %le3A_2011, %select_n3A_1959, %add3A_2014 : vector<16xi1>, vector<16xi32>
    %select_n3A_2016 = arith.select %le3A_2011, %shift_right_logical3A_2006, %select_n3A_1960 : vector<16xi1>, vector<16xi32>
    %add3A_2017 = arith.addi %select_n3A_1973, %select_n3A_1974 : vector<16xi32>
    %shift_right_logical3A_2018 = arith.constant 1 : i32
    %shift_right_logical3A_2019 = vector.broadcast %shift_right_logical3A_2018 : i32 to vector<16xi32>
    %shift_right_logical3A_2020 = arith.shrui %add3A_2017, %shift_right_logical3A_2019 : vector<16xi32>
    %add3A_2021 = arith.constant 0 : i32
    %add3A_2022 = vector.broadcast %add3A_2021 : i32 to vector<16xi32>
    %add3A_2023 = arith.addi %iota3A, %add3A_2022 : vector<16xi32>
    %gather3A_2024 = tpu.vector_load_idx %arg13[%broadcast_in_dim3A_1848, %add3A_2023, %shift_right_logical3A_2020] : memref<2x64x16xf32, #tpu.memory_space<vmem>>[vector<16xi32>, vector<16xi32>, vector<16xi32>], vector<16xf32>,
    %le3A_2025 = arith.cmpf ole, %sub3A_872, %gather3A_2024 : vector<16xf32>
    %add3A_2026 = arith.constant 1 : i32
    %add3A_2027 = vector.broadcast %add3A_2026 : i32 to vector<16xi32>
    %add3A_2028 = arith.addi %shift_right_logical3A_2020, %add3A_2027 : vector<16xi32>
    %select_n3A_2029 = arith.select %le3A_2025, %select_n3A_1973, %add3A_2028 : vector<16xi1>, vector<16xi32>
    %select_n3A_2030 = arith.select %le3A_2025, %shift_right_logical3A_2020, %select_n3A_1974 : vector<16xi1>, vector<16xi32>
    %add3A_2031 = arith.addi %select_n3A_1987, %select_n3A_1988 : vector<16xi32>
    %shift_right_logical3A_2032 = arith.constant 1 : i32
    %shift_right_logical3A_2033 = vector.broadcast %shift_right_logical3A_2032 : i32 to vector<16xi32>
    %shift_right_logical3A_2034 = arith.shrui %add3A_2031, %shift_right_logical3A_2033 : vector<16xi32>
    %add3A_2035 = arith.constant 16 : i32
    %add3A_2036 = vector.broadcast %add3A_2035 : i32 to vector<16xi32>
    %add3A_2037 = arith.addi %iota3A, %add3A_2036 : vector<16xi32>
    %gather3A_2038 = tpu.vector_load_idx %arg13[%broadcast_in_dim3A_1848, %add3A_2037, %shift_right_logical3A_2034] : memref<2x64x16xf32, #tpu.memory_space<vmem>>[vector<16xi32>, vector<16xi32>, vector<16xi32>], vector<16xf32>,
    %le3A_2039 = arith.cmpf ole, %sub3A_881, %gather3A_2038 : vector<16xf32>
    %add3A_2040 = arith.constant 1 : i32
    %add3A_2041 = vector.broadcast %add3A_2040 : i32 to vector<16xi32>
    %add3A_2042 = arith.addi %shift_right_logical3A_2034, %add3A_2041 : vector<16xi32>
    %select_n3A_2043 = arith.select %le3A_2039, %select_n3A_1987, %add3A_2042 : vector<16xi1>, vector<16xi32>
    %select_n3A_2044 = arith.select %le3A_2039, %shift_right_logical3A_2034, %select_n3A_1988 : vector<16xi1>, vector<16xi32>
    %add3A_2045 = arith.addi %select_n3A_2001, %select_n3A_2002 : vector<16xi32>
    %shift_right_logical3A_2046 = arith.constant 1 : i32
    %shift_right_logical3A_2047 = vector.broadcast %shift_right_logical3A_2046 : i32 to vector<16xi32>
    %shift_right_logical3A_2048 = arith.shrui %add3A_2045, %shift_right_logical3A_2047 : vector<16xi32>
    %add3A_2049 = arith.constant 32 : i32
    %add3A_2050 = vector.broadcast %add3A_2049 : i32 to vector<16xi32>
    %add3A_2051 = arith.addi %iota3A, %add3A_2050 : vector<16xi32>
    %gather3A_2052 = tpu.vector_load_idx %arg13[%broadcast_in_dim3A_1848, %add3A_2051, %shift_right_logical3A_2048] : memref<2x64x16xf32, #tpu.memory_space<vmem>>[vector<16xi32>, vector<16xi32>, vector<16xi32>], vector<16xf32>,
    %le3A_2053 = arith.cmpf ole, %sub3A_890, %gather3A_2052 : vector<16xf32>
    %add3A_2054 = arith.constant 1 : i32
    %add3A_2055 = vector.broadcast %add3A_2054 : i32 to vector<16xi32>
    %add3A_2056 = arith.addi %shift_right_logical3A_2048, %add3A_2055 : vector<16xi32>
    %select_n3A_2057 = arith.select %le3A_2053, %select_n3A_2001, %add3A_2056 : vector<16xi1>, vector<16xi32>
    %select_n3A_2058 = arith.select %le3A_2053, %shift_right_logical3A_2048, %select_n3A_2002 : vector<16xi1>, vector<16xi32>
    %add3A_2059 = arith.addi %select_n3A_2015, %select_n3A_2016 : vector<16xi32>
    %shift_right_logical3A_2060 = arith.constant 1 : i32
    %shift_right_logical3A_2061 = vector.broadcast %shift_right_logical3A_2060 : i32 to vector<16xi32>
    %shift_right_logical3A_2062 = arith.shrui %add3A_2059, %shift_right_logical3A_2061 : vector<16xi32>
    %add3A_2063 = arith.constant 48 : i32
    %add3A_2064 = vector.broadcast %add3A_2063 : i32 to vector<16xi32>
    %add3A_2065 = arith.addi %iota3A, %add3A_2064 : vector<16xi32>
    %gather3A_2066 = tpu.vector_load_idx %arg13[%broadcast_in_dim3A_1848, %add3A_2065, %shift_right_logical3A_2062] : memref<2x64x16xf32, #tpu.memory_space<vmem>>[vector<16xi32>, vector<16xi32>, vector<16xi32>], vector<16xf32>,
    %le3A_2067 = arith.cmpf ole, %sub3A_899, %gather3A_2066 : vector<16xf32>
    %add3A_2068 = arith.constant 1 : i32
    %add3A_2069 = vector.broadcast %add3A_2068 : i32 to vector<16xi32>
    %add3A_2070 = arith.addi %shift_right_logical3A_2062, %add3A_2069 : vector<16xi32>
    %select_n3A_2071 = arith.select %le3A_2067, %select_n3A_2015, %add3A_2070 : vector<16xi1>, vector<16xi32>
    %select_n3A_2072 = arith.select %le3A_2067, %shift_right_logical3A_2062, %select_n3A_2016 : vector<16xi1>, vector<16xi32>
    %mul3A_2073 = arith.constant 16 : i32
    %mul3A_2074 = vector.broadcast %mul3A_2073 : i32 to vector<16xi32>
    %mul3A_2075 = arith.muli %add3A_1099, %mul3A_2074 : vector<16xi32>
    %add3A_2076 = arith.addi %mul3A_2075, %select_n3A_2029 : vector<16xi32>
    %min3A = arith.constant 100000 : i32
    %min3A_2077 = vector.broadcast %min3A : i32 to vector<16xi32>
    %min3A_2078 = arith.minsi %add3A_2076, %min3A_2077 : vector<16xi32>
    %swap3A_2079 = arith.constant 0 : index
    %swap3A_2080 = tpu.vector_load %arg14[%swap3A_2079] {strides = array<i32>} : memref<128xi32, #tpu.memory_space<vmem>>, vector<16xi32>,
    tpu.vector_store %arg14[%swap3A_2079], %min3A_2078 {strides = array<i32>} : memref<128xi32, #tpu.memory_space<vmem>>, vector<16xi32>,
    %mul3A_2081 = arith.constant 16 : i32
    %mul3A_2082 = vector.broadcast %mul3A_2081 : i32 to vector<16xi32>
    %mul3A_2083 = arith.muli %add3A_1104, %mul3A_2082 : vector<16xi32>
    %add3A_2084 = arith.addi %mul3A_2083, %select_n3A_2043 : vector<16xi32>
    %min3A_2085 = arith.constant 100000 : i32
    %min3A_2086 = vector.broadcast %min3A_2085 : i32 to vector<16xi32>
    %min3A_2087 = arith.minsi %add3A_2084, %min3A_2086 : vector<16xi32>
    %swap3A_2088 = arith.constant 16 : index
    %swap3A_2089 = tpu.vector_load %arg14[%swap3A_2088] {strides = array<i32>} : memref<128xi32, #tpu.memory_space<vmem>>, vector<16xi32>,
    tpu.vector_store %arg14[%swap3A_2088], %min3A_2087 {strides = array<i32>} : memref<128xi32, #tpu.memory_space<vmem>>, vector<16xi32>,
    %mul3A_2090 = arith.constant 16 : i32
    %mul3A_2091 = vector.broadcast %mul3A_2090 : i32 to vector<16xi32>
    %mul3A_2092 = arith.muli %add3A_1109, %mul3A_2091 : vector<16xi32>
    %add3A_2093 = arith.addi %mul3A_2092, %select_n3A_2057 : vector<16xi32>
    %min3A_2094 = arith.constant 100000 : i32
    %min3A_2095 = vector.broadcast %min3A_2094 : i32 to vector<16xi32>
    %min3A_2096 = arith.minsi %add3A_2093, %min3A_2095 : vector<16xi32>
    %swap3A_2097 = arith.constant 32 : index
    %swap3A_2098 = tpu.vector_load %arg14[%swap3A_2097] {strides = array<i32>} : memref<128xi32, #tpu.memory_space<vmem>>, vector<16xi32>,
    tpu.vector_store %arg14[%swap3A_2097], %min3A_2096 {strides = array<i32>} : memref<128xi32, #tpu.memory_space<vmem>>, vector<16xi32>,
    %mul3A_2099 = arith.constant 16 : i32
    %mul3A_2100 = vector.broadcast %mul3A_2099 : i32 to vector<16xi32>
    %mul3A_2101 = arith.muli %add3A_1114, %mul3A_2100 : vector<16xi32>
    %add3A_2102 = arith.addi %mul3A_2101, %select_n3A_2071 : vector<16xi32>
    %min3A_2103 = arith.constant 100000 : i32
    %min3A_2104 = vector.broadcast %min3A_2103 : i32 to vector<16xi32>
    %min3A_2105 = arith.minsi %add3A_2102, %min3A_2104 : vector<16xi32>
    %swap3A_2106 = arith.constant 48 : index
    %swap3A_2107 = tpu.vector_load %arg14[%swap3A_2106] {strides = array<i32>} : memref<128xi32, #tpu.memory_space<vmem>>, vector<16xi32>,
    tpu.vector_store %arg14[%swap3A_2106], %min3A_2105 {strides = array<i32>} : memref<128xi32, #tpu.memory_space<vmem>>, vector<16xi32>,
    %dma_wait3A_2108 = arith.constant 1 : i32
    %dma_wait3A_2109 = arith.constant 1 : i32
    %dma_wait3A_2110 = arith.constant 0 : i32
    %dma_wait3A_2111 = arith.constant 0 : i32
    %dma_wait3A_2112 = tpu.memref_slice %arg13[%dma_wait3A_2109, %dma_wait3A_2110, %dma_wait3A_2111] : memref<2x64x16xf32, #tpu.memory_space<vmem>> -> memref<1x64x16xf32, #tpu.memory_space<vmem>>
    %dma_wait3A_2113 = tpu.memref_squeeze %dma_wait3A_2112 : memref<1x64x16xf32, #tpu.memory_space<vmem>> -> memref<64x16xf32, #tpu.memory_space<vmem>>
    %dma_wait3A_2114 = arith.constant 0 : i32
    %dma_wait3A_2115 = tpu.memref_slice %arg12[%dma_wait3A_2108, %dma_wait3A_2114] : memref<2x64xi32, #tpu.memory_space<vmem>> -> memref<1x64xi32, #tpu.memory_space<vmem>>
    %dma_wait3A_2116 = tpu.memref_squeeze %dma_wait3A_2115 : memref<1x64xi32, #tpu.memory_space<vmem>> -> memref<64xi32, #tpu.memory_space<vmem>>
    %dma_wait3A_2117 = arith.constant 0 : i32
    %dma_wait3A_2118 = arith.constant 0 : i32
    %dma_wait3A_2119 = tpu.memref_slice %arg2[%dma_wait3A_2117, %dma_wait3A_2118] : memref<6656x16xf32, #tpu.memory_space<hbm>> -> memref<6656x16xf32, #tpu.memory_space<hbm>>
    tpu.wait_indirect_dma semaphore(%arg16 : memref<!tpu.dma_semaphore, #tpu.memory_space<semaphore_mem>>) src(%dma_wait3A_2119 : memref<6656x16xf32, #tpu.memory_space<hbm>>) dst(%dma_wait3A_2113 : memref<64x16xf32, #tpu.memory_space<vmem>>)
    %broadcast_in_dim3A_2120 = arith.constant 0 : i32
    %broadcast_in_dim3A_2121 = vector.broadcast %broadcast_in_dim3A_2120 : i32 to vector<16xi32>
    %broadcast_in_dim3A_2122 = arith.constant 0 : i32
    %broadcast_in_dim3A_2123 = vector.broadcast %broadcast_in_dim3A_2122 : i32 to vector<16xi32>
    %broadcast_in_dim3A_2124 = arith.constant 0 : i32
    %broadcast_in_dim3A_2125 = vector.broadcast %broadcast_in_dim3A_2124 : i32 to vector<16xi32>
    %broadcast_in_dim3A_2126 = arith.constant 0 : i32
    %broadcast_in_dim3A_2127 = vector.broadcast %broadcast_in_dim3A_2126 : i32 to vector<16xi32>
    %broadcast_in_dim3A_2128 = arith.constant 15 : i32
    %broadcast_in_dim3A_2129 = vector.broadcast %broadcast_in_dim3A_2128 : i32 to vector<16xi32>
    %broadcast_in_dim3A_2130 = arith.constant 15 : i32
    %broadcast_in_dim3A_2131 = vector.broadcast %broadcast_in_dim3A_2130 : i32 to vector<16xi32>
    %broadcast_in_dim3A_2132 = arith.constant 15 : i32
    %broadcast_in_dim3A_2133 = vector.broadcast %broadcast_in_dim3A_2132 : i32 to vector<16xi32>
    %broadcast_in_dim3A_2134 = arith.constant 15 : i32
    %broadcast_in_dim3A_2135 = vector.broadcast %broadcast_in_dim3A_2134 : i32 to vector<16xi32>
    %broadcast_in_dim3A_2136 = arith.constant 1 : i32
    %broadcast_in_dim3A_2137 = vector.broadcast %broadcast_in_dim3A_2136 : i32 to vector<16xi32>
    %add3A_2138 = arith.addi %broadcast_in_dim3A_2121, %broadcast_in_dim3A_2129 : vector<16xi32>
    %shift_right_logical3A_2139 = arith.constant 1 : i32
    %shift_right_logical3A_2140 = vector.broadcast %shift_right_logical3A_2139 : i32 to vector<16xi32>
    %shift_right_logical3A_2141 = arith.shrui %add3A_2138, %shift_right_logical3A_2140 : vector<16xi32>
    %add3A_2142 = arith.constant 0 : i32
    %add3A_2143 = vector.broadcast %add3A_2142 : i32 to vector<16xi32>
    %add3A_2144 = arith.addi %iota3A, %add3A_2143 : vector<16xi32>
    %gather3A_2145 = tpu.vector_load_idx %arg13[%broadcast_in_dim3A_2137, %add3A_2144, %shift_right_logical3A_2141] : memref<2x64x16xf32, #tpu.memory_space<vmem>>[vector<16xi32>, vector<16xi32>, vector<16xi32>], vector<16xf32>,
    %le3A_2146 = arith.cmpf ole, %sub3A_1560, %gather3A_2145 : vector<16xf32>
    %add3A_2147 = arith.constant 1 : i32
    %add3A_2148 = vector.broadcast %add3A_2147 : i32 to vector<16xi32>
    %add3A_2149 = arith.addi %shift_right_logical3A_2141, %add3A_2148 : vector<16xi32>
    %select_n3A_2150 = arith.select %le3A_2146, %broadcast_in_dim3A_2121, %add3A_2149 : vector<16xi1>, vector<16xi32>
    %select_n3A_2151 = arith.select %le3A_2146, %shift_right_logical3A_2141, %broadcast_in_dim3A_2129 : vector<16xi1>, vector<16xi32>
    %add3A_2152 = arith.addi %broadcast_in_dim3A_2123, %broadcast_in_dim3A_2131 : vector<16xi32>
    %shift_right_logical3A_2153 = arith.constant 1 : i32
    %shift_right_logical3A_2154 = vector.broadcast %shift_right_logical3A_2153 : i32 to vector<16xi32>
    %shift_right_logical3A_2155 = arith.shrui %add3A_2152, %shift_right_logical3A_2154 : vector<16xi32>
    %add3A_2156 = arith.constant 16 : i32
    %add3A_2157 = vector.broadcast %add3A_2156 : i32 to vector<16xi32>
    %add3A_2158 = arith.addi %iota3A, %add3A_2157 : vector<16xi32>
    %gather3A_2159 = tpu.vector_load_idx %arg13[%broadcast_in_dim3A_2137, %add3A_2158, %shift_right_logical3A_2155] : memref<2x64x16xf32, #tpu.memory_space<vmem>>[vector<16xi32>, vector<16xi32>, vector<16xi32>], vector<16xf32>,
    %le3A_2160 = arith.cmpf ole, %sub3A_1569, %gather3A_2159 : vector<16xf32>
    %add3A_2161 = arith.constant 1 : i32
    %add3A_2162 = vector.broadcast %add3A_2161 : i32 to vector<16xi32>
    %add3A_2163 = arith.addi %shift_right_logical3A_2155, %add3A_2162 : vector<16xi32>
    %select_n3A_2164 = arith.select %le3A_2160, %broadcast_in_dim3A_2123, %add3A_2163 : vector<16xi1>, vector<16xi32>
    %select_n3A_2165 = arith.select %le3A_2160, %shift_right_logical3A_2155, %broadcast_in_dim3A_2131 : vector<16xi1>, vector<16xi32>
    %add3A_2166 = arith.addi %broadcast_in_dim3A_2125, %broadcast_in_dim3A_2133 : vector<16xi32>
    %shift_right_logical3A_2167 = arith.constant 1 : i32
    %shift_right_logical3A_2168 = vector.broadcast %shift_right_logical3A_2167 : i32 to vector<16xi32>
    %shift_right_logical3A_2169 = arith.shrui %add3A_2166, %shift_right_logical3A_2168 : vector<16xi32>
    %add3A_2170 = arith.constant 32 : i32
    %add3A_2171 = vector.broadcast %add3A_2170 : i32 to vector<16xi32>
    %add3A_2172 = arith.addi %iota3A, %add3A_2171 : vector<16xi32>
    %gather3A_2173 = tpu.vector_load_idx %arg13[%broadcast_in_dim3A_2137, %add3A_2172, %shift_right_logical3A_2169] : memref<2x64x16xf32, #tpu.memory_space<vmem>>[vector<16xi32>, vector<16xi32>, vector<16xi32>], vector<16xf32>,
    %le3A_2174 = arith.cmpf ole, %sub3A_1578, %gather3A_2173 : vector<16xf32>
    %add3A_2175 = arith.constant 1 : i32
    %add3A_2176 = vector.broadcast %add3A_2175 : i32 to vector<16xi32>
    %add3A_2177 = arith.addi %shift_right_logical3A_2169, %add3A_2176 : vector<16xi32>
    %select_n3A_2178 = arith.select %le3A_2174, %broadcast_in_dim3A_2125, %add3A_2177 : vector<16xi1>, vector<16xi32>
    %select_n3A_2179 = arith.select %le3A_2174, %shift_right_logical3A_2169, %broadcast_in_dim3A_2133 : vector<16xi1>, vector<16xi32>
    %add3A_2180 = arith.addi %broadcast_in_dim3A_2127, %broadcast_in_dim3A_2135 : vector<16xi32>
    %shift_right_logical3A_2181 = arith.constant 1 : i32
    %shift_right_logical3A_2182 = vector.broadcast %shift_right_logical3A_2181 : i32 to vector<16xi32>
    %shift_right_logical3A_2183 = arith.shrui %add3A_2180, %shift_right_logical3A_2182 : vector<16xi32>
    %add3A_2184 = arith.constant 48 : i32
    %add3A_2185 = vector.broadcast %add3A_2184 : i32 to vector<16xi32>
    %add3A_2186 = arith.addi %iota3A, %add3A_2185 : vector<16xi32>
    %gather3A_2187 = tpu.vector_load_idx %arg13[%broadcast_in_dim3A_2137, %add3A_2186, %shift_right_logical3A_2183] : memref<2x64x16xf32, #tpu.memory_space<vmem>>[vector<16xi32>, vector<16xi32>, vector<16xi32>], vector<16xf32>,
    %le3A_2188 = arith.cmpf ole, %sub3A_1587, %gather3A_2187 : vector<16xf32>
    %add3A_2189 = arith.constant 1 : i32
    %add3A_2190 = vector.broadcast %add3A_2189 : i32 to vector<16xi32>
    %add3A_2191 = arith.addi %shift_right_logical3A_2183, %add3A_2190 : vector<16xi32>
    %select_n3A_2192 = arith.select %le3A_2188, %broadcast_in_dim3A_2127, %add3A_2191 : vector<16xi1>, vector<16xi32>
    %select_n3A_2193 = arith.select %le3A_2188, %shift_right_logical3A_2183, %broadcast_in_dim3A_2135 : vector<16xi1>, vector<16xi32>
    %add3A_2194 = arith.addi %select_n3A_2150, %select_n3A_2151 : vector<16xi32>
    %shift_right_logical3A_2195 = arith.constant 1 : i32
    %shift_right_logical3A_2196 = vector.broadcast %shift_right_logical3A_2195 : i32 to vector<16xi32>
    %shift_right_logical3A_2197 = arith.shrui %add3A_2194, %shift_right_logical3A_2196 : vector<16xi32>
    %add3A_2198 = arith.constant 0 : i32
    %add3A_2199 = vector.broadcast %add3A_2198 : i32 to vector<16xi32>
    %add3A_2200 = arith.addi %iota3A, %add3A_2199 : vector<16xi32>
    %gather3A_2201 = tpu.vector_load_idx %arg13[%broadcast_in_dim3A_2137, %add3A_2200, %shift_right_logical3A_2197] : memref<2x64x16xf32, #tpu.memory_space<vmem>>[vector<16xi32>, vector<16xi32>, vector<16xi32>], vector<16xf32>,
    %le3A_2202 = arith.cmpf ole, %sub3A_1560, %gather3A_2201 : vector<16xf32>
    %add3A_2203 = arith.constant 1 : i32
    %add3A_2204 = vector.broadcast %add3A_2203 : i32 to vector<16xi32>
    %add3A_2205 = arith.addi %shift_right_logical3A_2197, %add3A_2204 : vector<16xi32>
    %select_n3A_2206 = arith.select %le3A_2202, %select_n3A_2150, %add3A_2205 : vector<16xi1>, vector<16xi32>
    %select_n3A_2207 = arith.select %le3A_2202, %shift_right_logical3A_2197, %select_n3A_2151 : vector<16xi1>, vector<16xi32>
    %add3A_2208 = arith.addi %select_n3A_2164, %select_n3A_2165 : vector<16xi32>
    %shift_right_logical3A_2209 = arith.constant 1 : i32
    %shift_right_logical3A_2210 = vector.broadcast %shift_right_logical3A_2209 : i32 to vector<16xi32>
    %shift_right_logical3A_2211 = arith.shrui %add3A_2208, %shift_right_logical3A_2210 : vector<16xi32>
    %add3A_2212 = arith.constant 16 : i32
    %add3A_2213 = vector.broadcast %add3A_2212 : i32 to vector<16xi32>
    %add3A_2214 = arith.addi %iota3A, %add3A_2213 : vector<16xi32>
    %gather3A_2215 = tpu.vector_load_idx %arg13[%broadcast_in_dim3A_2137, %add3A_2214, %shift_right_logical3A_2211] : memref<2x64x16xf32, #tpu.memory_space<vmem>>[vector<16xi32>, vector<16xi32>, vector<16xi32>], vector<16xf32>,
    %le3A_2216 = arith.cmpf ole, %sub3A_1569, %gather3A_2215 : vector<16xf32>
    %add3A_2217 = arith.constant 1 : i32
    %add3A_2218 = vector.broadcast %add3A_2217 : i32 to vector<16xi32>
    %add3A_2219 = arith.addi %shift_right_logical3A_2211, %add3A_2218 : vector<16xi32>
    %select_n3A_2220 = arith.select %le3A_2216, %select_n3A_2164, %add3A_2219 : vector<16xi1>, vector<16xi32>
    %select_n3A_2221 = arith.select %le3A_2216, %shift_right_logical3A_2211, %select_n3A_2165 : vector<16xi1>, vector<16xi32>
    %add3A_2222 = arith.addi %select_n3A_2178, %select_n3A_2179 : vector<16xi32>
    %shift_right_logical3A_2223 = arith.constant 1 : i32
    %shift_right_logical3A_2224 = vector.broadcast %shift_right_logical3A_2223 : i32 to vector<16xi32>
    %shift_right_logical3A_2225 = arith.shrui %add3A_2222, %shift_right_logical3A_2224 : vector<16xi32>
    %add3A_2226 = arith.constant 32 : i32
    %add3A_2227 = vector.broadcast %add3A_2226 : i32 to vector<16xi32>
    %add3A_2228 = arith.addi %iota3A, %add3A_2227 : vector<16xi32>
    %gather3A_2229 = tpu.vector_load_idx %arg13[%broadcast_in_dim3A_2137, %add3A_2228, %shift_right_logical3A_2225] : memref<2x64x16xf32, #tpu.memory_space<vmem>>[vector<16xi32>, vector<16xi32>, vector<16xi32>], vector<16xf32>,
    %le3A_2230 = arith.cmpf ole, %sub3A_1578, %gather3A_2229 : vector<16xf32>
    %add3A_2231 = arith.constant 1 : i32
    %add3A_2232 = vector.broadcast %add3A_2231 : i32 to vector<16xi32>
    %add3A_2233 = arith.addi %shift_right_logical3A_2225, %add3A_2232 : vector<16xi32>
    %select_n3A_2234 = arith.select %le3A_2230, %select_n3A_2178, %add3A_2233 : vector<16xi1>, vector<16xi32>
    %select_n3A_2235 = arith.select %le3A_2230, %shift_right_logical3A_2225, %select_n3A_2179 : vector<16xi1>, vector<16xi32>
    %add3A_2236 = arith.addi %select_n3A_2192, %select_n3A_2193 : vector<16xi32>
    %shift_right_logical3A_2237 = arith.constant 1 : i32
    %shift_right_logical3A_2238 = vector.broadcast %shift_right_logical3A_2237 : i32 to vector<16xi32>
    %shift_right_logical3A_2239 = arith.shrui %add3A_2236, %shift_right_logical3A_2238 : vector<16xi32>
    %add3A_2240 = arith.constant 48 : i32
    %add3A_2241 = vector.broadcast %add3A_2240 : i32 to vector<16xi32>
    %add3A_2242 = arith.addi %iota3A, %add3A_2241 : vector<16xi32>
    %gather3A_2243 = tpu.vector_load_idx %arg13[%broadcast_in_dim3A_2137, %add3A_2242, %shift_right_logical3A_2239] : memref<2x64x16xf32, #tpu.memory_space<vmem>>[vector<16xi32>, vector<16xi32>, vector<16xi32>], vector<16xf32>,
    %le3A_2244 = arith.cmpf ole, %sub3A_1587, %gather3A_2243 : vector<16xf32>
    %add3A_2245 = arith.constant 1 : i32
    %add3A_2246 = vector.broadcast %add3A_2245 : i32 to vector<16xi32>
    %add3A_2247 = arith.addi %shift_right_logical3A_2239, %add3A_2246 : vector<16xi32>
    %select_n3A_2248 = arith.select %le3A_2244, %select_n3A_2192, %add3A_2247 : vector<16xi1>, vector<16xi32>
    %select_n3A_2249 = arith.select %le3A_2244, %shift_right_logical3A_2239, %select_n3A_2193 : vector<16xi1>, vector<16xi32>
    %add3A_2250 = arith.addi %select_n3A_2206, %select_n3A_2207 : vector<16xi32>
    %shift_right_logical3A_2251 = arith.constant 1 : i32
    %shift_right_logical3A_2252 = vector.broadcast %shift_right_logical3A_2251 : i32 to vector<16xi32>
    %shift_right_logical3A_2253 = arith.shrui %add3A_2250, %shift_right_logical3A_2252 : vector<16xi32>
    %add3A_2254 = arith.constant 0 : i32
    %add3A_2255 = vector.broadcast %add3A_2254 : i32 to vector<16xi32>
    %add3A_2256 = arith.addi %iota3A, %add3A_2255 : vector<16xi32>
    %gather3A_2257 = tpu.vector_load_idx %arg13[%broadcast_in_dim3A_2137, %add3A_2256, %shift_right_logical3A_2253] : memref<2x64x16xf32, #tpu.memory_space<vmem>>[vector<16xi32>, vector<16xi32>, vector<16xi32>], vector<16xf32>,
    %le3A_2258 = arith.cmpf ole, %sub3A_1560, %gather3A_2257 : vector<16xf32>
    %add3A_2259 = arith.constant 1 : i32
    %add3A_2260 = vector.broadcast %add3A_2259 : i32 to vector<16xi32>
    %add3A_2261 = arith.addi %shift_right_logical3A_2253, %add3A_2260 : vector<16xi32>
    %select_n3A_2262 = arith.select %le3A_2258, %select_n3A_2206, %add3A_2261 : vector<16xi1>, vector<16xi32>
    %select_n3A_2263 = arith.select %le3A_2258, %shift_right_logical3A_2253, %select_n3A_2207 : vector<16xi1>, vector<16xi32>
    %add3A_2264 = arith.addi %select_n3A_2220, %select_n3A_2221 : vector<16xi32>
    %shift_right_logical3A_2265 = arith.constant 1 : i32
    %shift_right_logical3A_2266 = vector.broadcast %shift_right_logical3A_2265 : i32 to vector<16xi32>
    %shift_right_logical3A_2267 = arith.shrui %add3A_2264, %shift_right_logical3A_2266 : vector<16xi32>
    %add3A_2268 = arith.constant 16 : i32
    %add3A_2269 = vector.broadcast %add3A_2268 : i32 to vector<16xi32>
    %add3A_2270 = arith.addi %iota3A, %add3A_2269 : vector<16xi32>
    %gather3A_2271 = tpu.vector_load_idx %arg13[%broadcast_in_dim3A_2137, %add3A_2270, %shift_right_logical3A_2267] : memref<2x64x16xf32, #tpu.memory_space<vmem>>[vector<16xi32>, vector<16xi32>, vector<16xi32>], vector<16xf32>,
    %le3A_2272 = arith.cmpf ole, %sub3A_1569, %gather3A_2271 : vector<16xf32>
    %add3A_2273 = arith.constant 1 : i32
    %add3A_2274 = vector.broadcast %add3A_2273 : i32 to vector<16xi32>
    %add3A_2275 = arith.addi %shift_right_logical3A_2267, %add3A_2274 : vector<16xi32>
    %select_n3A_2276 = arith.select %le3A_2272, %select_n3A_2220, %add3A_2275 : vector<16xi1>, vector<16xi32>
    %select_n3A_2277 = arith.select %le3A_2272, %shift_right_logical3A_2267, %select_n3A_2221 : vector<16xi1>, vector<16xi32>
    %add3A_2278 = arith.addi %select_n3A_2234, %select_n3A_2235 : vector<16xi32>
    %shift_right_logical3A_2279 = arith.constant 1 : i32
    %shift_right_logical3A_2280 = vector.broadcast %shift_right_logical3A_2279 : i32 to vector<16xi32>
    %shift_right_logical3A_2281 = arith.shrui %add3A_2278, %shift_right_logical3A_2280 : vector<16xi32>
    %add3A_2282 = arith.constant 32 : i32
    %add3A_2283 = vector.broadcast %add3A_2282 : i32 to vector<16xi32>
    %add3A_2284 = arith.addi %iota3A, %add3A_2283 : vector<16xi32>
    %gather3A_2285 = tpu.vector_load_idx %arg13[%broadcast_in_dim3A_2137, %add3A_2284, %shift_right_logical3A_2281] : memref<2x64x16xf32, #tpu.memory_space<vmem>>[vector<16xi32>, vector<16xi32>, vector<16xi32>], vector<16xf32>,
    %le3A_2286 = arith.cmpf ole, %sub3A_1578, %gather3A_2285 : vector<16xf32>
    %add3A_2287 = arith.constant 1 : i32
    %add3A_2288 = vector.broadcast %add3A_2287 : i32 to vector<16xi32>
    %add3A_2289 = arith.addi %shift_right_logical3A_2281, %add3A_2288 : vector<16xi32>
    %select_n3A_2290 = arith.select %le3A_2286, %select_n3A_2234, %add3A_2289 : vector<16xi1>, vector<16xi32>
    %select_n3A_2291 = arith.select %le3A_2286, %shift_right_logical3A_2281, %select_n3A_2235 : vector<16xi1>, vector<16xi32>
    %add3A_2292 = arith.addi %select_n3A_2248, %select_n3A_2249 : vector<16xi32>
    %shift_right_logical3A_2293 = arith.constant 1 : i32
    %shift_right_logical3A_2294 = vector.broadcast %shift_right_logical3A_2293 : i32 to vector<16xi32>
    %shift_right_logical3A_2295 = arith.shrui %add3A_2292, %shift_right_logical3A_2294 : vector<16xi32>
    %add3A_2296 = arith.constant 48 : i32
    %add3A_2297 = vector.broadcast %add3A_2296 : i32 to vector<16xi32>
    %add3A_2298 = arith.addi %iota3A, %add3A_2297 : vector<16xi32>
    %gather3A_2299 = tpu.vector_load_idx %arg13[%broadcast_in_dim3A_2137, %add3A_2298, %shift_right_logical3A_2295] : memref<2x64x16xf32, #tpu.memory_space<vmem>>[vector<16xi32>, vector<16xi32>, vector<16xi32>], vector<16xf32>,
    %le3A_2300 = arith.cmpf ole, %sub3A_1587, %gather3A_2299 : vector<16xf32>
    %add3A_2301 = arith.constant 1 : i32
    %add3A_2302 = vector.broadcast %add3A_2301 : i32 to vector<16xi32>
    %add3A_2303 = arith.addi %shift_right_logical3A_2295, %add3A_2302 : vector<16xi32>
    %select_n3A_2304 = arith.select %le3A_2300, %select_n3A_2248, %add3A_2303 : vector<16xi1>, vector<16xi32>
    %select_n3A_2305 = arith.select %le3A_2300, %shift_right_logical3A_2295, %select_n3A_2249 : vector<16xi1>, vector<16xi32>
    %add3A_2306 = arith.addi %select_n3A_2262, %select_n3A_2263 : vector<16xi32>
    %shift_right_logical3A_2307 = arith.constant 1 : i32
    %shift_right_logical3A_2308 = vector.broadcast %shift_right_logical3A_2307 : i32 to vector<16xi32>
    %shift_right_logical3A_2309 = arith.shrui %add3A_2306, %shift_right_logical3A_2308 : vector<16xi32>
    %add3A_2310 = arith.constant 0 : i32
    %add3A_2311 = vector.broadcast %add3A_2310 : i32 to vector<16xi32>
    %add3A_2312 = arith.addi %iota3A, %add3A_2311 : vector<16xi32>
    %gather3A_2313 = tpu.vector_load_idx %arg13[%broadcast_in_dim3A_2137, %add3A_2312, %shift_right_logical3A_2309] : memref<2x64x16xf32, #tpu.memory_space<vmem>>[vector<16xi32>, vector<16xi32>, vector<16xi32>], vector<16xf32>,
    %le3A_2314 = arith.cmpf ole, %sub3A_1560, %gather3A_2313 : vector<16xf32>
    %add3A_2315 = arith.constant 1 : i32
    %add3A_2316 = vector.broadcast %add3A_2315 : i32 to vector<16xi32>
    %add3A_2317 = arith.addi %shift_right_logical3A_2309, %add3A_2316 : vector<16xi32>
    %select_n3A_2318 = arith.select %le3A_2314, %select_n3A_2262, %add3A_2317 : vector<16xi1>, vector<16xi32>
    %select_n3A_2319 = arith.select %le3A_2314, %shift_right_logical3A_2309, %select_n3A_2263 : vector<16xi1>, vector<16xi32>
    %add3A_2320 = arith.addi %select_n3A_2276, %select_n3A_2277 : vector<16xi32>
    %shift_right_logical3A_2321 = arith.constant 1 : i32
    %shift_right_logical3A_2322 = vector.broadcast %shift_right_logical3A_2321 : i32 to vector<16xi32>
    %shift_right_logical3A_2323 = arith.shrui %add3A_2320, %shift_right_logical3A_2322 : vector<16xi32>
    %add3A_2324 = arith.constant 16 : i32
    %add3A_2325 = vector.broadcast %add3A_2324 : i32 to vector<16xi32>
    %add3A_2326 = arith.addi %iota3A, %add3A_2325 : vector<16xi32>
    %gather3A_2327 = tpu.vector_load_idx %arg13[%broadcast_in_dim3A_2137, %add3A_2326, %shift_right_logical3A_2323] : memref<2x64x16xf32, #tpu.memory_space<vmem>>[vector<16xi32>, vector<16xi32>, vector<16xi32>], vector<16xf32>,
    %le3A_2328 = arith.cmpf ole, %sub3A_1569, %gather3A_2327 : vector<16xf32>
    %add3A_2329 = arith.constant 1 : i32
    %add3A_2330 = vector.broadcast %add3A_2329 : i32 to vector<16xi32>
    %add3A_2331 = arith.addi %shift_right_logical3A_2323, %add3A_2330 : vector<16xi32>
    %select_n3A_2332 = arith.select %le3A_2328, %select_n3A_2276, %add3A_2331 : vector<16xi1>, vector<16xi32>
    %select_n3A_2333 = arith.select %le3A_2328, %shift_right_logical3A_2323, %select_n3A_2277 : vector<16xi1>, vector<16xi32>
    %add3A_2334 = arith.addi %select_n3A_2290, %select_n3A_2291 : vector<16xi32>
    %shift_right_logical3A_2335 = arith.constant 1 : i32
    %shift_right_logical3A_2336 = vector.broadcast %shift_right_logical3A_2335 : i32 to vector<16xi32>
    %shift_right_logical3A_2337 = arith.shrui %add3A_2334, %shift_right_logical3A_2336 : vector<16xi32>
    %add3A_2338 = arith.constant 32 : i32
    %add3A_2339 = vector.broadcast %add3A_2338 : i32 to vector<16xi32>
    %add3A_2340 = arith.addi %iota3A, %add3A_2339 : vector<16xi32>
    %gather3A_2341 = tpu.vector_load_idx %arg13[%broadcast_in_dim3A_2137, %add3A_2340, %shift_right_logical3A_2337] : memref<2x64x16xf32, #tpu.memory_space<vmem>>[vector<16xi32>, vector<16xi32>, vector<16xi32>], vector<16xf32>,
    %le3A_2342 = arith.cmpf ole, %sub3A_1578, %gather3A_2341 : vector<16xf32>
    %add3A_2343 = arith.constant 1 : i32
    %add3A_2344 = vector.broadcast %add3A_2343 : i32 to vector<16xi32>
    %add3A_2345 = arith.addi %shift_right_logical3A_2337, %add3A_2344 : vector<16xi32>
    %select_n3A_2346 = arith.select %le3A_2342, %select_n3A_2290, %add3A_2345 : vector<16xi1>, vector<16xi32>
    %select_n3A_2347 = arith.select %le3A_2342, %shift_right_logical3A_2337, %select_n3A_2291 : vector<16xi1>, vector<16xi32>
    %add3A_2348 = arith.addi %select_n3A_2304, %select_n3A_2305 : vector<16xi32>
    %shift_right_logical3A_2349 = arith.constant 1 : i32
    %shift_right_logical3A_2350 = vector.broadcast %shift_right_logical3A_2349 : i32 to vector<16xi32>
    %shift_right_logical3A_2351 = arith.shrui %add3A_2348, %shift_right_logical3A_2350 : vector<16xi32>
    %add3A_2352 = arith.constant 48 : i32
    %add3A_2353 = vector.broadcast %add3A_2352 : i32 to vector<16xi32>
    %add3A_2354 = arith.addi %iota3A, %add3A_2353 : vector<16xi32>
    %gather3A_2355 = tpu.vector_load_idx %arg13[%broadcast_in_dim3A_2137, %add3A_2354, %shift_right_logical3A_2351] : memref<2x64x16xf32, #tpu.memory_space<vmem>>[vector<16xi32>, vector<16xi32>, vector<16xi32>], vector<16xf32>,
    %le3A_2356 = arith.cmpf ole, %sub3A_1587, %gather3A_2355 : vector<16xf32>
    %add3A_2357 = arith.constant 1 : i32
    %add3A_2358 = vector.broadcast %add3A_2357 : i32 to vector<16xi32>
    %add3A_2359 = arith.addi %shift_right_logical3A_2351, %add3A_2358 : vector<16xi32>
    %select_n3A_2360 = arith.select %le3A_2356, %select_n3A_2304, %add3A_2359 : vector<16xi1>, vector<16xi32>
    %select_n3A_2361 = arith.select %le3A_2356, %shift_right_logical3A_2351, %select_n3A_2305 : vector<16xi1>, vector<16xi32>
    %mul3A_2362 = arith.constant 16 : i32
    %mul3A_2363 = vector.broadcast %mul3A_2362 : i32 to vector<16xi32>
    %mul3A_2364 = arith.muli %add3A_1787, %mul3A_2363 : vector<16xi32>
    %add3A_2365 = arith.addi %mul3A_2364, %select_n3A_2318 : vector<16xi32>
    %min3A_2366 = arith.constant 100000 : i32
    %min3A_2367 = vector.broadcast %min3A_2366 : i32 to vector<16xi32>
    %min3A_2368 = arith.minsi %add3A_2365, %min3A_2367 : vector<16xi32>
    %swap3A_2369 = arith.constant 64 : index
    %swap3A_2370 = tpu.vector_load %arg14[%swap3A_2369] {strides = array<i32>} : memref<128xi32, #tpu.memory_space<vmem>>, vector<16xi32>,
    tpu.vector_store %arg14[%swap3A_2369], %min3A_2368 {strides = array<i32>} : memref<128xi32, #tpu.memory_space<vmem>>, vector<16xi32>,
    %mul3A_2371 = arith.constant 16 : i32
    %mul3A_2372 = vector.broadcast %mul3A_2371 : i32 to vector<16xi32>
    %mul3A_2373 = arith.muli %add3A_1792, %mul3A_2372 : vector<16xi32>
    %add3A_2374 = arith.addi %mul3A_2373, %select_n3A_2332 : vector<16xi32>
    %min3A_2375 = arith.constant 100000 : i32
    %min3A_2376 = vector.broadcast %min3A_2375 : i32 to vector<16xi32>
    %min3A_2377 = arith.minsi %add3A_2374, %min3A_2376 : vector<16xi32>
    %swap3A_2378 = arith.constant 80 : index
    %swap3A_2379 = tpu.vector_load %arg14[%swap3A_2378] {strides = array<i32>} : memref<128xi32, #tpu.memory_space<vmem>>, vector<16xi32>,
    tpu.vector_store %arg14[%swap3A_2378], %min3A_2377 {strides = array<i32>} : memref<128xi32, #tpu.memory_space<vmem>>, vector<16xi32>,
    %mul3A_2380 = arith.constant 16 : i32
    %mul3A_2381 = vector.broadcast %mul3A_2380 : i32 to vector<16xi32>
    %mul3A_2382 = arith.muli %add3A_1797, %mul3A_2381 : vector<16xi32>
    %add3A_2383 = arith.addi %mul3A_2382, %select_n3A_2346 : vector<16xi32>
    %min3A_2384 = arith.constant 100000 : i32
    %min3A_2385 = vector.broadcast %min3A_2384 : i32 to vector<16xi32>
    %min3A_2386 = arith.minsi %add3A_2383, %min3A_2385 : vector<16xi32>
    %swap3A_2387 = arith.constant 96 : index
    %swap3A_2388 = tpu.vector_load %arg14[%swap3A_2387] {strides = array<i32>} : memref<128xi32, #tpu.memory_space<vmem>>, vector<16xi32>,
    tpu.vector_store %arg14[%swap3A_2387], %min3A_2386 {strides = array<i32>} : memref<128xi32, #tpu.memory_space<vmem>>, vector<16xi32>,
    %mul3A_2389 = arith.constant 16 : i32
    %mul3A_2390 = vector.broadcast %mul3A_2389 : i32 to vector<16xi32>
    %mul3A_2391 = arith.muli %add3A_1802, %mul3A_2390 : vector<16xi32>
    %add3A_2392 = arith.addi %mul3A_2391, %select_n3A_2360 : vector<16xi32>
    %min3A_2393 = arith.constant 100000 : i32
    %min3A_2394 = vector.broadcast %min3A_2393 : i32 to vector<16xi32>
    %min3A_2395 = arith.minsi %add3A_2392, %min3A_2394 : vector<16xi32>
    %swap3A_2396 = arith.constant 112 : index
    %swap3A_2397 = tpu.vector_load %arg14[%swap3A_2396] {strides = array<i32>} : memref<128xi32, #tpu.memory_space<vmem>>, vector<16xi32>,
    tpu.vector_store %arg14[%swap3A_2396], %min3A_2395 {strides = array<i32>} : memref<128xi32, #tpu.memory_space<vmem>>, vector<16xi32>,
    %mul3A_2398 = arith.constant 128 : i32
    %mul3A_2399 = arith.muli %add3A, %mul3A_2398 : i32
    "tpu.region"() ({
      %run_scoped3A = tpu.sem_alloc : memref<!tpu.dma_semaphore, #tpu.memory_space<semaphore_mem>>
      %dma_start3A_2400 = tpu.memref_slice %arg6[%mul3A_2399] : memref<4096xi32, #tpu.memory_space<hbm>> -> memref<128xi32, #tpu.memory_space<hbm>>
      %dma_start3A_2401 = tpu.memref_slice %arg6[%mul3A_2399] : memref<4096xi32, #tpu.memory_space<hbm>> -> memref<128xi32, #tpu.memory_space<hbm>>
      tpu.enqueue_dma source(%arg14 : memref<128xi32, #tpu.memory_space<vmem>>) target(%dma_start3A_2401 : memref<128xi32, #tpu.memory_space<hbm>>) target_semaphore(%run_scoped3A : memref<!tpu.dma_semaphore, #tpu.memory_space<semaphore_mem>>)
      %dma_wait3A_2402 = tpu.memref_slice %arg6[%mul3A_2399] : memref<4096xi32, #tpu.memory_space<hbm>> -> memref<128xi32, #tpu.memory_space<hbm>>
      %dma_wait3A_2403 = tpu.memref_slice %arg6[%mul3A_2399] : memref<4096xi32, #tpu.memory_space<hbm>> -> memref<128xi32, #tpu.memory_space<hbm>>
      tpu.wait_dma2 semaphore(%run_scoped3A : memref<!tpu.dma_semaphore, #tpu.memory_space<semaphore_mem>>) src(%arg14 : memref<128xi32, #tpu.memory_space<vmem>>) dst(%dma_wait3A_2403 : memref<128xi32, #tpu.memory_space<hbm>>)
      tpu.yield
    }) : () -> ()
    return
  }
}

module attributes {stable_mosaic.version = 14 : i64} {
  func.func @_scan_body(%arg0: memref<512x208xf32, #tpu.memory_space<vmem>>, %arg1: memref<512x208xf32, #tpu.memory_space<vmem>>, %arg2: memref<512x13xf32, #tpu.memory_space<vmem>>, %arg3: memref<512xf32, #tpu.memory_space<vmem>>) attributes {dimension_semantics = [], scalar_prefetch = 0 : i64, scratch_operands = 0 : i64, tpu.core_type = #tpu.core_type<tc>} {
    %iota3A = tpu.iota {dimensions = array<i32: 0>} : vector<208x208xi32>
    %iota3A_0 = tpu.iota {dimensions = array<i32: 1>} : vector<208x208xi32>
    %le3A = arith.cmpi sle, %iota3A, %iota3A_0 : vector<208x208xi32>
    %jit3A = arith.constant 1.000000e+00 : f32
    %jit3A_1 = arith.constant 0.000000e+00 : f32
    %broadcast_in_dim3A = vector.broadcast %jit3A : f32 to vector<208x208xf32>
    %broadcast_in_dim3A_2 = vector.broadcast %jit3A_1 : f32 to vector<208x208xf32>
    %select_n3A = arith.select %le3A, %broadcast_in_dim3A, %broadcast_in_dim3A_2 : vector<208x208xi1>, vector<208x208xf32>
    %get3A = arith.constant 0 : index
    %get3A_3 = arith.constant 0 : index
    %get3A_4 = vector.load %arg0[%get3A, %get3A_3] : memref<512x208xf32, #tpu.memory_space<vmem>>, vector<512x208xf32>
    %dot_general3A = arith.constant dense<0.000000e+00> : vector<512x208xf32>
    %dot_general3A_5 = tpu.matmul %get3A_4, %select_n3A, %dot_general3A {dimension_numbers = #tpu.dot_dimension_numbers<[1], [0], [0], [1], [0, 0, 1, 1], [], []>, transpose_lhs_hint = false} : vector<512x208xf32>, vector<208x208xf32>, vector<512x208xf32> -> vector<512x208xf32>
    %swap3A = arith.constant 0 : index
    %swap3A_6 = arith.constant 0 : index
    %swap3A_7 = vector.load %arg1[%swap3A, %swap3A_6] : memref<512x208xf32, #tpu.memory_space<vmem>>, vector<512x208xf32>
    tpu.vector_store %arg1[%swap3A, %swap3A_6], %dot_general3A_5 {strides = array<i32>} : memref<512x208xf32, #tpu.memory_space<vmem>>, vector<512x208xf32>,
    %reshape3A = vector.shape_cast %dot_general3A_5 : vector<512x208xf32> to vector<512x13x16xf32>
    %slice3A = vector.extract_strided_slice %reshape3A {offsets = [0, 0, 15], sizes = [512, 13, 1], strides = [1, 1, 1]} : vector<512x13x16xf32> to vector<512x13x1xf32>
    %squeeze3A = vector.shape_cast %slice3A : vector<512x13x1xf32> to vector<512x13xf32>
    %swap3A_8 = arith.constant 0 : index
    %swap3A_9 = arith.constant 0 : index
    %swap3A_10 = vector.load %arg2[%swap3A_8, %swap3A_9] : memref<512x13xf32, #tpu.memory_space<vmem>>, vector<512x13xf32>
    tpu.vector_store %arg2[%swap3A_8, %swap3A_9], %squeeze3A {strides = array<i32>} : memref<512x13xf32, #tpu.memory_space<vmem>>, vector<512x13xf32>,
    %slice3A_11 = vector.extract_strided_slice %dot_general3A_5 {offsets = [0, 207], sizes = [512, 1], strides = [1, 1]} : vector<512x208xf32> to vector<512x1xf32>
    %squeeze3A_12 = vector.shape_cast %slice3A_11 : vector<512x1xf32> to vector<512xf32>
    %swap3A_13 = arith.constant 0 : index
    %swap3A_14 = vector.load %arg3[%swap3A_13] : memref<512xf32, #tpu.memory_space<vmem>>, vector<512xf32>
    tpu.vector_store %arg3[%swap3A_13], %squeeze3A_12 {strides = array<i32>} : memref<512xf32, #tpu.memory_space<vmem>>, vector<512xf32>,
    return
  }
}

</mosaic_0001>

<sc_bundles>
// kernel: kernel.4.cloned.1.call-start
scs
__scs_entry_jumppad:
0x0: {  	(pc) =	sbr.rel $0x88, $3  }
0x1: {  	(tag) =	ssettag $0x0;
	lr =	simm.s32 $0x1  }
0x2: {  	[smem:$0x3FA0] =	sst lr;
	_ =	strace $0xD0000000  }
0x3: {  	_ = 	snop  }
0x4: {  	_ = 	snop  }
0x5: {  	_ = 	snop  }
0x6: {  	_ = 	snop  }
0x7: {  	_ = 	snop  }
__scs_overlays_trampoline_lowered:
0x8: {  	[smem:$0x3FAF] =	sst s0  }
0x9: {  	[smem:$0x3FB0] =	sst s1  }
0xa: {  	[smem:$0x3FB1] =	sst s2  }
0xb: {  	[smem:$0x3FB2] =	sst s3  }
0xc: {  	[smem:$0x3FB3] =	sst s4  }
0xd: {  	[smem:$0x3FB4] =	sst s5  }
0xe: {  	[smem:$0x3FB5] =	sst s6  }
0xf: {  	[smem:$0x3FB6] =	sst s7  }
0x10: {  	[smem:$0x3FB7] =	sst s8  }
0x11: {  	[smem:$0x3FB8] =	sst s9;
	s0 =	simm.s32 @!p0 $0x0  }
0x12: {  	s1 =	sld [smem:$0x3F9E];
	s0 =	simm.s32 @p0 $0x1  }
0x13: {  	[smem:$0x3FB9] =	sst s0;
	s0 =	simm.s32 @!p1 $0x0  }
0x14: {  	s2 =	sld [smem:$0x3F9D];
	s0 =	simm.s32 @p1 $0x1  }
0x15: {  	[smem:$0x3FBA] =	sst s0;
	s0 =	simm.s32 @!p2 $0x0  }
0x16: {  	s3 =	sld [smem:$0x3FDB];
	s0 =	simm.s32 @p2 $0x1  }
0x17: {  	s4 =	simm.s32 $0x1BF5;
	[smem:$0x3FBC] =	sst s0  }
0x18: {  	s0 =	sld [smem:$0x3F9F];
	_ =	swait.ge [sflag:s4], $0x0  }
0x19: {  	s7 =	sld [smem:$0x3FA0]  }
0x1a: {  	s8 =	sadd.s32 $0xFFFFE003, lr  }
0x1b: {  	s9 =	sadd.s32 $0xFFFFFEF7, lr;
	s5 =	simm.s32 $0xFFFFFFFF;
	p2 =	slt.u32 s8, $0xFFFFF086  }
0x1c: {  	p1 =	slt.u32 s9, $0xF7A;
	s5 =	simm.s32 @!p2 $0x0  }
0x1d: {  	s5 =	simm.s32 @p1 $0x1;
	p0 =	seq.s32 s7, s2  }
0x1e: {  	s7 =	smul.u32 @!p0 $0xF7A, s2;
	p2 =	seq.s32 @!p0 s5, $0x0  }
0x1f: {  	s9 =	smul.u32 $0xF7A, s1;
	s8 =	simm.s32 @!p0 $0x1BF5;
	p2 =	por !p2, p0  }
0x20: {  	[sflag:s8] =	ssyncset.s32 @!p0 $0xFFFFF086;
	s6 =	sadd.s32 @!p0 s3, s7;
	s7 =	simm.s32 @!p0 $0x108  }
0x21: {  	s3 =	sadd.s32 s3, s9;
	s6 =	sadd.s32 @!p0 $0x88, s6;
	s7 =	simm.s32 @p2 $0x1082  }
0x22: {  	[simem:s7], [sflag:s8] =	dma.local @!p0 [hbm:s6], $0xF7A  }
0x23: {  	s9 =	sor.u32 $0xD0000000, s2;
	s6 =	simm.s32 $0x108;
	_ =	swait.ge @!p0 [sflag:s8], $0x0  }
0x24: {  	s3 =	sadd.s32 $0x88, s3;
	s6 =	simm.s32 @!p1 $0x1082;
	[sflag:s4] =	ssyncset.s32 $0xFFFFF086  }
0x25: {  	[simem:s6], [sflag:s4] =	dma.local [hbm:s3], $0xF7A  }
0x26: {  	[smem:$0x3FA0] =	sst s1;
	(tag) =	ssettag s2;
	_ =	strace s9  }
0x27: {  	s1 =	sld [smem:$0x3FB0]  }
0x28: {  	s2 =	sld [smem:$0x3FB1]  }
0x29: {  	s4 =	sld [smem:$0x3FB3]  }
0x2a: {  	p0 =	seq.s32 s5, $0x0;
	s5 =	sld [smem:$0x3FB4]  }
0x2b: {  	s6 =	sld [smem:$0x3FB5]  }
0x2c: {  	s7 =	sld [smem:$0x3FB6]  }
0x2d: {  	s3 =	simm.s32 $0x108;
	s8 =	sld [smem:$0x3FB7]  }
0x2e: {  	s3 =	simm.s32 @!p0 $0x1082;
	s9 =	sld [smem:$0x3FB8]  }
0x2f: {  	lr =	sadd.s32 s0, s3;
	s0 =	sld [smem:$0x3FAF]  }
0x30: {  	s3 =	sld [smem:$0x3FB2]  }
0x31: {  	[smem:$0x3FBB] =	sst s10  }
0x32: {  	s10 =	sld [smem:$0x3FB9];
	_ =	sdelay $0x3  }
0x33: {  	p0 =	seq.s32 s10, $0x1;
	s10 =	sld [smem:$0x3FBB];
	_ =	sdelay $0x3  }
0x34: {  	[smem:$0x3FBB] =	sst s10  }
0x35: {  	s10 =	sld [smem:$0x3FBA];
	_ =	sdelay $0x3  }
0x36: {  	p1 =	seq.s32 s10, $0x1;
	s10 =	sld [smem:$0x3FBB];
	_ =	sdelay $0x3  }
0x37: {  	[smem:$0x3FBB] =	sst s10  }
0x38: {  	s10 =	sld [smem:$0x3FBC]  }
0x39: {  	_ = 	snop;
	(pc) =	sbr.ind lr, $3  }
0x3a: {  	_ = 	snop  }
0x3b: {  	_ = 	snop  }
0x3c: {  	p2 =	seq.s32 s10, $0x1;
	s10 =	sld [smem:$0x3FBB]  }
0x3d: {  	_ =	shalt  }
0x3e: {  	_ =	shalt  }
0x3f: {  	_ =	shalt  }
0x40: {  	_ =	shalt  }
0x41: {  	_ =	shalt  }
0x42: {  	_ =	shalt  }
0x43: {  	_ =	shalt  }
0x44: {  	_ =	shalt  }
0x45: {  	_ =	shalt  }
0x46: {  	_ =	shalt  }
0x47: {  	_ =	shalt  }
0x48: {  	_ =	shalt  }
0x49: {  	_ =	shalt  }
0x4a: {  	_ =	shalt  }
0x4b: {  	_ =	shalt  }
0x4c: {  	_ =	shalt  }
0x4d: {  	_ =	shalt  }
0x4e: {  	_ =	shalt  }
0x4f: {  	_ =	shalt  }
0x50: {  	_ =	shalt  }
0x51: {  	_ =	shalt  }
0x52: {  	_ =	shalt  }
0x53: {  	_ =	shalt  }
0x54: {  	_ =	shalt  }
0x55: {  	_ =	shalt  }
0x56: {  	_ =	shalt  }
0x57: {  	_ =	shalt  }
0x58: {  	_ =	shalt  }
0x59: {  	_ =	shalt  }
0x5a: {  	_ =	shalt  }
0x5b: {  	_ =	shalt  }
0x5c: {  	_ =	shalt  }
0x5d: {  	_ =	shalt  }
0x5e: {  	_ =	shalt  }
0x5f: {  	_ =	shalt  }
0x60: {  	_ =	shalt  }
0x61: {  	_ =	shalt  }
0x62: {  	_ =	shalt  }
0x63: {  	_ =	shalt  }
0x64: {  	_ =	shalt  }
0x65: {  	_ =	shalt  }
0x66: {  	_ =	shalt  }
0x67: {  	_ =	shalt  }
0x68: {  	_ =	shalt  }
0x69: {  	_ =	shalt  }
0x6a: {  	_ =	shalt  }
0x6b: {  	_ =	shalt  }
0x6c: {  	_ =	shalt  }
0x6d: {  	_ =	shalt  }
0x6e: {  	_ =	shalt  }
0x6f: {  	_ =	shalt  }
0x70: {  	_ =	shalt  }
0x71: {  	_ =	shalt  }
0x72: {  	_ =	shalt  }
0x73: {  	_ =	shalt  }
0x74: {  	_ =	shalt  }
0x75: {  	_ =	shalt  }
0x76: {  	_ =	shalt  }
0x77: {  	_ =	shalt  }
0x78: {  	_ =	shalt  }
0x79: {  	_ =	shalt  }
0x7a: {  	_ =	shalt  }
0x7b: {  	_ =	shalt  }
0x7c: {  	_ =	shalt  }
0x7d: {  	_ =	shalt  }
0x7e: {  	_ =	shalt  }
0x7f: {  	_ =	shalt  }
0x80: {  	_ =	shalt  }
0x81: {  	_ =	shalt  }
0x82: {  	_ =	shalt  }
0x83: {  	_ =	shalt  }
0x84: {  	_ =	shalt  }
0x85: {  	_ =	shalt  }
0x86: {  	_ =	shalt  }
0x87: {  	_ =	shalt  }
.Lfunc_end0:
.L_simem_size_0:
called_computation_lowered:
.L_overlay_start_0:
0x88: {  	s2 =	sld [smem:$0x3FD9]  }
0x89: {  	s3 =	sld [smem:$0x3FFE];
	_ =	sdelay $0x1  }
0x8a: {  	s1 =	srdreg.scid  }
0x8b: {  	s0 =	sand.u32 $0x1, s1  }
0x8c: {  	s17 =	sshll.u32 s0, $0xA;
	s2 =	sadd.s32 s3, s2  }
0x8d: {  	s2 =	sadd.s32 s2, s17  }
0x8e: {  	[smem:$0x3FC7] =	sst s2  }
0x8f: {  	_ = 	snop  }
0x90: {  	s2 =	sld [smem:$0x3FD0];
	(tm) =	ssettm $0x1  }
0x91: {  	s18 =	sld [smem:$0x3FFB];
	_ =	sdelay $0x3  }
0x92: {  	_ =	strace s18  }
0x93: {  	s3 =	sld [smem:$0x3FFC];
	_ =	sdelay $0x3  }
0x94: {  	_ =	strace s3  }
0x95: {  	s3 =	sld [smem:$0x3FFD];
	_ =	sdelay $0x3  }
0x96: {  	_ =	strace s3  }
0x97: {  	_ =	strace $0x8FFFFFFF  }
0x98: {  	s19 =	sld [smem:$0x3FDB];
	_ =	sdelay $0x1  }
0x99: {  	s4 =	simm.s32 $_scs_section_size  }
0x9a: {  	s5 =	simm.s32 $_size__tile_overlayer_lowered;
	s6 =	simm.s32 $_tile_overlayer_lowered  }
0x9b: {  	s22 =	simm.s32 $0x1BFF;
	s21 =	sshll.u32 s6, $0x1;
	s3 =	sadd.s32 s4, s19  }
0x9c: {  	s7 =	simm.s32 $0x0;
	s20 =	sshll.u32 s5, $0x1;
	s5 =	sadd.s32 s21, s3  }
0x9d: {  	[timem:s7], [sflag:s22] =	dma.local [hbm:s5], s20  }
0x9e: {  	_ =	swait.ge [sflag:s22], s20  }
0x9f: {  	s4 =	ssub.s32 $0x0, s20;
	[sflag:s22] =	ssyncset.done $0x0  }
0xa0: {  	[sflag:s22] =	ssyncadd.s32 s4;
	_ =	sdelay $0x1  }
0xa1: {  	s23 =	simm.s32 $0x1B8B  }
0xa2: {  	_ =	swait.ge [sflag:s23], $0x1  }
0xa3: {  	[sflag:s23] =	ssyncset.done $0x0  }
0xa4: {  	s25 =	simm.s32 $0x1B8E;
	s24 =	sld [smem:$0x3FFE];
	[sflag:s23] =	ssyncadd.s32 $0xFFFFFFFF  }
0xa5: {  	s26 =	simm.s32 $execute0_lowered;
	[smem:$0x3FD2] =	sst s25  }
0xa6: {  	s5 =	sshll.u32 s26, $0x1;
	_ =	strace $0x80000046;
	[dreg:$0x1] =	wrdreg $0xFFFFFFFF  }
0xa7: {  	s28 =	simm.s32 $_size_execute0_lowered;
	s3 =	sadd.s32 s3, s5;
	[dreg:$0x0] =	wrdreg $0x0  }
0xa8: {  	s5 =	sshll.u32 s28, $0x1;
	[dreg:$0x2] =	wrdreg s3  }
0xa9: {  	[dreg:$0x3] =	wrdreg s5  }
0xaa: {  	[dreg:$0x4] =	wrdreg $0xC0  }
0xab: {  	_ =	task [dreg:s7], $0x5FFFF  }
0xac: {  	[dreg:$0x1] =	wrdreg $0xFFFFFFFF  }
0xad: {  	[dreg:$0x0] =	wrdreg $0x60  }
0xae: {  	[dreg:$0x2] =	wrdreg s24  }
0xaf: {  	[dreg:$0x3] =	wrdreg s2  }
0xb0: {  	[dreg:$0x4] =	wrdreg $0x9  }
0xb1: {  	_ =	task.clear_ibuf [dreg:s7], $0x5FFFF;
	_ =	strace $0x90000046  }
0xb2: {  	s29 =	simm.s32 $0x9;
	_ =	strace $0x80000048  }
0xb3: {  	_ =	swait.ge [sflag:s29], $0x1  }
0xb4: {  	[sflag:s29] =	ssyncadd.s32 $0xFFFFFFFF  }
0xb5: {  	_ =	strace $0x90000048  }
0xb6: {  	_ =	sfence  }
0xb7: {  	s30 =	sld [smem:$0x0];
	_ =	sdelay $0x2  }
0xb8: {  	s31 =	sshll.u32 s1, $0xD;
	s1 =	sshrl.u32 s1, $0x2  }
0xb9: {  	s3 =	sand.u32 $0x4000, s31;
	s1 =	sadd.s32 s1, s30  }
0xba: {  	s0 =	sor.u32 s3, s0;
	s1 =	sshll.u32 s1, $0x11  }
0xbb: {  	s0 =	sor.u32 s1, s0  }
0xbc: {  	s0 =	sadd.s32 $0x8F2B, s0  }
0xbd: {  	[sflag:s0] =	ssyncadd.remote.s32 $0x1  }
0xbe: {  	_ =	sfence.sel $0xFFFF  }
0xbf: {  	[dreg:$0x0] =	wrdreg $0xFFFFFFFF;
	(pc) =	sbr.abs _section_cstart, $3  }
0xc0: {  	[dreg:$0x1] =	wrdreg $0xFFFFFFFF  }
0xc1: {  	_ =	task.clear_ibuf [dreg:s7], $0x2FFFF;
	_ =	strace $0x9FFFFFFF  }
0xc2: {  	(tm) =	ssettm $0x7FFFFFFF  }
0xc3: {  	_ =	shalt  }
tec
execute0_lowered:
.L_overlay_start_1:
0x0: {  	(tag) =	ssettag $0x1  }
0x1: {  	s6 =	rddreg [dreg:$0x0]  }
0x2: {  	s7 =	rddreg [dreg:$0x1];
	v3 =	vlaneseq.u32  }
0x3: {  	s0 =	rddreg [dreg:$0x2];
	s1 =	simm.s32 $0x0;
	v1 =	vimm.s32 $0x100;
	v2 =	vimm.s32 $0x1FF;
	s5 =	srdreg.scid;
	v4 =	vimm.s32 $0x17F  }
0x4: {  	v5 =	vimm.s32 $0x7;
	v6 =	vimm.s32 $0xC;
	s3 =	stileid.u32;
	s12 =	simm.s32 $0x200;
	s13 =	simm.s32 $0x400;
	v3 =	vmul.u32 $0x10, v3  }
0x5: {  	v7 =	vimm.s32 $0x9;
	v9 =	vimm.s32 $0x8;
	v10 =	vimm.s32 $0xF;
	s15 =	simm.s32 $0x2080;
	s16 =	simm.s32 $0x2100;
	s17 =	simm.s32 $0x20C0  }
0x6: {  	v14 =	vimm.s32 $0xB;
	s18 =	simm.s32 $0x2500;
	s20 =	simm.s32 $0x2900;
	[smem:$0x7FF] =	sst s1;
	v0 =	vor.u32 $0x7, v3;
	v18 =	vor.u32 $0x303, v3  }
0x7: {  	s14 =	simm.s32 $0x40;
	s19 =	simm.s32 $0x2;
	_ =	strace $0x80000047;
	v19 =	vor.u32 $0x100, v3;
	v20 =	vor.u32 $0x200, v3;
	[tilespmem:$0x1FF90] =	vst v0;
	v0 =	vor.u32 $0x107, v3  }
0x8: {  	s21 =	simm.s32 $0x3;
	s2 =	sadd.s32 $0xA00, s6;
	s5 =	sand.u32 $0x1, s5;
	v21 =	vor.u32 $0x300, v3;
	v22 =	vor.u32 $0x407, v3;
	[tilespmem:$0x1FFA0] =	vst v0;
	v0 =	vor.u32 $0x207, v3  }
0x9: {  	s8 =	sshll.u32 s3, $0x5;
	s9 =	sshll.u32 s5, $0x4;
	s10 =	ssub.s32 $0x2, s5;
	v23 =	vor.u32 $0x507, v3;
	v24 =	vor.u32 $0x607, v3;
	[tilespmem:$0x1FFB0] =	vst v0;
	v0 =	vor.u32 $0x307, v3  }
0xa: {  	s4 =	sadd.s32 $0x3E00, s6;
	s8 =	sor.u32 s9, s8;
	s31 =	sshrl.u32 s10, $0x1;
	v25 =	vor.u32 $0x707, v3;
	v26 =	vor.u32 $0x403, v3;
	[tilespmem:$0x1FFC0] =	vst v0;
	v0 =	vor.u32 $0x3, v3  }
0xb: {  	s5 =	sadd.s32 $0x800, s6;
	v27 =	vor.u32 $0x503, v3;
	v28 =	vor.u32 $0x603, v3;
	s11 =	sadd.s32 s8, s6;
	s9 =	ssub.s32 s10, s31;
	[tilespmem:$0x1FFD0] =	vst v0;
	v0 =	vor.u32 $0x103, v3  }
0xc: {  	v29 =	vor.u32 $0x703, v3;
	v30 =	vor.u32 $0x400, v3;
	s6 =	sadd.s32 s7, s8;
	s10 =	simm.s32 $0x2000;
	s7 =	sadd.s32 $0x4200, s11;
	[tilespmem:$0x1FFE0] =	vst v0;
	v0 =	vor.u32 $0x203, v3  }
0xd: {  	v31 =	vor.u32 $0x500, v3;
	v32 =	vor.u32 $0x600, v3;
	v33 =	vor.u32 $0x700, v3;
	s8 =	smax.u32 s9, $0x1;
	s9 =	simm.s32 $0x600;
	s11 =	simm.s32 $0x1;
	[tilespmem:$0x1FFF0] =	vst v0  }
.LBB2_1:
0xe: {  	[tilespmem:s1], [sflag:$0x1] =	stream.linear.gather [hbm4b:s5+s1], $0x200, $0x38;
	[tilespmem:$0x2980] =	vst v63  }
0xf: {  	_ = 	snop  }
0x10: {  	[tilespmem:s9], [sflag:$0x1] =	stream.linear.gather [hbm4b:s4+s1], $0x1A00, $0x38;
	[tilespmem:$0x2980] =	vst v63  }
0x11: {  	_ = 	snop  }
0x12: {  	[tilespmem:s10], [sflag:$0x1] =	stream.linear.gather [hbm4b:s6+s1], $0x80, $0x38;
	[tilespmem:$0x2980] =	vst v63  }
0x13: {  	_ =	swait.ge [sflag:s11], $0x200  }
0x14: {  	[sflag:s11] =	ssyncset.done $0x0  }
0x15: {  	[sflag:s11] =	ssyncadd.s32 $0xFFFFFE00  }
0x16: {  	_ =	swait.ge [sflag:s11], $0x1A00  }
0x17: {  	[sflag:s11] =	ssyncset.done $0x0  }
0x18: {  	[sflag:s11] =	ssyncadd.s32 $0xFFFFE600  }
0x19: {  	_ =	swait.ge [sflag:s11], $0x80  }
0x1a: {  	[sflag:s11] =	ssyncset.done $0x0  }
0x1b: {  	[sflag:s11] =	ssyncadd.s32 $0xFFFFFF80  }
0x1c: {  	v34 =	vld [tilespmem:$0x0];
	_ =	sdelay $0x3  }
0x1d: {  	v35 =	vld [tilespmem:$0x10]  }
0x1e: {  	(xrf2) =	vadd.scan.msk.f32 $0xffff, v34;
	_ =	sdelay $0x2  }
0x1f: {  	v36 =	vld [tilespmem:$0x20]  }
0x20: {  	(xrf2) =	vadd.scan.msk.f32 $0xffff, v35;
	_ =	sdelay $0x2  }
0x21: {  	v37 =	vld [tilespmem:$0x30]  }
0x22: {  	(xrf2) =	vadd.scan.msk.f32 $0xffff, v36;
	_ =	sdelay $0x1  }
0x23: {  	v38, _, _ =	vpop (xrf2)  }
0x24: {  	v39 =	vld [tilespmem:$0x40];
	v38 =	vadd.f32 $0.0e+00, v38  }
0x25: {  	(xrf2) =	vadd.scan.msk.f32 $0xffff, v37  }
0x26: {  	v40 =	vbroadcast v38, $0xF  }
0x27: {  	v41, _, _ =	vpop (xrf2)  }
0x28: {  	v40 =	vadd.f32 v41, v40;
	v41 =	vld [tilespmem:$0x50]  }
0x29: {  	(xrf2) =	vadd.scan.msk.f32 $0xffff, v39  }
0x2a: {  	v42 =	vbroadcast v40, $0xF  }
0x2b: {  	v43, _, _ =	vpop (xrf2)  }
0x2c: {  	v42 =	vadd.f32 v43, v42;
	v43 =	vld [tilespmem:$0x60]  }
0x2d: {  	(xrf2) =	vadd.scan.msk.f32 $0xffff, v41  }
0x2e: {  	v44 =	vbroadcast v42, $0xF  }
0x2f: {  	v45, _, _ =	vpop (xrf2)  }
0x30: {  	v44 =	vadd.f32 v45, v44;
	v45 =	vld [tilespmem:$0x70]  }
0x31: {  	(xrf2) =	vadd.scan.msk.f32 $0xffff, v43  }
0x32: {  	v46 =	vbroadcast v44, $0xF  }
0x33: {  	v47, _, _ =	vpop (xrf2)  }
0x34: {  	v46 =	vadd.f32 v47, v46;
	v47 =	vld [tilespmem:$0x80]  }
0x35: {  	(xrf2) =	vadd.scan.msk.f32 $0xffff, v45  }
0x36: {  	v48 =	vbroadcast v46, $0xF  }
0x37: {  	v49, _, _ =	vpop (xrf2)  }
0x38: {  	v48 =	vadd.f32 v49, v48;
	v49 =	vld [tilespmem:$0x90]  }
0x39: {  	(xrf2) =	vadd.scan.msk.f32 $0xffff, v47  }
0x3a: {  	v50 =	vbroadcast v48, $0xF  }
0x3b: {  	v51, _, _ =	vpop (xrf2)  }
0x3c: {  	v50 =	vadd.f32 v51, v50;
	v51 =	vld [tilespmem:$0xA0]  }
0x3d: {  	(xrf2) =	vadd.scan.msk.f32 $0xffff, v49  }
0x3e: {  	v52 =	vbroadcast v50, $0xF  }
0x3f: {  	v53, _, _ =	vpop (xrf2)  }
0x40: {  	v52 =	vadd.f32 v53, v52;
	v53 =	vld [tilespmem:$0xB0]  }
0x41: {  	(xrf2) =	vadd.scan.msk.f32 $0xffff, v51  }
0x42: {  	v54 =	vbroadcast v52, $0xF  }
0x43: {  	v55, _, _ =	vpop (xrf2)  }
0x44: {  	v54 =	vadd.f32 v55, v54;
	v55 =	vld [tilespmem:$0xC0]  }
0x45: {  	(xrf2) =	vadd.scan.msk.f32 $0xffff, v53  }
0x46: {  	v56 =	vbroadcast v54, $0xF  }
0x47: {  	v57, _, _ =	vpop (xrf2)  }
0x48: {  	v56 =	vadd.f32 v57, v56;
	v57 =	vld [tilespmem:$0xD0]  }
0x49: {  	(xrf2) =	vadd.scan.msk.f32 $0xffff, v55  }
0x4a: {  	v58 =	vbroadcast v56, $0xF  }
0x4b: {  	v59, _, _ =	vpop (xrf2)  }
0x4c: {  	v58 =	vadd.f32 v59, v58;
	v59 =	vld [tilespmem:$0xE0]  }
0x4d: {  	(xrf2) =	vadd.scan.msk.f32 $0xffff, v57  }
0x4e: {  	v60 =	vbroadcast v58, $0xF  }
0x4f: {  	v61, _, _ =	vpop (xrf2)  }
0x50: {  	v60 =	vadd.f32 v61, v60;
	v61 =	vld [tilespmem:$0xF0]  }
0x51: {  	(xrf2) =	vadd.scan.msk.f32 $0xffff, v59  }
0x52: {  	v62 =	vbroadcast v60, $0xF  }
0x53: {  	v63, _, _ =	vpop (xrf2)  }
0x54: {  	v62 =	vadd.f32 v63, v62;
	v63 =	vld [tilespmem:$0x100]  }
0x55: {  	(xrf2) =	vadd.scan.msk.f32 $0xffff, v61  }
0x56: {  	v0 =	vbroadcast v62, $0xF  }
0x57: {  	v8, _, _ =	vpop (xrf2)  }
0x58: {  	v0 =	vadd.f32 v8, v0;
	v8 =	vld [tilespmem:$0x110]  }
0x59: {  	(xrf2) =	vadd.scan.msk.f32 $0xffff, v63  }
0x5a: {  	v11 =	vbroadcast v0, $0xF  }
0x5b: {  	v12, _, _ =	vpop (xrf2)  }
0x5c: {  	v11 =	vadd.f32 v12, v11;
	v12 =	vld [tilespmem:$0x120]  }
0x5d: {  	(xrf2) =	vadd.scan.msk.f32 $0xffff, v8  }
0x5e: {  	v13 =	vbroadcast v11, $0xF  }
0x5f: {  	v15, _, _ =	vpop (xrf2)  }
0x60: {  	v13 =	vadd.f32 v15, v13;
	v15 =	vld [tilespmem:$0x130]  }
0x61: {  	(xrf2) =	vadd.scan.msk.f32 $0xffff, v12  }
0x62: {  	v16 =	vbroadcast v13, $0xF  }
0x63: {  	v17, _, _ =	vpop (xrf2)  }
0x64: {  	v34 =	vsub.f32 v38, v34;
	v16 =	vadd.f32 v17, v16;
	v17 =	vld [tilespmem:$0x140]  }
0x65: {  	[tilespmem:$0x200] =	vst v38;
	(xrf2) =	vadd.scan.msk.f32 $0xffff, v15  }
0x66: {  	[tilespmem:$0x400] =	vst v34;
	v34 =	vsub.f32 v40, v35;
	v35 =	vbroadcast v16, $0xF  }
0x67: {  	[tilespmem:$0x210] =	vst v40;
	v40 =	vsub.f32 v42, v36;
	v38, _, _ =	vpop (xrf2)  }
0x68: {  	[tilespmem:$0x410] =	vst v34;
	v36 =	vld [tilespmem:$0x150];
	v35 =	vadd.f32 v38, v35  }
0x69: {  	[tilespmem:$0x220] =	vst v42;
	(xrf2) =	vadd.scan.msk.f32 $0xffff, v17  }
0x6a: {  	[tilespmem:$0x420] =	vst v40;
	v42 =	vsub.f32 v44, v37;
	v37 =	vbroadcast v35, $0xF  }
0x6b: {  	[tilespmem:$0x230] =	vst v44;
	v40, _, _ =	vpop (xrf2)  }
0x6c: {  	[tilespmem:$0x430] =	vst v42;
	v42 =	vsub.f32 v46, v39;
	v38 =	vld [tilespmem:$0x160];
	v37 =	vadd.f32 v40, v37  }
0x6d: {  	[tilespmem:$0x240] =	vst v46;
	(xrf2) =	vadd.scan.msk.f32 $0xffff, v36  }
0x6e: {  	[tilespmem:$0x440] =	vst v42;
	v34 =	vsub.f32 v48, v41;
	v44 =	vbroadcast v37, $0xF  }
0x6f: {  	[tilespmem:$0x250] =	vst v48;
	v46, _, _ =	vpop (xrf2)  }
0x70: {  	[tilespmem:$0x450] =	vst v34;
	v48 =	vsub.f32 v50, v43;
	v40 =	vld [tilespmem:$0x170];
	v39 =	vadd.f32 v46, v44  }
0x71: {  	[tilespmem:$0x260] =	vst v50;
	(xrf2) =	vadd.scan.msk.f32 $0xffff, v38  }
0x72: {  	[tilespmem:$0x460] =	vst v48;
	v50 =	vsub.f32 v52, v45;
	v45 =	vbroadcast v39, $0xF  }
0x73: {  	[tilespmem:$0x270] =	vst v52;
	v46, _, _ =	vpop (xrf2)  }
0x74: {  	v42 =	vld [tilespmem:$0x180];
	[tilespmem:$0x470] =	vst v50;
	v47 =	vsub.f32 v54, v47;
	v41 =	vadd.f32 v46, v45  }
0x75: {  	[tilespmem:$0x280] =	vst v54;
	(xrf2) =	vadd.scan.msk.f32 $0xffff, v40  }
0x76: {  	[tilespmem:$0x480] =	vst v47;
	v48 =	vsub.f32 v56, v49;
	v49 =	vbroadcast v41, $0xF  }
0x77: {  	[tilespmem:$0x290] =	vst v56;
	v50, _, _ =	vpop (xrf2)  }
0x78: {  	[tilespmem:$0x490] =	vst v48;
	v51 =	vsub.f32 v58, v51;
	v44 =	vld [tilespmem:$0x190];
	v43 =	vadd.f32 v50, v49  }
0x79: {  	[tilespmem:$0x2A0] =	vst v58;
	(xrf2) =	vadd.scan.msk.f32 $0xffff, v42  }
0x7a: {  	[tilespmem:$0x4A0] =	vst v51;
	v52 =	vsub.f32 v60, v53;
	v53 =	vbroadcast v43, $0xF  }
0x7b: {  	[tilespmem:$0x2B0] =	vst v60;
	v54, _, _ =	vpop (xrf2)  }
0x7c: {  	v56 =	vld [tilespmem:$0x1A0];
	[tilespmem:$0x4B0] =	vst v52;
	v55 =	vsub.f32 v62, v55;
	v45 =	vadd.f32 v54, v53  }
0x7d: {  	[tilespmem:$0x2C0] =	vst v62;
	(xrf2) =	vadd.scan.msk.f32 $0xffff, v44  }
0x7e: {  	[tilespmem:$0x4C0] =	vst v55;
	v58 =	vsub.f32 v0, v57;
	v60 =	vbroadcast v45, $0xF  }
0x7f: {  	[tilespmem:$0x2D0] =	vst v0;
	v0, _, _ =	vpop (xrf2)  }
0x80: {  	v48 =	vld [tilespmem:$0x1B0];
	[tilespmem:$0x4D0] =	vst v58;
	v62 =	vsub.f32 v11, v59;
	v0 =	vadd.f32 v0, v60  }
0x81: {  	[tilespmem:$0x2E0] =	vst v11;
	(xrf2) =	vadd.scan.msk.f32 $0xffff, v56  }
0x82: {  	[tilespmem:$0x4E0] =	vst v62;
	v11 =	vsub.f32 v13, v61;
	v49 =	vbroadcast v0, $0xF  }
0x83: {  	[tilespmem:$0x2F0] =	vst v13;
	v13, _, _ =	vpop (xrf2)  }
0x84: {  	[tilespmem:$0x4F0] =	vst v11;
	v11 =	vsub.f32 v16, v63;
	v50 =	vld [tilespmem:$0x1C0];
	v13 =	vadd.f32 v13, v49  }
0x85: {  	[tilespmem:$0x300] =	vst v16;
	(xrf2) =	vadd.scan.msk.f32 $0xffff, v48  }
0x86: {  	[tilespmem:$0x500] =	vst v11;
	v8 =	vsub.f32 v35, v8;
	v11 =	vbroadcast v13, $0xF  }
0x87: {  	[tilespmem:$0x310] =	vst v35;
	v16, _, _ =	vpop (xrf2)  }
0x88: {  	[tilespmem:$0x510] =	vst v8;
	v8 =	vsub.f32 v37, v12;
	v12 =	vld [tilespmem:$0x1D0];
	v11 =	vadd.f32 v16, v11  }
0x89: {  	[tilespmem:$0x320] =	vst v37;
	(xrf2) =	vadd.scan.msk.f32 $0xffff, v50  }
0x8a: {  	[tilespmem:$0x520] =	vst v8;
	v8 =	vsub.f32 v39, v15;
	v15 =	vbroadcast v11, $0xF  }
0x8b: {  	[tilespmem:$0x330] =	vst v39;
	v16, _, _ =	vpop (xrf2)  }
0x8c: {  	[tilespmem:$0x530] =	vst v8;
	v8 =	vsub.f32 v41, v17;
	v15 =	vadd.f32 v16, v15;
	v16 =	vld [tilespmem:$0x1E0]  }
0x8d: {  	[tilespmem:$0x340] =	vst v41;
	(xrf2) =	vadd.scan.msk.f32 $0xffff, v12  }
0x8e: {  	[tilespmem:$0x540] =	vst v8;
	v8 =	vsub.f32 v43, v36;
	v17 =	vbroadcast v15, $0xF  }
0x8f: {  	[tilespmem:$0x350] =	vst v43;
	v51, _, _ =	vpop (xrf2)  }
0x90: {  	v52 =	vld [tilespmem:$0x1F0];
	[tilespmem:$0x550] =	vst v8;
	v8 =	vsub.f32 v45, v38;
	v17 =	vadd.f32 v51, v17  }
0x91: {  	[tilespmem:$0x360] =	vst v45;
	(xrf2) =	vadd.scan.msk.f32 $0xffff, v16  }
0x92: {  	[tilespmem:$0x560] =	vst v8;
	v8 =	vsub.f32 v0, v40;
	v53 =	vbroadcast v17, $0xF  }
0x93: {  	[tilespmem:$0x370] =	vst v0;
	v0, _, _ =	vpop (xrf2)  }
0x94: {  	[tilespmem:$0x570] =	vst v8;
	v8 =	vsub.f32 v13, v42;
	v0 =	vadd.f32 v0, v53  }
0x95: {  	[tilespmem:$0x380] =	vst v13;
	(xrf2) =	vadd.scan.msk.f32 $0xffff, v52  }
0x96: {  	[tilespmem:$0x580] =	vst v8;
	v8 =	vsub.f32 v11, v44;
	v13 =	vbroadcast v0, $0xF  }
0x97: {  	[tilespmem:$0x390] =	vst v11;
	v54, _, _ =	vpop (xrf2)  }
0x98: {  	[tilespmem:$0x590] =	vst v8;
	v8 =	vsub.f32 v15, v56;
	v11 =	vadd.f32 v54, v13  }
0x99: {  	[tilespmem:$0x3A0] =	vst v15  }
0x9a: {  	[tilespmem:$0x5A0] =	vst v8;
	v8 =	vsub.f32 v17, v48;
	v13 =	vbroadcast v11, $0xF  }
0x9b: {  	[tilespmem:$0x3B0] =	vst v17;
	v15, _, _ =	vpop (xrf2)  }
0x9c: {  	[tilespmem:$0x5B0] =	vst v8;
	v8 =	vsub.f32 v0, v50;
	v13 =	vadd.f32 v15, v13  }
0x9d: {  	[tilespmem:$0x3C0] =	vst v0  }
0x9e: {  	[tilespmem:$0x5C0] =	vst v8;
	v0 =	vsub.f32 v11, v12;
	v8 =	vbroadcast v13, $0xF  }
0x9f: {  	[tilespmem:$0x3D0] =	vst v11;
	v11, _, _ =	vpop (xrf2)  }
0xa0: {  	v51 =	vimm.s32 $0xFF;
	[tilespmem:$0x5D0] =	vst v0;
	v0 =	vsub.f32 v13, v16;
	v8 =	vadd.f32 v11, v8  }
0xa1: {  	[tilespmem:$0x3E0] =	vst v13  }
0xa2: {  	[tilespmem:$0x5E0] =	vst v0;
	v11 =	vld [tilespmem:$0x2000];
	v0 =	vsub.f32 v8, v52  }
0xa3: {  	[tilespmem:$0x3F0] =	vst v8;
	v42 =	vbroadcast v8, $0xF;
	v8 =	vld [tilespmem:$0x2020]  }
0xa4: {  	[tilespmem:$0x5F0] =	vst v0;
	v0 =	vld [tilespmem:$0x2010]  }
0xa5: {  	v12 =	vld.idx.msk [tilespmem:v51+s12+$0x0], $0xffff;
	_ =	sdelay $0x2  }
0xa6: {  	v35 =	vmul.f32 v42, v11  }
0xa7: {  	v37 =	vmul.f32 v8, v42  }
0xa8: {  	v34 =	vmul.f32 v42, v0;
	vm0 =	vle.f32 v35, v12  }
0xa9: {  	vm2 =	vle.f32 v37, v12;
	v0 =	vsel vm0, $0x7F, v4  }
0xaa: {  	vm1 =	vle.f32 v34, v12;
	v13 =	vsel vm2, $0x7F, v4  }
0xab: {  	v8 =	vsel vm1, $0x7F, v4  }
0xac: {  	v11 =	vld [tilespmem:$0x2030];
	_ =	sdelay $0x1  }
0xad: {  	v15 =	vld.idx.msk [tilespmem:v0+s12+$0x0], $0xffff  }
0xae: {  	v43 =	vld.idx.msk [tilespmem:v13+s12+$0x0], $0xffff  }
0xaf: {  	v16 =	vld.idx.msk [tilespmem:v8+s12+$0x0], $0xffff  }
0xb0: {  	v38 =	vmul.f32 v11, v42;
	v11 =	vsel vm0, $0x0, v1;
	v17 =	vsel vm0, $0xFF, v2  }
0xb1: {  	v57 =	vsel vm2, $0x0, v1;
	v58 =	vsel vm2, $0xFF, v2;
	v55 =	vsel vm1, $0x0, v1  }
0xb2: {  	v56 =	vsel vm1, $0xFF, v2;
	vm14 =	vle.f32 v38, v12;
	v12 =	vadd.s32 $0x1, v0  }
0xb3: {  	v59 =	vadd.s32 $0x1, v13;
	vm15 =	vle.f32 v35, v15;
	v15 =	vadd.s32 $0x1, v8  }
0xb4: {  	vm5 =	vle.f32 v37, v43;
	v0 =	vsel vm15, v0, v17;
	vm4 =	vle.f32 v34, v16  }
0xb5: {  	v11 =	vsel vm15, v11, v12;
	v16 =	vsel vm14, $0x7F, v4;
	v13 =	vsel vm5, v13, v58  }
0xb6: {  	v36 =	vsel vm5, v57, v59;
	v12 =	vsel vm4, v55, v15;
	v15 =	vadd.s32 $0xFFFFFFFF, v0  }
0xb7: {  	v8 =	vsel vm4, v8, v56;
	v60 =	vadd.s32 $0xFFFFFFFF, v13;
	v15 =	vadd.s32 v15, v11  }
0xb8: {  	v17 =	vadd.s32 $0xFFFFFFFF, v8;
	v39 =	vadd.s32 v60, v36;
	v15 =	vshrl.u32 v15, $0x1  }
0xb9: {  	v17 =	vadd.s32 v17, v12;
	v39 =	vshrl.u32 v39, $0x1  }
0xba: {  	v17 =	vshrl.u32 v17, $0x1  }
0xbb: {  	v61 =	vld.idx.msk [tilespmem:v16+s12+$0x0], $0xffff;
	_ =	sdelay $0x1  }
0xbc: {  	v62 =	vld.idx.msk [tilespmem:v15+s12+$0x0], $0xffff  }
0xbd: {  	v52 =	vld.idx.msk [tilespmem:v39+s12+$0x0], $0xffff  }
0xbe: {  	v48 =	vsel vm14, $0x0, v1;
	v49 =	vsel vm14, $0xFF, v2;
	v63 =	vld.idx.msk [tilespmem:v17+s12+$0x0], $0xffff  }
0xbf: {  	v50 =	vadd.s32 $0x1, v16;
	v53 =	vadd.s32 $0x1, v15;
	vm6 =	vle.f32 v38, v61  }
0xc0: {  	v56 =	vadd.s32 $0x1, v39;
	v55 =	vadd.s32 $0x1, v17;
	v16 =	vsel vm6, v16, v49  }
0xc1: {  	v40 =	vsel vm6, v48, v50;
	v54 =	vadd.s32 $0xFFFFFFFF, v16;
	vm7 =	vle.f32 v35, v62  }
0xc2: {  	v41 =	vadd.s32 v54, v40;
	vm9 =	vle.f32 v37, v52;
	v11 =	vsel vm7, v11, v53  }
0xc3: {  	vm8 =	vle.f32 v34, v63;
	v0 =	vsel vm7, v15, v0;
	v15 =	vshrl.u32 v41, $0x1  }
0xc4: {  	v13 =	vsel vm9, v39, v13;
	v12 =	vsel vm8, v12, v55;
	v57 =	vadd.s32 $0xFFFFFFFF, v0  }
0xc5: {  	v8 =	vsel vm8, v17, v8;
	v17 =	vsel vm9, v36, v56;
	v63 =	vadd.s32 $0xFFFFFFFF, v13  }
0xc6: {  	v58 =	vxor.u32 v57, v11;
	v59 =	vor.u32 v57, v11;
	v60 =	vadd.s32 $0xFFFFFFFF, v8  }
0xc7: {  	v48 =	vxor.u32 v63, v17;
	v36 =	vshrl.u32 v58, $0x1;
	v61 =	vxor.u32 v60, v12  }
0xc8: {  	v43 =	vor.u32 v60, v12;
	v36 =	vsub.s32 v59, v36;
	v39 =	vshrl.u32 v61, $0x1;
	v62 =	vld.idx.msk [tilespmem:v15+s12+$0x0], $0xffff  }
0xc9: {  	v44 =	vor.u32 v63, v17;
	v39 =	vsub.s32 v43, v39;
	v43 =	vshrl.u32 v48, $0x1  }
0xca: {  	v43 =	vsub.s32 v44, v43;
	_ =	sdelay $0x2  }
0xcb: {  	v49 =	vld.idx.msk [tilespmem:v36+s12+$0x0], $0xffff;
	vm10 =	vle.f32 v38, v62  }
0xcc: {  	v50 =	vadd.s32 $0x1, v15;
	v15 =	vsel vm10, v15, v16;
	v16 =	vld.idx.msk [tilespmem:v39+s12+$0x0], $0xffff  }
0xcd: {  	v40 =	vsel vm10, v40, v50;
	v53 =	vld.idx.msk [tilespmem:v43+s12+$0x0], $0xffff;
	v52 =	vadd.s32 $0xFFFFFFFF, v15  }
0xce: {  	v54 =	vxor.u32 v52, v40  }
0xcf: {  	v56 =	vadd.s32 $0x1, v36;
	v44 =	vor.u32 v52, v40;
	v46 =	vshrl.u32 v54, $0x1  }
0xd0: {  	v57 =	vadd.s32 $0x1, v43;
	vm11 =	vle.f32 v35, v49;
	v55 =	vsub.s32 v44, v46  }
0xd1: {  	v11 =	vsel vm11, v11, v56;
	vm12 =	vle.f32 v34, v16;
	v16 =	vadd.s32 $0x1, v39  }
0xd2: {  	v0 =	vsel vm11, v36, v0;
	vm13 =	vle.f32 v37, v53;
	v12 =	vsel vm12, v12, v16  }
0xd3: {  	v8 =	vsel vm12, v39, v8;
	v16 =	vadd.s32 v0, v11;
	v17 =	vsel vm13, v17, v57  }
0xd4: {  	v13 =	vsel vm13, v43, v13;
	v16 =	vshrl.u32 v16, $0x1;
	v39 =	vadd.s32 v8, v12  }
0xd5: {  	v43 =	vadd.s32 v13, v17;
	v39 =	vshrl.u32 v39, $0x1  }
0xd6: {  	v43 =	vshrl.u32 v43, $0x1;
	v58 =	vld.idx.msk [tilespmem:v55+s12+$0x0], $0xffff;
	_ =	sdelay $0x2  }
0xd7: {  	v59 =	vld.idx.msk [tilespmem:v16+s12+$0x0], $0xffff  }
0xd8: {  	v61 =	vld.idx.msk [tilespmem:v39+s12+$0x0], $0xffff  }
0xd9: {  	v60 =	vadd.s32 $0x1, v55;
	v62 =	vld.idx.msk [tilespmem:v43+s12+$0x0], $0xffff;
	vm14 =	vle.f32 v38, v58  }
0xda: {  	v36 =	vsel vm14, v40, v60;
	v15 =	vsel vm14, v55, v15  }
0xdb: {  	v63 =	vadd.s32 $0x1, v16;
	v41 =	vadd.s32 v15, v36  }
0xdc: {  	v48 =	vadd.s32 $0x1, v39;
	v41 =	vshrl.u32 v41, $0x1;
	vm15 =	vle.f32 v35, v59  }
0xdd: {  	v49 =	vadd.s32 $0x1, v43;
	vm4 =	vle.f32 v34, v61;
	v11 =	vsel vm15, v11, v63  }
0xde: {  	v0 =	vsel vm15, v16, v0;
	vm5 =	vle.f32 v37, v62;
	v12 =	vsel vm4, v12, v48  }
0xdf: {  	v8 =	vsel vm4, v39, v8;
	v16 =	vadd.s32 v0, v11;
	v17 =	vsel vm5, v17, v49  }
0xe0: {  	v13 =	vsel vm5, v43, v13;
	v16 =	vshrl.u32 v16, $0x1;
	v52 =	vadd.s32 v8, v12  }
0xe1: {  	v43 =	vadd.s32 v13, v17;
	v53 =	vshrl.u32 v52, $0x1;
	v50 =	vld.idx.msk [tilespmem:v41+s12+$0x0], $0xffff  }
0xe2: {  	v43 =	vshrl.u32 v43, $0x1;
	_ =	sdelay $0x2  }
0xe3: {  	v55 =	vld.idx.msk [tilespmem:v16+s12+$0x0], $0xffff  }
0xe4: {  	v54 =	vadd.s32 $0x1, v41;
	v56 =	vld.idx.msk [tilespmem:v53+s12+$0x0], $0xffff;
	vm6 =	vle.f32 v38, v50  }
0xe5: {  	v57 =	vld.idx.msk [tilespmem:v43+s12+$0x0], $0xffff;
	v36 =	vsel vm6, v36, v54;
	v15 =	vsel vm6, v41, v15  }
0xe6: {  	v41 =	vadd.s32 v15, v36  }
0xe7: {  	v41 =	vshrl.u32 v41, $0x1  }
0xe8: {  	v58 =	vadd.s32 $0x1, v16;
	v59 =	vadd.s32 $0x1, v53;
	vm7 =	vle.f32 v35, v55  }
0xe9: {  	v61 =	vadd.s32 $0x1, v43;
	vm8 =	vle.f32 v34, v56;
	v11 =	vsel vm7, v11, v58  }
0xea: {  	v0 =	vsel vm7, v16, v0;
	vm9 =	vle.f32 v37, v57;
	v12 =	vsel vm8, v12, v59  }
0xeb: {  	v8 =	vsel vm8, v53, v8;
	v60 =	vadd.s32 v0, v11;
	v17 =	vsel vm9, v17, v61  }
0xec: {  	v13 =	vsel vm9, v43, v13;
	v39 =	vshrl.u32 v60, $0x1;
	v62 =	vadd.s32 v8, v12;
	v16 =	vld.idx.msk [tilespmem:v41+s12+$0x0], $0xffff  }
0xed: {  	v43 =	vadd.s32 v13, v17;
	v63 =	vshrl.u32 v62, $0x1  }
0xee: {  	v43 =	vshrl.u32 v43, $0x1;
	_ =	sdelay $0x2  }
0xef: {  	v48 =	vld.idx.msk [tilespmem:v39+s12+$0x0], $0xffff;
	vm10 =	vle.f32 v38, v16;
	v16 =	vadd.s32 $0x1, v41  }
0xf0: {  	v49 =	vld.idx.msk [tilespmem:v63+s12+$0x0], $0xffff;
	v16 =	vsel vm10, v36, v16;
	v15 =	vsel vm10, v41, v15  }
0xf1: {  	v52 =	vld.idx.msk [tilespmem:v43+s12+$0x0], $0xffff;
	v50 =	vadd.s32 v15, v16  }
0xf2: {  	v44 =	vshrl.u32 v50, $0x1;
	_ =	sdelay $0x1  }
0xf3: {  	v53 =	vadd.s32 $0x1, v39;
	v54 =	vadd.s32 $0x1, v63;
	vm11 =	vle.f32 v35, v48  }
0xf4: {  	v56 =	vadd.s32 $0x1, v43;
	vm12 =	vle.f32 v34, v49;
	v11 =	vsel vm11, v11, v53  }
0xf5: {  	v0 =	vsel vm11, v39, v0;
	vm13 =	vle.f32 v37, v52;
	v12 =	vsel vm12, v12, v54  }
0xf6: {  	v8 =	vsel vm12, v63, v8;
	v39 =	vadd.s32 v0, v11;
	v17 =	vsel vm13, v17, v56;
	v55 =	vld.idx.msk [tilespmem:v44+s12+$0x0], $0xffff  }
0xf7: {  	v13 =	vsel vm13, v43, v13;
	v39 =	vshrl.u32 v39, $0x1;
	v41 =	vadd.s32 v8, v12  }
0xf8: {  	v58 =	vadd.s32 v13, v17;
	v57 =	vshrl.u32 v41, $0x1  }
0xf9: {  	v41 =	vshrl.u32 v58, $0x1;
	_ =	sdelay $0x1  }
0xfa: {  	v59 =	vadd.s32 $0x1, v44;
	vm14 =	vle.f32 v38, v55  }
0xfb: {  	v60 =	vld.idx.msk [tilespmem:v39+s12+$0x0], $0xffff;
	v16 =	vsel vm14, v16, v59;
	v15 =	vsel vm14, v44, v15  }
0xfc: {  	v62 =	vld.idx.msk [tilespmem:v57+s12+$0x0], $0xffff;
	v61 =	vadd.s32 v15, v16  }
0xfd: {  	v63 =	vld.idx.msk [tilespmem:v41+s12+$0x0], $0xffff;
	v43 =	vshrl.u32 v61, $0x1;
	_ =	sdelay $0x2  }
0xfe: {  	v48 =	vadd.s32 $0x1, v39;
	v49 =	vadd.s32 $0x1, v57;
	vm15 =	vle.f32 v35, v60  }
0xff: {  	v52 =	vadd.s32 $0x1, v41;
	vm4 =	vle.f32 v34, v62;
	v11 =	vsel vm15, v11, v48  }
0x100: {  	v0 =	vsel vm15, v39, v0;
	vm5 =	vle.f32 v37, v63;
	v12 =	vsel vm4, v12, v49;
	v50 =	vld.idx.msk [tilespmem:v43+s12+$0x0], $0xffff  }
0x101: {  	v8 =	vsel vm4, v57, v8;
	v0 =	vadd.s32 v0, v11;
	v17 =	vsel vm5, v17, v52  }
0x102: {  	v13 =	vsel vm5, v41, v13;
	v0 =	vshrl.u32 v0, $0x1;
	v8 =	vadd.s32 v8, v12  }
0x103: {  	v13 =	vadd.s32 v13, v17;
	v8 =	vshrl.u32 v8, $0x1  }
0x104: {  	v13 =	vshrl.u32 v13, $0x1  }
0x105: {  	v53 =	vadd.s32 $0x1, v43;
	vm6 =	vle.f32 v38, v50  }
0x106: {  	v16 =	vsel vm6, v16, v53;
	v15 =	vsel vm6, v43, v15  }
0x107: {  	v54 =	vld.idx.msk [tilespmem:v0+s12+$0x0], $0xffff;
	v15 =	vadd.s32 v15, v16  }
0x108: {  	v55 =	vld.idx.msk [tilespmem:v8+s12+$0x0], $0xffff;
	v15 =	vshrl.u32 v15, $0x1  }
0x109: {  	v56 =	vld.idx.msk [tilespmem:v13+s12+$0x0], $0xffff;
	_ =	sdelay $0x3  }
0x10a: {  	v0 =	vadd.s32 $0x1, v0;
	v8 =	vadd.s32 $0x1, v8;
	vm7 =	vle.f32 v35, v54;
	v57 =	vld.idx.msk [tilespmem:v15+s12+$0x0], $0xffff  }
0x10b: {  	vm8 =	vle.f32 v34, v55;
	v0 =	vsel vm7, v11, v0;
	vm9 =	vle.f32 v37, v56  }
0x10c: {  	v11 =	vadd.s32 $0x1, v13;
	v8 =	vsel vm8, v12, v8;
	v39 =	vmul.u32 $0xD, v0  }
0x10d: {  	v11 =	vsel vm9, v17, v11;
	v40 =	vmul.u32 $0xD, v8  }
0x10e: {  	v12 =	vadd.s32 $0x1, v15;
	v13 =	vadd.s32 $0x6, v39  }
0x10f: {  	v41 =	vmul.u32 $0xD, v11;
	v15 =	vadd.s32 $0x6, v40;
	vm10 =	vle.f32 v38, v57  }
0x110: {  	v0 =	vld.idx.msk [tilespmem:v0+s13+$0x0], $0xffff;
	v12 =	vsel vm10, v16, v12  }
0x111: {  	v8 =	vld.idx.msk [tilespmem:v8+s13+$0x0], $0xffff;
	v16 =	vadd.s32 $0x6, v41  }
0x112: {  	v11 =	vld.idx.msk [tilespmem:v11+s13+$0x0], $0xffff;
	v43 =	vmul.u32 $0xD, v12  }
0x113: {  	v13 =	vld.idx.msk [tilespmem:v13+s9+$0x0], $0xffff  }
0x114: {  	v15 =	vld.idx.msk [tilespmem:v15+s9+$0x0], $0xffff;
	v17 =	vadd.s32 $0x6, v43  }
0x115: {  	v12 =	vld.idx.msk [tilespmem:v12+s13+$0x0], $0xffff  }
0x116: {  	v35 =	vsub.f32 v35, v0;
	v0 =	vld.idx.msk [tilespmem:v16+s9+$0x0], $0xffff  }
0x117: {  	v36 =	vsub.f32 v34, v8  }
0x118: {  	vm11 =	vle.f32 v35, v13  }
0x119: {  	v37 =	vsub.f32 v37, v11;
	vm12 =	vle.f32 v36, v15;
	v11 =	vsel vm11, $0x3, v7;
	v8 =	vld.idx.msk [tilespmem:v17+s9+$0x0], $0xffff  }
0x11a: {  	v13 =	vsel vm12, $0x3, v7;
	v34 =	vsub.f32 v38, v12;
	v12 =	vadd.s32 v39, v11  }
0x11b: {  	vm13 =	vle.f32 v37, v0;
	v0 =	vadd.s32 v40, v13;
	_ =	sdelay $0x2  }
0x11c: {  	vm3 =	vle.f32 v34, v8;
	v8 =	vsel vm13, $0x3, v7  }
0x11d: {  	v15 =	vadd.s32 v41, v8;
	v12 =	vld.idx.msk [tilespmem:v12+s9+$0x0], $0xffff  }
0x11e: {  	v16 =	vsel vm3, $0x3, v7;
	v0 =	vld.idx.msk [tilespmem:v0+s9+$0x0], $0xffff  }
0x11f: {  	v17 =	vadd.s32 v43, v16  }
0x120: {  	v58 =	vsel vm11, $0x0, v5;
	v59 =	vsel vm11, $0x6, v6;
	v60 =	vsel vm12, $0x0, v5  }
0x121: {  	v61 =	vsel vm12, $0x6, v6;
	v62 =	vsel vm13, $0x0, v5;
	v63 =	vsel vm13, $0x6, v6  }
0x122: {  	v52 =	vsel vm3, $0x0, v5;
	v53 =	vsel vm3, $0x6, v6;
	v15 =	vld.idx.msk [tilespmem:v15+s9+$0x0], $0xffff;
	vm14 =	vle.f32 v35, v12  }
0x123: {  	v12 =	vadd.s32 $0x1, v11;
	vm15 =	vle.f32 v36, v0;
	v0 =	vadd.s32 $0x1, v13  }
0x124: {  	v17 =	vld.idx.msk [tilespmem:v17+s9+$0x0], $0xffff;
	v12 =	vsel vm14, v58, v12;
	v11 =	vsel vm14, v11, v59;
	v13 =	vsel vm15, v13, v61  }
0x125: {  	v0 =	vsel vm15, v60, v0;
	v54 =	vadd.s32 $0xFFFFFFFF, v11;
	v56 =	vadd.s32 $0xFFFFFFFF, v13  }
0x126: {  	v55 =	vxor.u32 v54, v12;
	v38 =	vor.u32 v54, v12;
	v57 =	vxor.u32 v56, v0  }
0x127: {  	v58 =	vor.u32 v56, v0;
	vm4 =	vle.f32 v37, v15;
	v15 =	vadd.s32 $0x1, v8  }
0x128: {  	v44 =	vshrl.u32 v55, $0x1;
	v59 =	vshrl.u32 v57, $0x1;
	v15 =	vsel vm4, v62, v15  }
0x129: {  	vm5 =	vle.f32 v34, v17;
	v17 =	vadd.s32 $0x1, v16;
	v38 =	vsub.s32 v38, v44  }
0x12a: {  	v8 =	vsel vm4, v8, v63;
	v44 =	vsub.s32 v58, v59;
	v60 =	vadd.s32 v39, v38  }
0x12b: {  	v16 =	vsel vm5, v16, v53;
	v61 =	vadd.s32 $0xFFFFFFFF, v8;
	v62 =	vadd.s32 v40, v44  }
0x12c: {  	v17 =	vsel vm5, v52, v17;
	v63 =	vxor.u32 v61, v15;
	v52 =	vadd.s32 $0xFFFFFFFF, v16  }
0x12d: {  	v45 =	vor.u32 v61, v15;
	v48 =	vshrl.u32 v63, $0x1;
	v53 =	vxor.u32 v52, v17  }
0x12e: {  	v54 =	vor.u32 v52, v17;
	v45 =	vsub.s32 v45, v48;
	v55 =	vshrl.u32 v53, $0x1  }
0x12f: {  	v56 =	vadd.s32 v41, v45;
	v48 =	vsub.s32 v54, v55;
	v46 =	vld.idx.msk [tilespmem:v60+s9+$0x0], $0xffff  }
0x130: {  	v49 =	vadd.s32 v43, v48;
	v47 =	vld.idx.msk [tilespmem:v62+s9+$0x0], $0xffff;
	_ =	sdelay $0x3  }
0x131: {  	v57 =	vadd.s32 $0x1, v38;
	v58 =	vadd.s32 $0x1, v44;
	v59 =	vadd.s32 $0x1, v45;
	v50 =	vld.idx.msk [tilespmem:v56+s9+$0x0], $0xffff  }
0x132: {  	v61 =	vadd.s32 $0x1, v48;
	v49 =	vld.idx.msk [tilespmem:v49+s9+$0x0], $0xffff;
	vm6 =	vle.f32 v35, v46;
	vm7 =	vle.f32 v36, v47  }
0x133: {  	v12 =	vsel vm6, v12, v57;
	v11 =	vsel vm6, v38, v11;
	v0 =	vsel vm7, v0, v58  }
0x134: {  	v13 =	vsel vm7, v44, v13;
	v60 =	vxor.u32 v11, v12;
	v11 =	vand.u32 v11, v12  }
0x135: {  	v62 =	vxor.u32 v13, v0;
	v13 =	vand.u32 v13, v0;
	v38 =	vshrl.u32 v60, $0x1  }
0x136: {  	v44 =	vshrl.u32 v62, $0x1;
	vm8 =	vle.f32 v37, v50;
	v11 =	vadd.s32 v38, v11  }
0x137: {  	v13 =	vadd.s32 v44, v13;
	v15 =	vsel vm8, v15, v59;
	vm9 =	vle.f32 v34, v49  }
0x138: {  	v8 =	vsel vm8, v45, v8;
	v38 =	vadd.s32 v39, v11;
	v17 =	vsel vm9, v17, v61  }
0x139: {  	v16 =	vsel vm9, v48, v16;
	v45 =	vxor.u32 v8, v15;
	v8 =	vand.u32 v8, v15  }
0x13a: {  	v48 =	vadd.s32 v40, v13;
	v63 =	vshrl.u32 v45, $0x1;
	v49 =	vxor.u32 v16, v17  }
0x13b: {  	v16 =	vand.u32 v16, v17;
	v8 =	vadd.s32 v63, v8;
	v44 =	vshrl.u32 v49, $0x1  }
0x13c: {  	v50 =	vadd.s32 v41, v8;
	v16 =	vadd.s32 v44, v16  }
0x13d: {  	v44 =	vadd.s32 v43, v16  }
0x13e: {  	v38 =	vld.idx.msk [tilespmem:v38+s9+$0x0], $0xffff  }
0x13f: {  	v45 =	vld.idx.msk [tilespmem:v48+s9+$0x0], $0xffff;
	_ =	sdelay $0x1  }
0x140: {  	v46 =	vld.idx.msk [tilespmem:v50+s9+$0x0], $0xffff  }
0x141: {  	v44 =	vld.idx.msk [tilespmem:v44+s9+$0x0], $0xffff  }
0x142: {  	v11 =	vadd.s32 $0x1, v11;
	vm10 =	vle.f32 v35, v38  }
0x143: {  	v11 =	vsel vm10, v12, v11;
	vm11 =	vle.f32 v36, v45;
	v12 =	vadd.s32 $0x1, v13  }
0x144: {  	v8 =	vadd.s32 $0x1, v8;
	v0 =	vsel vm11, v0, v12  }
0x145: {  	v39 =	vadd.s32 v39, v11;
	v11 =	vadd.s32 $0x1, v16;
	vm12 =	vle.f32 v37, v46  }
0x146: {  	[tilespmem:$0x2080] =	vst v39;
	v40 =	vadd.s32 v40, v0;
	v8 =	vsel vm12, v15, v8;
	vm13 =	vle.f32 v34, v44  }
0x147: {  	[tilespmem:$0x2090] =	vst v40;
	v0 =	vsel vm13, v17, v11;
	v41 =	vadd.s32 v41, v8  }
0x148: {  	[tilespmem:$0x20A0] =	vst v41;
	v38 =	vadd.s32 v43, v0  }
0x149: {  	[tilespmem:$0x20B0] =	vst v38  }
0x14a: {  	[tilespmem:s16], [sflag:$0x1] =	stream.indirect.gather [hbm4b:s2+s14], $0x10, s15, s14, $0xb8;
	[tilespmem:$0x2980] =	vst v63  }
0x14b: {  	v0 =	vld [tilespmem:$0x2040]  }
0x14c: {  	v8 =	vld [tilespmem:$0x2050]  }
0x14d: {  	v11 =	vld.idx.msk [tilespmem:v51+s12+$0x0], $0xffff;
	_ =	sdelay $0x2  }
0x14e: {  	v43 =	vmul.f32 v0, v42  }
0x14f: {  	v12 =	vld [tilespmem:$0x2060];
	v44 =	vmul.f32 v8, v42  }
0x150: {  	vm14 =	vle.f32 v43, v11  }
0x151: {  	vm15 =	vle.f32 v44, v11;
	v0 =	vsel vm14, $0x7F, v4  }
0x152: {  	v8 =	vsel vm15, $0x7F, v4;
	_ =	sdelay $0x1  }
0x153: {  	v45 =	vmul.f32 v12, v42;
	v12 =	vld [tilespmem:$0x2070];
	_ =	sdelay $0x1  }
0x154: {  	vm4 =	vle.f32 v45, v11;
	v15 =	vld.idx.msk [tilespmem:v0+s12+$0x0], $0xffff  }
0x155: {  	v13 =	vsel vm4, $0x7F, v4;
	v16 =	vld.idx.msk [tilespmem:v8+s12+$0x0], $0xffff;
	_ =	sdelay $0x1  }
0x156: {  	v42 =	vmul.f32 v12, v42  }
0x157: {  	v17 =	vsel vm14, $0xFF, v2  }
0x158: {  	v52 =	vsel vm15, $0x0, v1;
	v12 =	vsel vm14, $0x0, v1;
	vm5 =	vle.f32 v42, v11  }
0x159: {  	v11 =	vadd.s32 $0x1, v0;
	v56 =	vld.idx.msk [tilespmem:v13+s12+$0x0], $0xffff;
	vm6 =	vle.f32 v43, v15;
	vm7 =	vle.f32 v44, v16  }
0x15a: {  	v15 =	vadd.s32 $0x1, v8;
	v16 =	vsel vm5, $0x7F, v4;
	v0 =	vsel vm6, v0, v17  }
0x15b: {  	v11 =	vsel vm6, v12, v11;
	v12 =	vsel vm7, v52, v15;
	v15 =	vadd.s32 $0xFFFFFFFF, v0  }
0x15c: {  	v15 =	vadd.s32 v15, v11  }
0x15d: {  	v53 =	vsel vm15, $0xFF, v2;
	v54 =	vsel vm4, $0x0, v1;
	v15 =	vshrl.u32 v15, $0x1  }
0x15e: {  	v55 =	vsel vm4, $0xFF, v2;
	vm8 =	vle.f32 v45, v56;
	v8 =	vsel vm7, v8, v53  }
0x15f: {  	v57 =	vadd.s32 $0x1, v13;
	v13 =	vsel vm8, v13, v55;
	v17 =	vadd.s32 $0xFFFFFFFF, v8;
	v59 =	vld.idx.msk [tilespmem:v16+s12+$0x0], $0xffff  }
0x160: {  	v46 =	vsel vm8, v54, v57;
	v58 =	vadd.s32 $0xFFFFFFFF, v13;
	v17 =	vadd.s32 v17, v12  }
0x161: {  	v47 =	vadd.s32 v58, v46;
	v17 =	vshrl.u32 v17, $0x1  }
0x162: {  	v47 =	vshrl.u32 v47, $0x1;
	v60 =	vld.idx.msk [tilespmem:v15+s12+$0x0], $0xffff;
	_ =	sdelay $0x1  }
0x163: {  	v63 =	vsel vm5, $0xFF, v2;
	vm9 =	vle.f32 v42, v59  }
0x164: {  	v62 =	vsel vm5, $0x0, v1;
	v56 =	vadd.s32 $0x1, v16;
	v16 =	vsel vm9, v16, v63  }
0x165: {  	v61 =	vld.idx.msk [tilespmem:v17+s12+$0x0], $0xffff;
	v48 =	vsel vm9, v62, v56;
	v59 =	vadd.s32 $0xFFFFFFFF, v16  }
0x166: {  	v57 =	vld.idx.msk [tilespmem:v47+s12+$0x0], $0xffff;
	v49 =	vadd.s32 v59, v48;
	vm10 =	vle.f32 v43, v60  }
0x167: {  	v58 =	vadd.s32 $0x1, v15;
	v0 =	vsel vm10, v15, v0;
	v15 =	vshrl.u32 v49, $0x1;
	_ =	sdelay $0x2  }
0x168: {  	vm11 =	vle.f32 v44, v61;
	v60 =	vadd.s32 $0x1, v17  }
0x169: {  	vm12 =	vle.f32 v45, v57;
	v61 =	vadd.s32 $0x1, v47;
	v11 =	vsel vm10, v11, v58  }
0x16a: {  	v12 =	vsel vm11, v12, v60;
	v8 =	vsel vm11, v17, v8;
	v62 =	vadd.s32 $0xFFFFFFFF, v0;
	v55 =	vld.idx.msk [tilespmem:v15+s12+$0x0], $0xffff  }
0x16b: {  	v17 =	vsel vm12, v46, v61;
	v13 =	vsel vm12, v47, v13;
	v63 =	vxor.u32 v62, v11  }
0x16c: {  	v53 =	vadd.s32 $0xFFFFFFFF, v8;
	v52 =	vor.u32 v62, v11;
	v46 =	vshrl.u32 v63, $0x1  }
0x16d: {  	v56 =	vadd.s32 $0xFFFFFFFF, v13;
	v54 =	vxor.u32 v53, v12;
	v46 =	vsub.s32 v52, v46  }
0x16e: {  	v59 =	vadd.s32 $0x1, v15;
	v50 =	vor.u32 v53, v12;
	v47 =	vshrl.u32 v54, $0x1  }
0x16f: {  	v57 =	vxor.u32 v56, v17;
	v47 =	vsub.s32 v50, v47;
	vm13 =	vle.f32 v42, v55  }
0x170: {  	v51 =	vor.u32 v56, v17;
	v50 =	vshrl.u32 v57, $0x1;
	v15 =	vsel vm13, v15, v16  }
0x171: {  	v50 =	vsub.s32 v51, v50;
	v48 =	vsel vm13, v48, v59;
	v60 =	vadd.s32 $0xFFFFFFFF, v15  }
0x172: {  	v58 =	vld.idx.msk [tilespmem:v46+s12+$0x0], $0xffff;
	v62 =	vxor.u32 v60, v48  }
0x173: {  	v51 =	vor.u32 v60, v48;
	v53 =	vshrl.u32 v62, $0x1  }
0x174: {  	v16 =	vld.idx.msk [tilespmem:v47+s12+$0x0], $0xffff;
	v63 =	vsub.s32 v51, v53;
	_ =	sdelay $0x1  }
0x175: {  	v61 =	vld.idx.msk [tilespmem:v50+s12+$0x0], $0xffff  }
0x176: {  	v55 =	vadd.s32 $0x1, v46;
	vm14 =	vle.f32 v43, v58  }
0x177: {  	v56 =	vadd.s32 $0x1, v50;
	v11 =	vsel vm14, v11, v55  }
0x178: {  	v0 =	vsel vm14, v46, v0;
	vm15 =	vle.f32 v44, v16;
	v16 =	vadd.s32 $0x1, v47;
	v57 =	vld.idx.msk [tilespmem:v63+s12+$0x0], $0xffff  }
0x179: {  	v12 =	vsel vm15, v12, v16;
	v8 =	vsel vm15, v47, v8;
	v16 =	vadd.s32 v0, v11  }
0x17a: {  	vm4 =	vle.f32 v45, v61;
	v16 =	vshrl.u32 v16, $0x1;
	v47 =	vadd.s32 v8, v12  }
0x17b: {  	v17 =	vsel vm4, v17, v56;
	v13 =	vsel vm4, v50, v13;
	v47 =	vshrl.u32 v47, $0x1  }
0x17c: {  	v50 =	vadd.s32 v13, v17  }
0x17d: {  	v59 =	vadd.s32 $0x1, v63;
	v50 =	vshrl.u32 v50, $0x1;
	vm5 =	vle.f32 v42, v57  }
0x17e: {  	v46 =	vsel vm5, v48, v59;
	v15 =	vsel vm5, v63, v15  }
0x17f: {  	v58 =	vld.idx.msk [tilespmem:v16+s12+$0x0], $0xffff;
	v49 =	vadd.s32 v15, v46  }
0x180: {  	v60 =	vld.idx.msk [tilespmem:v47+s12+$0x0], $0xffff;
	v49 =	vshrl.u32 v49, $0x1;
	_ =	sdelay $0x1  }
0x181: {  	v61 =	vld.idx.msk [tilespmem:v50+s12+$0x0], $0xffff  }
0x182: {  	v62 =	vadd.s32 $0x1, v16  }
0x183: {  	v55 =	vadd.s32 $0x1, v50;
	v63 =	vadd.s32 $0x1, v47;
	vm6 =	vle.f32 v43, v58  }
0x184: {  	vm7 =	vle.f32 v44, v60;
	v11 =	vsel vm6, v11, v62;
	v0 =	vsel vm6, v16, v0;
	v56 =	vld.idx.msk [tilespmem:v49+s12+$0x0], $0xffff  }
0x185: {  	v12 =	vsel vm7, v12, v63;
	v8 =	vsel vm7, v47, v8;
	v16 =	vadd.s32 v0, v11  }
0x186: {  	vm8 =	vle.f32 v45, v61;
	v16 =	vshrl.u32 v16, $0x1;
	v57 =	vadd.s32 v8, v12  }
0x187: {  	v17 =	vsel vm8, v17, v55;
	v13 =	vsel vm8, v50, v13;
	v58 =	vshrl.u32 v57, $0x1  }
0x188: {  	v50 =	vadd.s32 v13, v17  }
0x189: {  	v59 =	vadd.s32 $0x1, v49;
	v50 =	vshrl.u32 v50, $0x1;
	vm9 =	vle.f32 v42, v56  }
0x18a: {  	v46 =	vsel vm9, v46, v59;
	v15 =	vsel vm9, v49, v15  }
0x18b: {  	v60 =	vld.idx.msk [tilespmem:v16+s12+$0x0], $0xffff;
	v49 =	vadd.s32 v15, v46  }
0x18c: {  	v61 =	vld.idx.msk [tilespmem:v58+s12+$0x0], $0xffff;
	v49 =	vshrl.u32 v49, $0x1;
	_ =	sdelay $0x1  }
0x18d: {  	v62 =	vld.idx.msk [tilespmem:v50+s12+$0x0], $0xffff  }
0x18e: {  	v63 =	vadd.s32 $0x1, v16  }
0x18f: {  	v54 =	vadd.s32 $0x1, v58;
	v56 =	vadd.s32 $0x1, v50;
	vm10 =	vle.f32 v43, v60  }
0x190: {  	vm11 =	vle.f32 v44, v61;
	v11 =	vsel vm10, v11, v63;
	v0 =	vsel vm10, v16, v0;
	v16 =	vld.idx.msk [tilespmem:v49+s12+$0x0], $0xffff  }
0x191: {  	v12 =	vsel vm11, v12, v54;
	v8 =	vsel vm11, v58, v8;
	v55 =	vadd.s32 v0, v11  }
0x192: {  	vm12 =	vle.f32 v45, v62;
	v47 =	vshrl.u32 v55, $0x1;
	v57 =	vadd.s32 v8, v12  }
0x193: {  	v17 =	vsel vm12, v17, v56;
	v13 =	vsel vm12, v50, v13;
	v58 =	vshrl.u32 v57, $0x1  }
0x194: {  	v50 =	vadd.s32 v13, v17  }
0x195: {  	v50 =	vshrl.u32 v50, $0x1;
	vm13 =	vle.f32 v42, v16;
	v16 =	vadd.s32 $0x1, v49  }
0x196: {  	v16 =	vsel vm13, v46, v16;
	v15 =	vsel vm13, v49, v15  }
0x197: {  	v59 =	vld.idx.msk [tilespmem:v47+s12+$0x0], $0xffff;
	v61 =	vadd.s32 v15, v16  }
0x198: {  	v60 =	vld.idx.msk [tilespmem:v58+s12+$0x0], $0xffff;
	v51 =	vshrl.u32 v61, $0x1;
	_ =	sdelay $0x1  }
0x199: {  	v62 =	vld.idx.msk [tilespmem:v50+s12+$0x0], $0xffff  }
0x19a: {  	v63 =	vadd.s32 $0x1, v47  }
0x19b: {  	v55 =	vadd.s32 $0x1, v50;
	v53 =	vadd.s32 $0x1, v58;
	vm14 =	vle.f32 v43, v59  }
0x19c: {  	vm15 =	vle.f32 v44, v60;
	v11 =	vsel vm14, v11, v63;
	v0 =	vsel vm14, v47, v0;
	v54 =	vld.idx.msk [tilespmem:v51+s12+$0x0], $0xffff  }
0x19d: {  	v12 =	vsel vm15, v12, v53;
	v8 =	vsel vm15, v58, v8;
	v47 =	vadd.s32 v0, v11  }
0x19e: {  	vm4 =	vle.f32 v45, v62;
	v47 =	vshrl.u32 v47, $0x1;
	v49 =	vadd.s32 v8, v12  }
0x19f: {  	v17 =	vsel vm4, v17, v55;
	v13 =	vsel vm4, v50, v13;
	v48 =	vshrl.u32 v49, $0x1  }
0x1a0: {  	v56 =	vadd.s32 v13, v17  }
0x1a1: {  	v57 =	vadd.s32 $0x1, v51;
	v49 =	vshrl.u32 v56, $0x1;
	vm5 =	vle.f32 v42, v54  }
0x1a2: {  	v16 =	vsel vm5, v16, v57;
	v15 =	vsel vm5, v51, v15  }
0x1a3: {  	v58 =	vld.idx.msk [tilespmem:v47+s12+$0x0], $0xffff;
	v59 =	vadd.s32 v15, v16  }
0x1a4: {  	v60 =	vld.idx.msk [tilespmem:v48+s12+$0x0], $0xffff;
	v50 =	vshrl.u32 v59, $0x1;
	_ =	sdelay $0x1  }
0x1a5: {  	v61 =	vld.idx.msk [tilespmem:v49+s12+$0x0], $0xffff  }
0x1a6: {  	v62 =	vadd.s32 $0x1, v47  }
0x1a7: {  	v63 =	vadd.s32 $0x1, v48;
	v57 =	vadd.s32 $0x1, v49;
	vm6 =	vle.f32 v43, v58  }
0x1a8: {  	vm7 =	vle.f32 v44, v60;
	v11 =	vsel vm6, v11, v62;
	v0 =	vsel vm6, v47, v0;
	v56 =	vld.idx.msk [tilespmem:v50+s12+$0x0], $0xffff  }
0x1a9: {  	v12 =	vsel vm7, v12, v63;
	v8 =	vsel vm7, v48, v8;
	v0 =	vadd.s32 v0, v11  }
0x1aa: {  	vm8 =	vle.f32 v45, v61;
	v0 =	vshrl.u32 v0, $0x1;
	v8 =	vadd.s32 v8, v12  }
0x1ab: {  	v17 =	vsel vm8, v17, v57;
	v13 =	vsel vm8, v49, v13;
	v8 =	vshrl.u32 v8, $0x1  }
0x1ac: {  	v13 =	vadd.s32 v13, v17  }
0x1ad: {  	v58 =	vadd.s32 $0x1, v50;
	v13 =	vshrl.u32 v13, $0x1;
	vm9 =	vle.f32 v42, v56  }
0x1ae: {  	v16 =	vsel vm9, v16, v58;
	v15 =	vsel vm9, v50, v15  }
0x1af: {  	v59 =	vld.idx.msk [tilespmem:v0+s12+$0x0], $0xffff;
	v15 =	vadd.s32 v15, v16  }
0x1b0: {  	v60 =	vld.idx.msk [tilespmem:v8+s12+$0x0], $0xffff;
	v15 =	vshrl.u32 v15, $0x1;
	_ =	sdelay $0x1  }
0x1b1: {  	v61 =	vld.idx.msk [tilespmem:v13+s12+$0x0], $0xffff;
	_ =	sdelay $0x1  }
0x1b2: {  	v0 =	vadd.s32 $0x1, v0  }
0x1b3: {  	v8 =	vadd.s32 $0x1, v8;
	vm10 =	vle.f32 v43, v59;
	vm11 =	vle.f32 v44, v60;
	v62 =	vld.idx.msk [tilespmem:v15+s12+$0x0], $0xffff  }
0x1b4: {  	v0 =	vsel vm10, v11, v0;
	v8 =	vsel vm11, v12, v8  }
0x1b5: {  	vm12 =	vle.f32 v45, v61;
	v11 =	vadd.s32 $0x1, v13;
	v46 =	vmul.u32 $0xD, v8  }
0x1b6: {  	v47 =	vmul.u32 $0xD, v0;
	v11 =	vsel vm12, v17, v11  }
0x1b7: {  	v12 =	vadd.s32 $0x1, v15;
	v49 =	vmul.u32 $0xD, v11;
	v15 =	vadd.s32 $0x6, v46  }
0x1b8: {  	v13 =	vadd.s32 $0x6, v47;
	vm13 =	vle.f32 v42, v62  }
0x1b9: {  	v0 =	vld.idx.msk [tilespmem:v0+s13+$0x0], $0xffff;
	v12 =	vsel vm13, v16, v12;
	v16 =	vadd.s32 $0x6, v49  }
0x1ba: {  	v8 =	vld.idx.msk [tilespmem:v8+s13+$0x0], $0xffff;
	v50 =	vmul.u32 $0xD, v12  }
0x1bb: {  	v11 =	vld.idx.msk [tilespmem:v11+s13+$0x0], $0xffff  }
0x1bc: {  	v15 =	vld.idx.msk [tilespmem:v15+s9+$0x0], $0xffff;
	v17 =	vadd.s32 $0x6, v50  }
0x1bd: {  	v13 =	vld.idx.msk [tilespmem:v13+s9+$0x0], $0xffff  }
0x1be: {  	v43 =	vsub.f32 v43, v0;
	v0 =	vld.idx.msk [tilespmem:v16+s9+$0x0], $0xffff  }
0x1bf: {  	v44 =	vsub.f32 v44, v8;
	v12 =	vld.idx.msk [tilespmem:v12+s13+$0x0], $0xffff;
	_ =	sdelay $0x1  }
0x1c0: {  	v45 =	vsub.f32 v45, v11;
	vm15 =	vle.f32 v44, v15;
	v8 =	vld.idx.msk [tilespmem:v17+s9+$0x0], $0xffff  }
0x1c1: {  	vm14 =	vle.f32 v43, v13;
	v13 =	vsel vm15, $0x3, v7  }
0x1c2: {  	v11 =	vsel vm14, $0x3, v7;
	vm6 =	vle.f32 v45, v0;
	v0 =	vadd.s32 v46, v13  }
0x1c3: {  	v42 =	vsub.f32 v42, v12;
	v12 =	vadd.s32 v47, v11;
	_ =	sdelay $0x1  }
0x1c4: {  	vm7 =	vle.f32 v42, v8;
	v8 =	vsel vm6, $0x3, v7  }
0x1c5: {  	v15 =	vadd.s32 v49, v8;
	v16 =	vsel vm7, $0x3, v7  }
0x1c6: {  	v17 =	vadd.s32 v50, v16;
	v0 =	vld.idx.msk [tilespmem:v0+s9+$0x0], $0xffff  }
0x1c7: {  	v12 =	vld.idx.msk [tilespmem:v12+s9+$0x0], $0xffff;
	_ =	sdelay $0x1  }
0x1c8: {  	v48 =	vsel vm14, $0x0, v5;
	v51 =	vsel vm14, $0x6, v6;
	v52 =	vsel vm15, $0x0, v5  }
0x1c9: {  	v53 =	vsel vm15, $0x6, v6;
	v63 =	vsel vm6, $0x0, v5;
	v60 =	vsel vm6, $0x6, v6;
	v15 =	vld.idx.msk [tilespmem:v15+s9+$0x0], $0xffff  }
0x1ca: {  	v61 =	vsel vm7, $0x0, v5;
	v62 =	vsel vm7, $0x6, v6;
	v17 =	vld.idx.msk [tilespmem:v17+s9+$0x0], $0xffff;
	vm9 =	vle.f32 v44, v0  }
0x1cb: {  	vm8 =	vle.f32 v43, v12;
	v0 =	vadd.s32 $0x1, v13;
	v13 =	vsel vm9, v13, v53  }
0x1cc: {  	v12 =	vadd.s32 $0x1, v11;
	v0 =	vsel vm9, v52, v0;
	v57 =	vadd.s32 $0xFFFFFFFF, v13  }
0x1cd: {  	v12 =	vsel vm8, v48, v12;
	v11 =	vsel vm8, v11, v51;
	v58 =	vxor.u32 v57, v0  }
0x1ce: {  	v59 =	vor.u32 v57, v0;
	vm10 =	vle.f32 v45, v15;
	v15 =	vadd.s32 $0x1, v8  }
0x1cf: {  	v15 =	vsel vm10, v63, v15;
	vm11 =	vle.f32 v42, v17;
	v17 =	vadd.s32 $0x1, v16  }
0x1d0: {  	v8 =	vsel vm10, v8, v60;
	v63 =	vadd.s32 $0xFFFFFFFF, v11;
	v60 =	vshrl.u32 v58, $0x1  }
0x1d1: {  	v17 =	vsel vm11, v61, v17;
	v16 =	vsel vm11, v16, v62;
	v56 =	vxor.u32 v63, v12  }
0x1d2: {  	v48 =	vor.u32 v63, v12;
	v61 =	vadd.s32 $0xFFFFFFFF, v8;
	v51 =	vshrl.u32 v56, $0x1  }
0x1d3: {  	v62 =	vxor.u32 v61, v15;
	v63 =	vadd.s32 $0xFFFFFFFF, v16;
	v52 =	vor.u32 v61, v15  }
0x1d4: {  	v48 =	vsub.s32 v48, v51;
	v51 =	vsub.s32 v59, v60;
	v55 =	vshrl.u32 v62, $0x1  }
0x1d5: {  	v60 =	vxor.u32 v63, v17;
	v61 =	vor.u32 v63, v17;
	v53 =	vadd.s32 v47, v48  }
0x1d6: {  	v54 =	vadd.s32 v46, v51;
	v52 =	vsub.s32 v52, v55;
	v62 =	vshrl.u32 v60, $0x1  }
0x1d7: {  	v63 =	vadd.s32 v49, v52;
	v55 =	vsub.s32 v61, v62  }
0x1d8: {  	v56 =	vadd.s32 v50, v55;
	_ =	sdelay $0x1  }
0x1d9: {  	v53 =	vld.idx.msk [tilespmem:v53+s9+$0x0], $0xffff  }
0x1da: {  	v54 =	vld.idx.msk [tilespmem:v54+s9+$0x0], $0xffff  }
0x1db: {  	v57 =	vld.idx.msk [tilespmem:v63+s9+$0x0], $0xffff  }
0x1dc: {  	v56 =	vld.idx.msk [tilespmem:v56+s9+$0x0], $0xffff  }
0x1dd: {  	v60 =	vadd.s32 $0x1, v48  }
0x1de: {  	v61 =	vadd.s32 $0x1, v51;
	v62 =	vadd.s32 $0x1, v52;
	vm12 =	vle.f32 v43, v53  }
0x1df: {  	vm13 =	vle.f32 v44, v54;
	v54 =	vadd.s32 $0x1, v55;
	v12 =	vsel vm12, v12, v60  }
0x1e0: {  	v11 =	vsel vm12, v48, v11;
	v0 =	vsel vm13, v0, v61;
	vm14 =	vle.f32 v45, v57  }
0x1e1: {  	v13 =	vsel vm13, v51, v13;
	v15 =	vsel vm14, v15, v62;
	vm15 =	vle.f32 v42, v56  }
0x1e2: {  	v63 =	vxor.u32 v11, v12;
	v11 =	vand.u32 v11, v12;
	v8 =	vsel vm14, v52, v8  }
0x1e3: {  	v48 =	vshrl.u32 v63, $0x1;
	v17 =	vsel vm15, v17, v54;
	v16 =	vsel vm15, v55, v16  }
0x1e4: {  	v55 =	vxor.u32 v13, v0;
	v13 =	vand.u32 v13, v0;
	v52 =	vxor.u32 v8, v15  }
0x1e5: {  	v8 =	vand.u32 v8, v15;
	v11 =	vadd.s32 v48, v11;
	v51 =	vshrl.u32 v55, $0x1  }
0x1e6: {  	v56 =	vshrl.u32 v52, $0x1;
	v48 =	vadd.s32 v47, v11;
	v13 =	vadd.s32 v51, v13  }
0x1e7: {  	v58 =	vxor.u32 v16, v17;
	v8 =	vadd.s32 v56, v8;
	v57 =	vadd.s32 v46, v13  }
0x1e8: {  	v16 =	vand.u32 v16, v17;
	v51 =	vshrl.u32 v58, $0x1;
	v59 =	vadd.s32 v49, v8  }
0x1e9: {  	v16 =	vadd.s32 v51, v16  }
0x1ea: {  	v51 =	vadd.s32 v50, v16  }
0x1eb: {  	v48 =	vld.idx.msk [tilespmem:v48+s9+$0x0], $0xffff  }
0x1ec: {  	v52 =	vld.idx.msk [tilespmem:v57+s9+$0x0], $0xffff  }
0x1ed: {  	v53 =	vld.idx.msk [tilespmem:v59+s9+$0x0], $0xffff;
	_ =	sdelay $0x1  }
0x1ee: {  	v51 =	vld.idx.msk [tilespmem:v51+s9+$0x0], $0xffff  }
0x1ef: {  	v11 =	vadd.s32 $0x1, v11;
	vm4 =	vle.f32 v43, v48  }
0x1f0: {  	v8 =	vadd.s32 $0x1, v8;
	v11 =	vsel vm4, v12, v11  }
0x1f1: {  	vm5 =	vle.f32 v44, v52;
	v12 =	vadd.s32 $0x1, v13;
	vm6 =	vle.f32 v45, v53  }
0x1f2: {  	v0 =	vsel vm5, v0, v12;
	v8 =	vsel vm6, v15, v8;
	v47 =	vadd.s32 v47, v11  }
0x1f3: {  	vm7 =	vle.f32 v42, v51;
	v11 =	vadd.s32 $0x1, v16;
	[tilespmem:$0x20C0] =	vst v47;
	v48 =	vadd.s32 v46, v0  }
0x1f4: {  	v0 =	vsel vm7, v17, v11;
	v49 =	vadd.s32 v49, v8;
	[tilespmem:$0x20D0] =	vst v48  }
0x1f5: {  	[tilespmem:$0x20E0] =	vst v49;
	v46 =	vadd.s32 v50, v0  }
0x1f6: {  	[tilespmem:$0x20F0] =	vst v46  }
0x1f7: {  	[tilespmem:s18], [sflag:$0x2] =	stream.indirect.gather [hbm4b:s2+s14], $0x10, s17, s14, $0xb8;
	[tilespmem:$0x2980] =	vst v63  }
0x1f8: {  	_ =	swait.ge [sflag:s11], $0x400  }
0x1f9: {  	v8 =	vld [tilespmem:$0x1FFA0]  }
0x1fa: {  	v11 =	vld [tilespmem:$0x1FFB0]  }
0x1fb: {  	v12 =	vld [tilespmem:$0x1FFC0];
	_ =	sdelay $0x1  }
0x1fc: {  	v0 =	vld [tilespmem:$0x1FF90];
	_ =	sdelay $0x1  }
0x1fd: {  	[sflag:s11] =	ssyncset.done $0x0  }
0x1fe: {  	[sflag:s11] =	ssyncadd.s32 $0xFFFFFC00  }
0x1ff: {  	v8 =	vld.idx.msk [tilespmem:v8+s16+$0x0], $0xffff  }
0x200: {  	v11 =	vld.idx.msk [tilespmem:v11+s16+$0x0], $0xffff  }
0x201: {  	v12 =	vld.idx.msk [tilespmem:v12+s16+$0x0], $0xffff  }
0x202: {  	v15 =	vld [tilespmem:$0x1FFF0]  }
0x203: {  	v0 =	vld.idx.msk [tilespmem:v0+s16+$0x0], $0xffff;
	_ =	sdelay $0x1  }
0x204: {  	vm9 =	vle.f32 v36, v8;
	v8 =	vld [tilespmem:$0x1FFD0];
	vm10 =	vle.f32 v37, v11  }
0x205: {  	v11 =	vld [tilespmem:$0x1FFE0];
	vm11 =	vle.f32 v34, v12;
	v12 =	vsel vm10, $0x3, v14  }
0x206: {  	v16 =	vsel vm11, $0x3, v14;
	v15 =	vor.u32 v15, v12  }
0x207: {  	vm8 =	vle.f32 v35, v0;
	v17 =	vor.u32 v18, v16  }
0x208: {  	v0 =	vsel vm8, $0x3, v14  }
0x209: {  	v13 =	vsel vm9, $0x3, v14;
	v8 =	vor.u32 v8, v0  }
0x20a: {  	v11 =	vor.u32 v11, v13  }
0x20b: {  	v15 =	vld.idx.msk [tilespmem:v15+s16+$0x0], $0xffff  }
0x20c: {  	v17 =	vld.idx.msk [tilespmem:v17+s16+$0x0], $0xffff  }
0x20d: {  	v50 =	vsel vm8, $0x0, v9  }
0x20e: {  	v51 =	vsel vm8, $0x7, v10;
	v52 =	vsel vm9, $0x0, v9;
	v60 =	vsel vm9, $0x7, v10;
	v8 =	vld.idx.msk [tilespmem:v8+s16+$0x0], $0xffff  }
0x20f: {  	v61 =	vsel vm10, $0x0, v9;
	v62 =	vsel vm10, $0x7, v10;
	v63 =	vsel vm11, $0x0, v9;
	v11 =	vld.idx.msk [tilespmem:v11+s16+$0x0], $0xffff  }
0x210: {  	v57 =	vsel vm11, $0x7, v10;
	vm14 =	vle.f32 v37, v15;
	v15 =	vadd.s32 $0x1, v12  }
0x211: {  	vm15 =	vle.f32 v34, v17;
	v17 =	vadd.s32 $0x1, v16;
	v15 =	vsel vm14, v61, v15  }
0x212: {  	v12 =	vsel vm14, v12, v62;
	v17 =	vsel vm15, v63, v17;
	v16 =	vsel vm15, v16, v57  }
0x213: {  	v62 =	vadd.s32 $0xFFFFFFFF, v16;
	vm12 =	vle.f32 v35, v8;
	v8 =	vadd.s32 $0x1, v0  }
0x214: {  	vm13 =	vle.f32 v36, v11;
	v11 =	vadd.s32 $0x1, v13;
	v55 =	vadd.s32 v62, v17  }
0x215: {  	v8 =	vsel vm12, v50, v8;
	v0 =	vsel vm12, v0, v51;
	v11 =	vsel vm13, v52, v11  }
0x216: {  	v13 =	vsel vm13, v13, v60;
	v60 =	vadd.s32 $0xFFFFFFFF, v12;
	v55 =	vshrl.u32 v55, $0x1  }
0x217: {  	v51 =	vadd.s32 $0xFFFFFFFF, v0;
	v59 =	vadd.s32 $0xFFFFFFFF, v13;
	v52 =	vadd.s32 v60, v15  }
0x218: {  	v60 =	vor.u32 v21, v55;
	v58 =	vadd.s32 v51, v8;
	v52 =	vshrl.u32 v52, $0x1  }
0x219: {  	v51 =	vadd.s32 v59, v11;
	v50 =	vshrl.u32 v58, $0x1;
	v63 =	vor.u32 v20, v52  }
0x21a: {  	v51 =	vshrl.u32 v51, $0x1;
	v53 =	vor.u32 v3, v50  }
0x21b: {  	v61 =	vor.u32 v19, v51;
	_ =	sdelay $0x1  }
0x21c: {  	v57 =	vld.idx.msk [tilespmem:v60+s16+$0x0], $0xffff  }
0x21d: {  	v56 =	vld.idx.msk [tilespmem:v63+s16+$0x0], $0xffff  }
0x21e: {  	v53 =	vld.idx.msk [tilespmem:v53+s16+$0x0], $0xffff  }
0x21f: {  	v54 =	vld.idx.msk [tilespmem:v61+s16+$0x0], $0xffff;
	_ =	sdelay $0x1  }
0x220: {  	v62 =	vadd.s32 $0x1, v51  }
0x221: {  	v63 =	vadd.s32 $0x1, v52;
	v61 =	vadd.s32 $0x1, v50;
	vm7 =	vle.f32 v34, v57  }
0x222: {  	v16 =	vsel vm7, v55, v16;
	vm6 =	vle.f32 v37, v56;
	v56 =	vadd.s32 $0x1, v55  }
0x223: {  	v16 =	vadd.s32 $0xFFFFFFFF, v16;
	vm4 =	vle.f32 v35, v53;
	vm5 =	vle.f32 v36, v54  }
0x224: {  	v15 =	vsel vm6, v15, v63;
	v12 =	vsel vm6, v52, v12;
	v17 =	vsel vm7, v17, v56  }
0x225: {  	v8 =	vsel vm4, v8, v61;
	v0 =	vsel vm4, v50, v0;
	v11 =	vsel vm5, v11, v62  }
0x226: {  	v13 =	vsel vm5, v51, v13;
	v12 =	vadd.s32 $0xFFFFFFFF, v12;
	v62 =	vxor.u32 v16, v17  }
0x227: {  	v16 =	vor.u32 v16, v17;
	v0 =	vadd.s32 $0xFFFFFFFF, v0;
	v13 =	vadd.s32 $0xFFFFFFFF, v13  }
0x228: {  	v60 =	vxor.u32 v12, v15;
	v12 =	vor.u32 v12, v15;
	v57 =	vxor.u32 v0, v8  }
0x229: {  	v0 =	vor.u32 v0, v8;
	v58 =	vxor.u32 v13, v11;
	v50 =	vshrl.u32 v57, $0x1  }
0x22a: {  	v13 =	vor.u32 v13, v11;
	v0 =	vsub.s32 v0, v50;
	v50 =	vshrl.u32 v58, $0x1  }
0x22b: {  	v59 =	vadd.s32 v3, v0;
	v13 =	vsub.s32 v13, v50;
	v50 =	vshrl.u32 v60, $0x1  }
0x22c: {  	v61 =	vadd.s32 v19, v13;
	v12 =	vsub.s32 v12, v50;
	v50 =	vshrl.u32 v62, $0x1  }
0x22d: {  	v63 =	vadd.s32 v20, v12;
	v16 =	vsub.s32 v16, v50  }
0x22e: {  	v50 =	vadd.s32 v21, v16;
	_ =	sdelay $0x1  }
0x22f: {  	v51 =	vld.idx.msk [tilespmem:v59+s16+$0x0], $0xffff  }
0x230: {  	v52 =	vld.idx.msk [tilespmem:v61+s16+$0x0], $0xffff  }
0x231: {  	v53 =	vld.idx.msk [tilespmem:v63+s16+$0x0], $0xffff  }
0x232: {  	v50 =	vld.idx.msk [tilespmem:v50+s16+$0x0], $0xffff;
	_ =	sdelay $0x1  }
0x233: {  	v0 =	vadd.s32 $0x1, v0;
	v13 =	vadd.s32 $0x1, v13;
	vm8 =	vle.f32 v35, v51  }
0x234: {  	v12 =	vadd.s32 $0x1, v12;
	vm9 =	vle.f32 v36, v52;
	v0 =	vsel vm8, v8, v0  }
0x235: {  	vm10 =	vle.f32 v37, v53;
	v8 =	vsel vm9, v11, v13;
	v13 =	vshll.u32 v39, $0x4  }
0x236: {  	v11 =	vsel vm10, v15, v12;
	vm11 =	vle.f32 v34, v50;
	v12 =	vadd.s32 $0x1, v16  }
0x237: {  	v0 =	vadd.s32 v13, v0;
	v13 =	vshll.u32 v40, $0x4;
	v12 =	vsel vm11, v17, v12  }
0x238: {  	v0 =	vmin.u32 v0, $0x186A0;
	v8 =	vadd.s32 v13, v8;
	v13 =	vshll.u32 v41, $0x4  }
0x239: {  	[tilespmem:$0x2900] =	vst v0;
	v0 =	vmin.u32 v8, $0x186A0;
	v8 =	vadd.s32 v13, v11;
	v11 =	vshll.u32 v38, $0x4  }
0x23a: {  	[tilespmem:$0x2910] =	vst v0;
	v0 =	vmin.u32 v8, $0x186A0;
	v8 =	vadd.s32 v11, v12  }
0x23b: {  	[tilespmem:$0x2920] =	vst v0;
	v0 =	vmin.u32 v8, $0x186A0  }
0x23c: {  	[tilespmem:$0x2930] =	vst v0  }
0x23d: {  	_ =	swait.ge [sflag:s19], $0x400  }
0x23e: {  	[sflag:s19] =	ssyncset.done $0x0  }
0x23f: {  	[sflag:s19] =	ssyncadd.s32 $0xFFFFFC00  }
0x240: {  	v0 =	vld.idx.msk [tilespmem:v22+s16+$0x0], $0xffff  }
0x241: {  	v8 =	vld.idx.msk [tilespmem:v23+s16+$0x0], $0xffff  }
0x242: {  	v11 =	vld.idx.msk [tilespmem:v24+s16+$0x0], $0xffff  }
0x243: {  	v12 =	vld.idx.msk [tilespmem:v25+s16+$0x0], $0xffff;
	_ =	sdelay $0x1  }
0x244: {  	vm12 =	vle.f32 v43, v0  }
0x245: {  	vm13 =	vle.f32 v44, v8;
	v0 =	vsel vm12, $0x3, v14  }
0x246: {  	vm14 =	vle.f32 v45, v11;
	v13 =	vsel vm13, $0x3, v14;
	v8 =	vor.u32 v26, v0  }
0x247: {  	vm15 =	vle.f32 v42, v12;
	v12 =	vsel vm14, $0x3, v14;
	v11 =	vor.u32 v27, v13  }
0x248: {  	v16 =	vsel vm15, $0x3, v14;
	v15 =	vor.u32 v28, v12  }
0x249: {  	v17 =	vor.u32 v29, v16;
	_ =	sdelay $0x1  }
0x24a: {  	v8 =	vld.idx.msk [tilespmem:v8+s16+$0x0], $0xffff  }
0x24b: {  	v11 =	vld.idx.msk [tilespmem:v11+s16+$0x0], $0xffff  }
0x24c: {  	v15 =	vld.idx.msk [tilespmem:v15+s16+$0x0], $0xffff  }
0x24d: {  	v51 =	vsel vm12, $0x0, v9;
	v17 =	vld.idx.msk [tilespmem:v17+s16+$0x0], $0xffff  }
0x24e: {  	v52 =	vsel vm12, $0x7, v10;
	v53 =	vsel vm13, $0x0, v9;
	v54 =	vsel vm13, $0x7, v10  }
0x24f: {  	v55 =	vsel vm14, $0x0, v9;
	v56 =	vsel vm14, $0x7, v10;
	v57 =	vsel vm15, $0x0, v9  }
0x250: {  	v58 =	vsel vm15, $0x7, v10;
	vm4 =	vle.f32 v43, v8;
	v8 =	vadd.s32 $0x1, v0  }
0x251: {  	vm5 =	vle.f32 v44, v11;
	v11 =	vadd.s32 $0x1, v13;
	vm6 =	vle.f32 v45, v15  }
0x252: {  	v15 =	vadd.s32 $0x1, v12;
	vm7 =	vle.f32 v42, v17;
	v17 =	vadd.s32 $0x1, v16  }
0x253: {  	v8 =	vsel vm4, v51, v8;
	v0 =	vsel vm4, v0, v52;
	v11 =	vsel vm5, v53, v11  }
0x254: {  	v13 =	vsel vm5, v13, v54;
	v15 =	vsel vm6, v55, v15;
	v12 =	vsel vm6, v12, v56  }
0x255: {  	v17 =	vsel vm7, v57, v17;
	v16 =	vsel vm7, v16, v58;
	v59 =	vadd.s32 $0xFFFFFFFF, v0  }
0x256: {  	v60 =	vadd.s32 $0xFFFFFFFF, v13;
	v61 =	vadd.s32 $0xFFFFFFFF, v12;
	v34 =	vadd.s32 v59, v8  }
0x257: {  	v50 =	vadd.s32 $0xFFFFFFFF, v16;
	v35 =	vadd.s32 v60, v11;
	v34 =	vshrl.u32 v34, $0x1  }
0x258: {  	v36 =	vadd.s32 v61, v15;
	v35 =	vshrl.u32 v35, $0x1;
	v62 =	vor.u32 v30, v34  }
0x259: {  	v39 =	vadd.s32 v50, v17;
	v36 =	vshrl.u32 v36, $0x1;
	v63 =	vor.u32 v31, v35  }
0x25a: {  	v39 =	vshrl.u32 v39, $0x1;
	v51 =	vor.u32 v32, v36  }
0x25b: {  	v52 =	vor.u32 v33, v39;
	_ =	sdelay $0x1  }
0x25c: {  	v37 =	vld.idx.msk [tilespmem:v62+s16+$0x0], $0xffff  }
0x25d: {  	v38 =	vld.idx.msk [tilespmem:v63+s16+$0x0], $0xffff  }
0x25e: {  	v40 =	vld.idx.msk [tilespmem:v51+s16+$0x0], $0xffff  }
0x25f: {  	v41 =	vld.idx.msk [tilespmem:v52+s16+$0x0], $0xffff;
	_ =	sdelay $0x1  }
0x260: {  	v53 =	vadd.s32 $0x1, v34  }
0x261: {  	v54 =	vadd.s32 $0x1, v35;
	v55 =	vadd.s32 $0x1, v36;
	v56 =	vadd.s32 $0x1, v39  }
0x262: {  	vm8 =	vle.f32 v43, v37;
	vm9 =	vle.f32 v44, v38;
	vm10 =	vle.f32 v45, v40  }
0x263: {  	vm11 =	vle.f32 v42, v41;
	v8 =	vsel vm8, v8, v53;
	v0 =	vsel vm8, v34, v0  }
0x264: {  	v11 =	vsel vm9, v11, v54;
	v13 =	vsel vm9, v35, v13;
	v15 =	vsel vm10, v15, v55  }
0x265: {  	v12 =	vsel vm10, v36, v12;
	v17 =	vsel vm11, v17, v56;
	v16 =	vsel vm11, v39, v16  }
0x266: {  	v0 =	vadd.s32 $0xFFFFFFFF, v0;
	v13 =	vadd.s32 $0xFFFFFFFF, v13;
	v12 =	vadd.s32 $0xFFFFFFFF, v12  }
0x267: {  	v16 =	vadd.s32 $0xFFFFFFFF, v16;
	v57 =	vxor.u32 v0, v8;
	v0 =	vor.u32 v0, v8  }
0x268: {  	v58 =	vxor.u32 v13, v11;
	v13 =	vor.u32 v13, v11;
	v60 =	vxor.u32 v12, v15  }
0x269: {  	v12 =	vor.u32 v12, v15;
	v62 =	vxor.u32 v16, v17;
	v34 =	vshrl.u32 v57, $0x1  }
0x26a: {  	v16 =	vor.u32 v16, v17;
	v0 =	vsub.s32 v0, v34;
	v34 =	vshrl.u32 v58, $0x1  }
0x26b: {  	v59 =	vadd.s32 v30, v0;
	v13 =	vsub.s32 v13, v34;
	v34 =	vshrl.u32 v60, $0x1  }
0x26c: {  	v61 =	vadd.s32 v31, v13;
	v12 =	vsub.s32 v12, v34;
	v34 =	vshrl.u32 v62, $0x1  }
0x26d: {  	v63 =	vadd.s32 v32, v12;
	v16 =	vsub.s32 v16, v34  }
0x26e: {  	v34 =	vadd.s32 v33, v16;
	_ =	sdelay $0x1  }
0x26f: {  	v35 =	vld.idx.msk [tilespmem:v59+s16+$0x0], $0xffff  }
0x270: {  	v36 =	vld.idx.msk [tilespmem:v61+s16+$0x0], $0xffff  }
0x271: {  	v37 =	vld.idx.msk [tilespmem:v63+s16+$0x0], $0xffff  }
0x272: {  	v34 =	vld.idx.msk [tilespmem:v34+s16+$0x0], $0xffff;
	_ =	sdelay $0x1  }
0x273: {  	v0 =	vadd.s32 $0x1, v0;
	v13 =	vadd.s32 $0x1, v13;
	vm12 =	vle.f32 v43, v35  }
0x274: {  	v12 =	vadd.s32 $0x1, v12;
	vm13 =	vle.f32 v44, v36;
	v0 =	vsel vm12, v8, v0  }
0x275: {  	vm14 =	vle.f32 v45, v37;
	v8 =	vsel vm13, v11, v13;
	v13 =	vshll.u32 v47, $0x4  }
0x276: {  	v11 =	vsel vm14, v15, v12;
	vm15 =	vle.f32 v42, v34;
	v12 =	vadd.s32 $0x1, v16  }
0x277: {  	v0 =	vadd.s32 v13, v0;
	v13 =	vshll.u32 v48, $0x4;
	v12 =	vsel vm15, v17, v12  }
0x278: {  	v0 =	vmin.u32 v0, $0x186A0;
	v8 =	vadd.s32 v13, v8;
	v13 =	vshll.u32 v49, $0x4  }
0x279: {  	[tilespmem:$0x2940] =	vst v0;
	v0 =	vmin.u32 v8, $0x186A0;
	v8 =	vadd.s32 v13, v11;
	v11 =	vshll.u32 v46, $0x4  }
0x27a: {  	[tilespmem:$0x2950] =	vst v0;
	v0 =	vmin.u32 v8, $0x186A0;
	v8 =	vadd.s32 v11, v12  }
0x27b: {  	p0 =	sne.s32 s8, $0x1;
	[tilespmem:$0x2960] =	vst v0;
	v0 =	vmin.u32 v8, $0x186A0  }
.Ltmp0:
0x27c: {  	[tilespmem:$0x2970] =	vst v0;
	(pc) =	sbr.rel @p0 .LBB2_1-.Ltmp0, $4  }
0x27d: {  	[hbm4b:s7+s1] =	stream.linear.scatter [tilespmem:s20], [sflag:$0x3], $0x80, $0x38;
	[tilespmem:$0x2980] =	vst v63  }
0x27e: {  	_ =	swait.ge [sflag:s21], $0x80  }
0x27f: {  	[sflag:s21] =	ssyncset.done $0x0  }
0x280: {  	s8 =	sadd.s32 $0xFFFFFFFF, s8;
	[sflag:s21] =	ssyncadd.s32 $0xFFFFFF80  }
0x281: {  	_ =	sfence.sel $0x180000  }
0x282: {  	[bflag:$0x0] =	sbarrier.arrive $0xFFFF  }
0x283: {  	p0 =	sne.s32 s3, $0x0;
	_ =	strace $0x90000047  }
0x284: {  	s0 =	sadd.s32 @!p0 $0x100000, s0;
	[bflag:$0x2] =	sbarrier.arrive $0xFFFF  }
0x285: {  	[sflag:s0] =	ssyncadd.tile.s32 @!p0 $0x1;
	_ =	shalt  }
.Lfunc_end2:
_tile_overlayer_lowered:
.L_overlay_start_2:
0x286: {  	(tag) =	ssettag $0x2  }
0x287: {  	s0 =	rddreg [dreg:$0x0];
	s2 =	stileid.u32  }
0x288: {  	s1 =	rddreg [dreg:$0x1];
	p0 =	sne.s32 s2, $0x0  }
0x289: {  	s3 =	rddreg [dreg:$0x2];
	[bflag:$0x3] =	sbarrier.arrive $0xFFFF;
	s2 =	simm.s32 @!p0 $0x1C03  }
0x28a: {  	[timem:s3], [sflag:s2] =	dma.local @!p0 [hbm:s0], s1  }
0x28b: {  	s0 =	simm.s32 @!p0 $0x3  }
0x28c: {  	_ =	swait.ge @!p0 [sflag:s0], s1  }
0x28d: {  	s1 =	ssub.s32 @!p0 $0x0, s1;
	[sflag:s0] =	ssyncset.done @!p0 $0x0  }
0x28e: {  	[sflag:s0] =	ssyncadd.s32 @!p0 s1  }
0x28f: {  	[bflag:$0x3] =	sbarrier.arrive $0xFFFF  }
0x290: {  	_ =	shalt  }

</sc_bundles>
